<compile_context>
chip_gen: v7x
topology: tpu7x:2x2x1
jax: 0.10.2.dev20260603
libtpu: 0.0.44.dev20260713+nightly
codegen_flags: <defaults>
</compile_context>

<pallas_src>
import functools

import jax
import jax.numpy as jnp
from jax import lax
from jax.experimental import pallas as pl
from jax.experimental.pallas import tpu as pltpu
from jax.experimental.pallas import tpu_sc as plsc

_NC = 2
_NS = 16
_NW = _NC * _NS
_L = 16

_H = 64
_KH = _H // _L
_EPS = 1e-12


def _allsum(v):
    for d in (1, 2, 4, 8):
        perm = jnp.arange(_L, dtype=jnp.int32) ^ d
        v = v + v.at[perm].get(mode="promise_in_bounds", unique_indices=True)
    return v


def _rsqrt(x):
    i = lax.bitcast_convert_type(x, jnp.int32)
    i = jnp.int32(0x5F3759DF) - (i >> 1)
    y = lax.bitcast_convert_type(i, jnp.float32)
    xh = 0.5 * x
    for _ in range(2):
        y = y * (1.5 - xh * y * y)
    return y


def _make_sc_kernel(n_rows, seq, chunks_per_worker):
    rows_per_worker = n_rows // _NW
    mesh = plsc.VectorSubcoreMesh(core_axis_name="c", subcore_axis_name="s")

    splits = (48, 56, 48, 48)
    offs = (0, 48, 104, 152)
    half = chunks_per_worker // 2

    @functools.partial(
        pl.kernel,
        mesh=mesh,
        out_type=jax.ShapeDtypeStruct((n_rows // 2, 2 * _H), jnp.float32),
        compiler_params=pltpu.CompilerParams(use_tc_tiling_on_sc=False),
        scratch_types=[
            pltpu.VMEM((rows_per_worker,), jnp.int32),
            pltpu.VMEM((seq, _H), jnp.float32),
            pltpu.VMEM((seq, _H), jnp.float32),
            pltpu.VMEM((seq // 2, 2 * _H), jnp.float32),
            pltpu.VMEM((seq // 2, 2 * _H), jnp.float32),
            pltpu.VMEM((seq, _H), jnp.float32),
            pltpu.VMEM((_H,), jnp.float32),
            pltpu.VMEM((_H,), jnp.float32),
            pltpu.SemaphoreType.DMA,
            pltpu.SemaphoreType.DMA,
            pltpu.SemaphoreType.DMA,
            pltpu.SemaphoreType.DMA,
        ],
    )
    def k(ids_hbm, tab_hbm, pos_hbm, g_hbm, b_hbm, out_hbm,
          ids_v, in0, in1, ob0, ob1, pos_v, g_v, b_v,
          gsem0, gsem1, osem0, osem1):
        wid = lax.axis_index("s") * _NC + lax.axis_index("c")
        wbase = wid * rows_per_worker

        pltpu.sync_copy(ids_hbm.at[pl.ds(wbase, rows_per_worker)], ids_v)
        pltpu.sync_copy(pos_hbm, pos_v)
        pltpu.sync_copy(g_hbm, g_v)
        pltpu.sync_copy(b_hbm, b_v)

        g = [g_v[pl.ds(k * _L, _L)] for k in range(_KH)]
        b = [b_v[pl.ds(k * _L, _L)] for k in range(_KH)]

        def gather_descs(c, buf, sem):
            off = c * seq
            return [pltpu.make_async_copy(
                        tab_hbm.at[ids_v.at[pl.ds(off + o, n)]],
                        buf.at[pl.ds(o, n)], sem)
                    for o, n in zip(offs, splits)]

        def fire_gather(c, buf, sem):
            for d in gather_descs(c, buf, sem):
                d.start()

        def wait_gather(c, buf, sem):
            for d in gather_descs(c, buf, sem):
                d.wait()

        def out_desc(c, buf, sem):
            return pltpu.make_async_copy(
                buf, out_hbm.at[pl.ds((wbase + c * seq) // 2, seq // 2)], sem)

        unroll = 4

        def compute_chunk(src, dst):
            def _row(r, rh, ph):
                y = [src[r, pl.ds(k * _L, _L)] + pos_v[r, pl.ds(k * _L, _L)]
                     for k in range(_KH)]
                t = (y[0] + y[1]) + (y[2] + y[3])
                u = (y[0] * y[0] + y[1] * y[1]) + (y[2] * y[2] + y[3] * y[3])
                mean = _allsum(t) * (1.0 / _H)
                msq = _allsum(u) * (1.0 / _H)
                var = jnp.maximum(msq - mean * mean, 0.0)
                rstd = _rsqrt(var + _EPS)
                a = [rstd * gk for gk in g]
                for k in range(_KH):
                    dst[rh, pl.ds(ph + k * _L, _L)] = (
                        y[k] * a[k] - (mean * a[k] - b[k]))

            def _grp(gi, carry):
                for j in range(unroll):
                    _row(gi * unroll + j, gi * (unroll // 2) + j // 2,
                         (j & 1) * _H)
                return carry

            lax.fori_loop(0, seq // unroll, _grp, 0)

        fire_gather(0, in0, gsem0)

        def loop_body(i, carry):
            c0 = 2 * i
            c1 = c0 + 1

            fire_gather(c1, in1, gsem1)

            wait_gather(c0, in0, gsem0)

            @pl.when(i > 0)
            def _():
                out_desc(c0 - 2, ob0, osem0).wait()

            compute_chunk(in0, ob0)
            out_desc(c0, ob0, osem0).start()

            @pl.when(i < half - 1)
            def _():
                fire_gather(c0 + 2, in0, gsem0)

            wait_gather(c1, in1, gsem1)

            @pl.when(i > 0)
            def _():
                out_desc(c1 - 2, ob1, osem1).wait()

            compute_chunk(in1, ob1)
            out_desc(c1, ob1, osem1).start()

            return carry

        lax.fori_loop(0, half, loop_body, 0)
        out_desc(chunks_per_worker - 2, ob0, osem0).wait()
        out_desc(chunks_per_worker - 1, ob1, osem1).wait()

    return k


def kernel(input_ids, item_table, pos_table, ln_gamma, ln_beta):
    batch, seq = input_ids.shape
    n_rows = batch * seq
    ids = input_ids.reshape(-1).astype(jnp.int32)
    chunks_per_worker = n_rows // (_NW * seq)
    k = _make_sc_kernel(n_rows, seq, chunks_per_worker)
    out = k(ids, item_table, pos_table, ln_gamma, ln_beta)
    return out.reshape(batch, seq, _H)

# --- scband reference (transcript-rebuilt; emitter-appended) ---
"""Pipeline reference for scband-bert-embeddings-1331439862234 (READ-ONLY COPY).

The authoritative reference and input builder live on the scoring server;
editing this copy changes nothing except your own understanding.
"""

import jax, jax.numpy as jnp
import numpy as np

NUM_ITEMS = 100000
HIDDEN = 64
MAX_LEN = 200
PAD_TOKEN = 0
BATCH = 4096
SEQ = 200
EPS = 1e-12


def setup_inputs(seed: int = 0) -> dict:
    key = jax.random.key(seed)
    k1, k2, k3, k4 = jax.random.split(key, 4)
    input_ids = jax.random.randint(k1, (BATCH, SEQ), 0, NUM_ITEMS, dtype=jnp.int64 if jax.config.jax_enable_x64 else jnp.int32)
    item_table = jax.random.normal(k2, (NUM_ITEMS, HIDDEN), dtype=jnp.float32) * 0.02
    # padding_idx row initialized to zeros (torch nn.Embedding padding_idx semantics)
    item_table = item_table.at[PAD_TOKEN].set(0.0)
    pos_table = jax.random.normal(k3, (MAX_LEN, HIDDEN), dtype=jnp.float32) * 0.02
    ln_gamma = jnp.ones((HIDDEN,), dtype=jnp.float32)
    ln_beta = jnp.zeros((HIDDEN,), dtype=jnp.float32)
    return {
        "input_ids": input_ids,
        "item_table": item_table,
        "pos_table": pos_table,
        "ln_gamma": ln_gamma,
        "ln_beta": ln_beta,
    }


def _layer_norm(x, gamma, beta, eps=EPS):
    mean = jnp.mean(x, axis=-1, keepdims=True)
    var = jnp.mean(jnp.square(x - mean), axis=-1, keepdims=True)
    xhat = (x - mean) / jnp.sqrt(var + eps)
    return xhat * gamma + beta


def reference(input_ids, item_table, pos_table, ln_gamma, ln_beta):
    seq_length = input_ids.shape[1]
    position_ids = jnp.arange(seq_length)  # position_ids[:, :seq_length]
    item_embeddings = jnp.take(item_table, input_ids, axis=0)  # [B, S, H]
    position_embeddings = jnp.take(pos_table, position_ids, axis=0)  # [S, H]
    embeddings = item_embeddings + position_embeddings[None, :, :]
    embeddings = _layer_norm(embeddings, ln_gamma, ln_beta)
    # dropout is identity in eval / p=0.0
    return embeddings

if __name__ == "__main__":
    import jax
    _d = setup_inputs()
    print(jax.jit(kernel)(*tuple(_d.values())))

</pallas_src>

<mosaic_0001>
#map = affine_map<(d0, d1) -> (0)>
#map1 = affine_map<(d0, d1) -> (0, 0)>
module attributes {stable_mosaic.version = 14 : i64} {
  func.func @k(%arg0: i32, %arg1: i32, %arg2: memref<819200xi32, #tpu.memory_space<hbm>>, %arg3: memref<100000x64xf32, #tpu.memory_space<hbm>>, %arg4: memref<200x64xf32, #tpu.memory_space<hbm>>, %arg5: memref<64xf32, #tpu.memory_space<hbm>>, %arg6: memref<64xf32, #tpu.memory_space<hbm>>, %arg7: memref<409600x128xf32, #tpu.memory_space<hbm>>, %arg8: memref<25600xi32, #tpu.memory_space<vmem>>, %arg9: memref<200x64xf32, #tpu.memory_space<vmem>>, %arg10: memref<200x64xf32, #tpu.memory_space<vmem>>, %arg11: memref<100x128xf32, #tpu.memory_space<vmem>>, %arg12: memref<100x128xf32, #tpu.memory_space<vmem>>, %arg13: memref<200x64xf32, #tpu.memory_space<vmem>>, %arg14: memref<64xf32, #tpu.memory_space<vmem>>, %arg15: memref<64xf32, #tpu.memory_space<vmem>>, %arg16: memref<!tpu.dma_semaphore, #tpu.memory_space<semaphore_mem>>, %arg17: memref<!tpu.dma_semaphore, #tpu.memory_space<semaphore_mem>>, %arg18: memref<!tpu.dma_semaphore, #tpu.memory_space<semaphore_mem>>, %arg19: memref<!tpu.dma_semaphore, #tpu.memory_space<semaphore_mem>>) attributes {dimension_semantics = [#tpu.dimension_semantics<core_parallel>, #tpu.dimension_semantics<subcore_parallel>], iteration_bounds = array<i64: 2, 16>, scalar_prefetch = 0 : i64, scratch_operands = 12 : i64, tpu.core_type = #tpu.core_type<sc_vector_subcore>, window_params = [{transform_indices = #map}, {transform_indices = #map1}, {transform_indices = #map1}, {transform_indices = #map}, {transform_indices = #map}, {transform_indices = #map1}]} {
    %mul3A = arith.constant 2 : i32
    %mul3A_0 = arith.muli %arg1, %mul3A : i32
    %add3A = arith.addi %mul3A_0, %arg0 : i32
    %mul3A_1 = arith.constant 25600 : i32
    %mul3A_2 = arith.muli %add3A, %mul3A_1 : i32
    "tpu.region"() ({
      %run_scoped3A = tpu.sem_alloc : memref<!tpu.dma_semaphore, #tpu.memory_space<semaphore_mem>>
      %dma_start3A_113 = tpu.memref_slice %arg2[%mul3A_2] : memref<819200xi32, #tpu.memory_space<hbm>> -> memref<25600xi32, #tpu.memory_space<hbm>>
      %dma_start3A_114 = tpu.memref_slice %arg2[%mul3A_2] : memref<819200xi32, #tpu.memory_space<hbm>> -> memref<25600xi32, #tpu.memory_space<hbm>>
      tpu.enqueue_dma source(%dma_start3A_114 : memref<25600xi32, #tpu.memory_space<hbm>>) target(%arg8 : memref<25600xi32, #tpu.memory_space<vmem>>) target_semaphore(%run_scoped3A : memref<!tpu.dma_semaphore, #tpu.memory_space<semaphore_mem>>)
      %dma_wait3A_115 = tpu.memref_slice %arg2[%mul3A_2] : memref<819200xi32, #tpu.memory_space<hbm>> -> memref<25600xi32, #tpu.memory_space<hbm>>
      %dma_wait3A_116 = tpu.memref_slice %arg2[%mul3A_2] : memref<819200xi32, #tpu.memory_space<hbm>> -> memref<25600xi32, #tpu.memory_space<hbm>>
      tpu.wait_dma2 semaphore(%run_scoped3A : memref<!tpu.dma_semaphore, #tpu.memory_space<semaphore_mem>>) src(%dma_wait3A_116 : memref<25600xi32, #tpu.memory_space<hbm>>) dst(%arg8 : memref<25600xi32, #tpu.memory_space<vmem>>)
      tpu.yield
    }) : () -> ()
    "tpu.region"() ({
      %run_scoped3A = tpu.sem_alloc : memref<!tpu.dma_semaphore, #tpu.memory_space<semaphore_mem>>
      tpu.enqueue_dma source(%arg4 : memref<200x64xf32, #tpu.memory_space<hbm>>) target(%arg13 : memref<200x64xf32, #tpu.memory_space<vmem>>) target_semaphore(%run_scoped3A : memref<!tpu.dma_semaphore, #tpu.memory_space<semaphore_mem>>)
      tpu.wait_dma2 semaphore(%run_scoped3A : memref<!tpu.dma_semaphore, #tpu.memory_space<semaphore_mem>>) src(%arg4 : memref<200x64xf32, #tpu.memory_space<hbm>>) dst(%arg13 : memref<200x64xf32, #tpu.memory_space<vmem>>)
      tpu.yield
    }) : () -> ()
    "tpu.region"() ({
      %run_scoped3A = tpu.sem_alloc : memref<!tpu.dma_semaphore, #tpu.memory_space<semaphore_mem>>
      tpu.enqueue_dma source(%arg5 : memref<64xf32, #tpu.memory_space<hbm>>) target(%arg14 : memref<64xf32, #tpu.memory_space<vmem>>) target_semaphore(%run_scoped3A : memref<!tpu.dma_semaphore, #tpu.memory_space<semaphore_mem>>)
      tpu.wait_dma2 semaphore(%run_scoped3A : memref<!tpu.dma_semaphore, #tpu.memory_space<semaphore_mem>>) src(%arg5 : memref<64xf32, #tpu.memory_space<hbm>>) dst(%arg14 : memref<64xf32, #tpu.memory_space<vmem>>)
      tpu.yield
    }) : () -> ()
    "tpu.region"() ({
      %run_scoped3A = tpu.sem_alloc : memref<!tpu.dma_semaphore, #tpu.memory_space<semaphore_mem>>
      tpu.enqueue_dma source(%arg6 : memref<64xf32, #tpu.memory_space<hbm>>) target(%arg15 : memref<64xf32, #tpu.memory_space<vmem>>) target_semaphore(%run_scoped3A : memref<!tpu.dma_semaphore, #tpu.memory_space<semaphore_mem>>)
      tpu.wait_dma2 semaphore(%run_scoped3A : memref<!tpu.dma_semaphore, #tpu.memory_space<semaphore_mem>>) src(%arg6 : memref<64xf32, #tpu.memory_space<hbm>>) dst(%arg15 : memref<64xf32, #tpu.memory_space<vmem>>)
      tpu.yield
    }) : () -> ()
    %get3A = arith.constant 0 : index
    %get3A_3 = tpu.vector_load %arg14[%get3A] {strides = array<i32>} : memref<64xf32, #tpu.memory_space<vmem>>, vector<16xf32>,
    %get3A_4 = vector.shape_cast %get3A_3 : vector<16xf32> to vector<16xf32>
    %get3A_5 = arith.constant 16 : index
    %get3A_6 = tpu.vector_load %arg14[%get3A_5] {strides = array<i32>} : memref<64xf32, #tpu.memory_space<vmem>>, vector<16xf32>,
    %get3A_7 = vector.shape_cast %get3A_6 : vector<16xf32> to vector<16xf32>
    %get3A_8 = arith.constant 32 : index
    %get3A_9 = tpu.vector_load %arg14[%get3A_8] {strides = array<i32>} : memref<64xf32, #tpu.memory_space<vmem>>, vector<16xf32>,
    %get3A_10 = vector.shape_cast %get3A_9 : vector<16xf32> to vector<16xf32>
    %get3A_11 = arith.constant 48 : index
    %get3A_12 = tpu.vector_load %arg14[%get3A_11] {strides = array<i32>} : memref<64xf32, #tpu.memory_space<vmem>>, vector<16xf32>,
    %get3A_13 = vector.shape_cast %get3A_12 : vector<16xf32> to vector<16xf32>
    %get3A_14 = arith.constant 0 : index
    %get3A_15 = tpu.vector_load %arg15[%get3A_14] {strides = array<i32>} : memref<64xf32, #tpu.memory_space<vmem>>, vector<16xf32>,
    %get3A_16 = vector.shape_cast %get3A_15 : vector<16xf32> to vector<16xf32>
    %get3A_17 = arith.constant 16 : index
    %get3A_18 = tpu.vector_load %arg15[%get3A_17] {strides = array<i32>} : memref<64xf32, #tpu.memory_space<vmem>>, vector<16xf32>,
    %get3A_19 = vector.shape_cast %get3A_18 : vector<16xf32> to vector<16xf32>
    %get3A_20 = arith.constant 32 : index
    %get3A_21 = tpu.vector_load %arg15[%get3A_20] {strides = array<i32>} : memref<64xf32, #tpu.memory_space<vmem>>, vector<16xf32>,
    %get3A_22 = vector.shape_cast %get3A_21 : vector<16xf32> to vector<16xf32>
    %get3A_23 = arith.constant 48 : index
    %get3A_24 = tpu.vector_load %arg15[%get3A_23] {strides = array<i32>} : memref<64xf32, #tpu.memory_space<vmem>>, vector<16xf32>,
    %get3A_25 = vector.shape_cast %get3A_24 : vector<16xf32> to vector<16xf32>
    %dma_start3A = arith.constant 0 : i32
    %dma_start3A_26 = arith.constant 0 : i32
    %dma_start3A_27 = tpu.memref_slice %arg9[%dma_start3A, %dma_start3A_26] : memref<200x64xf32, #tpu.memory_space<vmem>> -> memref<48x64xf32, #tpu.memory_space<vmem>>
    %dma_start3A_28 = arith.constant 0 : i32
    %dma_start3A_29 = tpu.memref_slice %arg8[%dma_start3A_28] : memref<25600xi32, #tpu.memory_space<vmem>> -> memref<48xi32, #tpu.memory_space<vmem>>
    %dma_start3A_30 = arith.constant 0 : i32
    %dma_start3A_31 = arith.constant 0 : i32
    %dma_start3A_32 = tpu.memref_slice %arg3[%dma_start3A_30, %dma_start3A_31] : memref<100000x64xf32, #tpu.memory_space<hbm>> -> memref<100000x64xf32, #tpu.memory_space<hbm>>
    tpu.enqueue_indirect_dma source(%dma_start3A_32 : memref<100000x64xf32, #tpu.memory_space<hbm>>) target(%dma_start3A_27 : memref<48x64xf32, #tpu.memory_space<vmem>>) offsets(%dma_start3A_29 : memref<48xi32, #tpu.memory_space<vmem>>) semaphore(%arg16 : memref<!tpu.dma_semaphore, #tpu.memory_space<semaphore_mem>>)
    %dma_start3A_33 = arith.constant 48 : i32
    %dma_start3A_34 = arith.constant 0 : i32
    %dma_start3A_35 = tpu.memref_slice %arg9[%dma_start3A_33, %dma_start3A_34] : memref<200x64xf32, #tpu.memory_space<vmem>> -> memref<56x64xf32, #tpu.memory_space<vmem>>
    %dma_start3A_36 = arith.constant 48 : i32
    %dma_start3A_37 = tpu.memref_slice %arg8[%dma_start3A_36] : memref<25600xi32, #tpu.memory_space<vmem>> -> memref<56xi32, #tpu.memory_space<vmem>>
    %dma_start3A_38 = arith.constant 0 : i32
    %dma_start3A_39 = arith.constant 0 : i32
    %dma_start3A_40 = tpu.memref_slice %arg3[%dma_start3A_38, %dma_start3A_39] : memref<100000x64xf32, #tpu.memory_space<hbm>> -> memref<100000x64xf32, #tpu.memory_space<hbm>>
    tpu.enqueue_indirect_dma source(%dma_start3A_40 : memref<100000x64xf32, #tpu.memory_space<hbm>>) target(%dma_start3A_35 : memref<56x64xf32, #tpu.memory_space<vmem>>) offsets(%dma_start3A_37 : memref<56xi32, #tpu.memory_space<vmem>>) semaphore(%arg16 : memref<!tpu.dma_semaphore, #tpu.memory_space<semaphore_mem>>)
    %dma_start3A_41 = arith.constant 104 : i32
    %dma_start3A_42 = arith.constant 0 : i32
    %dma_start3A_43 = tpu.memref_slice %arg9[%dma_start3A_41, %dma_start3A_42] : memref<200x64xf32, #tpu.memory_space<vmem>> -> memref<48x64xf32, #tpu.memory_space<vmem>>
    %dma_start3A_44 = arith.constant 104 : i32
    %dma_start3A_45 = tpu.memref_slice %arg8[%dma_start3A_44] : memref<25600xi32, #tpu.memory_space<vmem>> -> memref<48xi32, #tpu.memory_space<vmem>>
    %dma_start3A_46 = arith.constant 0 : i32
    %dma_start3A_47 = arith.constant 0 : i32
    %dma_start3A_48 = tpu.memref_slice %arg3[%dma_start3A_46, %dma_start3A_47] : memref<100000x64xf32, #tpu.memory_space<hbm>> -> memref<100000x64xf32, #tpu.memory_space<hbm>>
    tpu.enqueue_indirect_dma source(%dma_start3A_48 : memref<100000x64xf32, #tpu.memory_space<hbm>>) target(%dma_start3A_43 : memref<48x64xf32, #tpu.memory_space<vmem>>) offsets(%dma_start3A_45 : memref<48xi32, #tpu.memory_space<vmem>>) semaphore(%arg16 : memref<!tpu.dma_semaphore, #tpu.memory_space<semaphore_mem>>)
    %dma_start3A_49 = arith.constant 152 : i32
    %dma_start3A_50 = arith.constant 0 : i32
    %dma_start3A_51 = tpu.memref_slice %arg9[%dma_start3A_49, %dma_start3A_50] : memref<200x64xf32, #tpu.memory_space<vmem>> -> memref<48x64xf32, #tpu.memory_space<vmem>>
    %dma_start3A_52 = arith.constant 152 : i32
    %dma_start3A_53 = tpu.memref_slice %arg8[%dma_start3A_52] : memref<25600xi32, #tpu.memory_space<vmem>> -> memref<48xi32, #tpu.memory_space<vmem>>
    %dma_start3A_54 = arith.constant 0 : i32
    %dma_start3A_55 = arith.constant 0 : i32
    %dma_start3A_56 = tpu.memref_slice %arg3[%dma_start3A_54, %dma_start3A_55] : memref<100000x64xf32, #tpu.memory_space<hbm>> -> memref<100000x64xf32, #tpu.memory_space<hbm>>
    tpu.enqueue_indirect_dma source(%dma_start3A_56 : memref<100000x64xf32, #tpu.memory_space<hbm>>) target(%dma_start3A_51 : memref<48x64xf32, #tpu.memory_space<vmem>>) offsets(%dma_start3A_53 : memref<48xi32, #tpu.memory_space<vmem>>) semaphore(%arg16 : memref<!tpu.dma_semaphore, #tpu.memory_space<semaphore_mem>>)
    %scan3A = arith.constant 0 : i32
    %scan3A_57 = arith.constant 0 : i32
    %scan3A_58 = arith.constant 64 : i32
    %scan3A_59 = arith.addi %scan3A_57, %scan3A_58 : i32
    %scan3A_60 = arith.constant 1 : i32
    scf.for %scan3A_113 = %scan3A_57 to %scan3A_59 step %scan3A_60  : i32 {
      %mul3A_114 = arith.constant 2 : i32
      %mul3A_115 = arith.muli %mul3A_114, %scan3A_113 : i32
      %add3A_116 = arith.constant 1 : i32
      %add3A_117 = arith.addi %mul3A_115, %add3A_116 : i32
      %mul3A_118 = arith.constant 200 : i32
      %mul3A_119 = arith.muli %add3A_117, %mul3A_118 : i32
      %add3A_120 = arith.constant 0 : i32
      %add3A_121 = arith.addi %mul3A_119, %add3A_120 : i32
      %add3A_122 = arith.constant 48 : i32
      %add3A_123 = arith.addi %mul3A_119, %add3A_122 : i32
      %add3A_124 = arith.constant 104 : i32
      %add3A_125 = arith.addi %mul3A_119, %add3A_124 : i32
      %add3A_126 = arith.constant 152 : i32
      %add3A_127 = arith.addi %mul3A_119, %add3A_126 : i32
      %dma_start3A_128 = arith.constant 0 : i32
      %dma_start3A_129 = arith.constant 0 : i32
      %dma_start3A_130 = tpu.memref_slice %arg10[%dma_start3A_128, %dma_start3A_129] : memref<200x64xf32, #tpu.memory_space<vmem>> -> memref<48x64xf32, #tpu.memory_space<vmem>>
      %dma_start3A_131 = tpu.memref_slice %arg8[%add3A_121] : memref<25600xi32, #tpu.memory_space<vmem>> -> memref<48xi32, #tpu.memory_space<vmem>>
      %dma_start3A_132 = arith.constant 0 : i32
      %dma_start3A_133 = arith.constant 0 : i32
      %dma_start3A_134 = tpu.memref_slice %arg3[%dma_start3A_132, %dma_start3A_133] : memref<100000x64xf32, #tpu.memory_space<hbm>> -> memref<100000x64xf32, #tpu.memory_space<hbm>>
      tpu.enqueue_indirect_dma source(%dma_start3A_134 : memref<100000x64xf32, #tpu.memory_space<hbm>>) target(%dma_start3A_130 : memref<48x64xf32, #tpu.memory_space<vmem>>) offsets(%dma_start3A_131 : memref<48xi32, #tpu.memory_space<vmem>>) semaphore(%arg17 : memref<!tpu.dma_semaphore, #tpu.memory_space<semaphore_mem>>)
      %dma_start3A_135 = arith.constant 48 : i32
      %dma_start3A_136 = arith.constant 0 : i32
      %dma_start3A_137 = tpu.memref_slice %arg10[%dma_start3A_135, %dma_start3A_136] : memref<200x64xf32, #tpu.memory_space<vmem>> -> memref<56x64xf32, #tpu.memory_space<vmem>>
      %dma_start3A_138 = tpu.memref_slice %arg8[%add3A_123] : memref<25600xi32, #tpu.memory_space<vmem>> -> memref<56xi32, #tpu.memory_space<vmem>>
      %dma_start3A_139 = arith.constant 0 : i32
      %dma_start3A_140 = arith.constant 0 : i32
      %dma_start3A_141 = tpu.memref_slice %arg3[%dma_start3A_139, %dma_start3A_140] : memref<100000x64xf32, #tpu.memory_space<hbm>> -> memref<100000x64xf32, #tpu.memory_space<hbm>>
      tpu.enqueue_indirect_dma source(%dma_start3A_141 : memref<100000x64xf32, #tpu.memory_space<hbm>>) target(%dma_start3A_137 : memref<56x64xf32, #tpu.memory_space<vmem>>) offsets(%dma_start3A_138 : memref<56xi32, #tpu.memory_space<vmem>>) semaphore(%arg17 : memref<!tpu.dma_semaphore, #tpu.memory_space<semaphore_mem>>)
      %dma_start3A_142 = arith.constant 104 : i32
      %dma_start3A_143 = arith.constant 0 : i32
      %dma_start3A_144 = tpu.memref_slice %arg10[%dma_start3A_142, %dma_start3A_143] : memref<200x64xf32, #tpu.memory_space<vmem>> -> memref<48x64xf32, #tpu.memory_space<vmem>>
      %dma_start3A_145 = tpu.memref_slice %arg8[%add3A_125] : memref<25600xi32, #tpu.memory_space<vmem>> -> memref<48xi32, #tpu.memory_space<vmem>>
      %dma_start3A_146 = arith.constant 0 : i32
      %dma_start3A_147 = arith.constant 0 : i32
      %dma_start3A_148 = tpu.memref_slice %arg3[%dma_start3A_146, %dma_start3A_147] : memref<100000x64xf32, #tpu.memory_space<hbm>> -> memref<100000x64xf32, #tpu.memory_space<hbm>>
      tpu.enqueue_indirect_dma source(%dma_start3A_148 : memref<100000x64xf32, #tpu.memory_space<hbm>>) target(%dma_start3A_144 : memref<48x64xf32, #tpu.memory_space<vmem>>) offsets(%dma_start3A_145 : memref<48xi32, #tpu.memory_space<vmem>>) semaphore(%arg17 : memref<!tpu.dma_semaphore, #tpu.memory_space<semaphore_mem>>)
      %dma_start3A_149 = arith.constant 152 : i32
      %dma_start3A_150 = arith.constant 0 : i32
      %dma_start3A_151 = tpu.memref_slice %arg10[%dma_start3A_149, %dma_start3A_150] : memref<200x64xf32, #tpu.memory_space<vmem>> -> memref<48x64xf32, #tpu.memory_space<vmem>>
      %dma_start3A_152 = tpu.memref_slice %arg8[%add3A_127] : memref<25600xi32, #tpu.memory_space<vmem>> -> memref<48xi32, #tpu.memory_space<vmem>>
      %dma_start3A_153 = arith.constant 0 : i32
      %dma_start3A_154 = arith.constant 0 : i32
      %dma_start3A_155 = tpu.memref_slice %arg3[%dma_start3A_153, %dma_start3A_154] : memref<100000x64xf32, #tpu.memory_space<hbm>> -> memref<100000x64xf32, #tpu.memory_space<hbm>>
      tpu.enqueue_indirect_dma source(%dma_start3A_155 : memref<100000x64xf32, #tpu.memory_space<hbm>>) target(%dma_start3A_151 : memref<48x64xf32, #tpu.memory_space<vmem>>) offsets(%dma_start3A_152 : memref<48xi32, #tpu.memory_space<vmem>>) semaphore(%arg17 : memref<!tpu.dma_semaphore, #tpu.memory_space<semaphore_mem>>)
      %mul3A_156 = arith.constant 200 : i32
      %mul3A_157 = arith.muli %mul3A_115, %mul3A_156 : i32
      %add3A_158 = arith.constant 0 : i32
      %add3A_159 = arith.addi %mul3A_157, %add3A_158 : i32
      %add3A_160 = arith.constant 48 : i32
      %add3A_161 = arith.addi %mul3A_157, %add3A_160 : i32
      %add3A_162 = arith.constant 104 : i32
      %add3A_163 = arith.addi %mul3A_157, %add3A_162 : i32
      %add3A_164 = arith.constant 152 : i32
      %add3A_165 = arith.addi %mul3A_157, %add3A_164 : i32
      %dma_wait3A_166 = arith.constant 0 : i32
      %dma_wait3A_167 = arith.constant 0 : i32
      %dma_wait3A_168 = tpu.memref_slice %arg9[%dma_wait3A_166, %dma_wait3A_167] : memref<200x64xf32, #tpu.memory_space<vmem>> -> memref<48x64xf32, #tpu.memory_space<vmem>>
      %dma_wait3A_169 = tpu.memref_slice %arg8[%add3A_159] : memref<25600xi32, #tpu.memory_space<vmem>> -> memref<48xi32, #tpu.memory_space<vmem>>
      %dma_wait3A_170 = arith.constant 0 : i32
      %dma_wait3A_171 = arith.constant 0 : i32
      %dma_wait3A_172 = tpu.memref_slice %arg3[%dma_wait3A_170, %dma_wait3A_171] : memref<100000x64xf32, #tpu.memory_space<hbm>> -> memref<100000x64xf32, #tpu.memory_space<hbm>>
      tpu.wait_indirect_dma semaphore(%arg16 : memref<!tpu.dma_semaphore, #tpu.memory_space<semaphore_mem>>) src(%dma_wait3A_172 : memref<100000x64xf32, #tpu.memory_space<hbm>>) dst(%dma_wait3A_168 : memref<48x64xf32, #tpu.memory_space<vmem>>)
      %dma_wait3A_173 = arith.constant 48 : i32
      %dma_wait3A_174 = arith.constant 0 : i32
      %dma_wait3A_175 = tpu.memref_slice %arg9[%dma_wait3A_173, %dma_wait3A_174] : memref<200x64xf32, #tpu.memory_space<vmem>> -> memref<56x64xf32, #tpu.memory_space<vmem>>
      %dma_wait3A_176 = tpu.memref_slice %arg8[%add3A_161] : memref<25600xi32, #tpu.memory_space<vmem>> -> memref<56xi32, #tpu.memory_space<vmem>>
      %dma_wait3A_177 = arith.constant 0 : i32
      %dma_wait3A_178 = arith.constant 0 : i32
      %dma_wait3A_179 = tpu.memref_slice %arg3[%dma_wait3A_177, %dma_wait3A_178] : memref<100000x64xf32, #tpu.memory_space<hbm>> -> memref<100000x64xf32, #tpu.memory_space<hbm>>
      tpu.wait_indirect_dma semaphore(%arg16 : memref<!tpu.dma_semaphore, #tpu.memory_space<semaphore_mem>>) src(%dma_wait3A_179 : memref<100000x64xf32, #tpu.memory_space<hbm>>) dst(%dma_wait3A_175 : memref<56x64xf32, #tpu.memory_space<vmem>>)
      %dma_wait3A_180 = arith.constant 104 : i32
      %dma_wait3A_181 = arith.constant 0 : i32
      %dma_wait3A_182 = tpu.memref_slice %arg9[%dma_wait3A_180, %dma_wait3A_181] : memref<200x64xf32, #tpu.memory_space<vmem>> -> memref<48x64xf32, #tpu.memory_space<vmem>>
      %dma_wait3A_183 = tpu.memref_slice %arg8[%add3A_163] : memref<25600xi32, #tpu.memory_space<vmem>> -> memref<48xi32, #tpu.memory_space<vmem>>
      %dma_wait3A_184 = arith.constant 0 : i32
      %dma_wait3A_185 = arith.constant 0 : i32
      %dma_wait3A_186 = tpu.memref_slice %arg3[%dma_wait3A_184, %dma_wait3A_185] : memref<100000x64xf32, #tpu.memory_space<hbm>> -> memref<100000x64xf32, #tpu.memory_space<hbm>>
      tpu.wait_indirect_dma semaphore(%arg16 : memref<!tpu.dma_semaphore, #tpu.memory_space<semaphore_mem>>) src(%dma_wait3A_186 : memref<100000x64xf32, #tpu.memory_space<hbm>>) dst(%dma_wait3A_182 : memref<48x64xf32, #tpu.memory_space<vmem>>)
      %dma_wait3A_187 = arith.constant 152 : i32
      %dma_wait3A_188 = arith.constant 0 : i32
      %dma_wait3A_189 = tpu.memref_slice %arg9[%dma_wait3A_187, %dma_wait3A_188] : memref<200x64xf32, #tpu.memory_space<vmem>> -> memref<48x64xf32, #tpu.memory_space<vmem>>
      %dma_wait3A_190 = tpu.memref_slice %arg8[%add3A_165] : memref<25600xi32, #tpu.memory_space<vmem>> -> memref<48xi32, #tpu.memory_space<vmem>>
      %dma_wait3A_191 = arith.constant 0 : i32
      %dma_wait3A_192 = arith.constant 0 : i32
      %dma_wait3A_193 = tpu.memref_slice %arg3[%dma_wait3A_191, %dma_wait3A_192] : memref<100000x64xf32, #tpu.memory_space<hbm>> -> memref<100000x64xf32, #tpu.memory_space<hbm>>
      tpu.wait_indirect_dma semaphore(%arg16 : memref<!tpu.dma_semaphore, #tpu.memory_space<semaphore_mem>>) src(%dma_wait3A_193 : memref<100000x64xf32, #tpu.memory_space<hbm>>) dst(%dma_wait3A_189 : memref<48x64xf32, #tpu.memory_space<vmem>>)
      %gt3A = arith.constant 0 : i32
      %gt3A_194 = arith.cmpi sgt, %scan3A_113, %gt3A : i32
      %convert_element_type3A = arith.extui %gt3A_194 : i1 to i32
      %cond3A = arith.constant 0 : i32
      %cond3A_195 = arith.cmpi ne, %convert_element_type3A, %cond3A : i32
      scf.if %cond3A_195 {
        %sub3A_317 = arith.constant 2 : i32
        %sub3A_318 = arith.subi %mul3A_115, %sub3A_317 : i32
        %mul3A_319 = arith.constant 200 : i32
        %mul3A_320 = arith.muli %sub3A_318, %mul3A_319 : i32
        %add3A_321 = arith.addi %mul3A_2, %mul3A_320 : i32
        %jit3A_322 = arith.constant 2 : i32
        %div3A_323 = arith.divsi %add3A_321, %jit3A_322 : i32
        %sign3A_324 = arith.constant 0 : i32
        %sign3A_325 = arith.cmpi sgt, %add3A_321, %sign3A_324 : i32
        %sign3A_326 = arith.extui %sign3A_325 : i1 to i32
        %sign3A_327 = arith.constant 0 : i32
        %sign3A_328 = arith.cmpi slt, %add3A_321, %sign3A_327 : i32
        %sign3A_329 = arith.extui %sign3A_328 : i1 to i32
        %sign3A_330 = arith.subi %sign3A_326, %sign3A_329 : i32
        %sign3A_331 = arith.constant 0 : i32
        %sign3A_332 = arith.cmpi sgt, %jit3A_322, %sign3A_331 : i32
        %sign3A_333 = arith.extui %sign3A_332 : i1 to i32
        %sign3A_334 = arith.constant 0 : i32
        %sign3A_335 = arith.cmpi slt, %jit3A_322, %sign3A_334 : i32
        %sign3A_336 = arith.extui %sign3A_335 : i1 to i32
        %sign3A_337 = arith.subi %sign3A_333, %sign3A_336 : i32
        %ne3A_338 = arith.cmpi ne, %sign3A_330, %sign3A_337 : i32
        %rem3A_339 = arith.remsi %add3A_321, %jit3A_322 : i32
        %ne3A_340 = arith.constant 0 : i32
        %ne3A_341 = arith.cmpi ne, %rem3A_339, %ne3A_340 : i32
        %and3A_342 = arith.andi %ne3A_338, %ne3A_341 : i1
        %sub3A_343 = arith.constant 1 : i32
        %sub3A_344 = arith.subi %div3A_323, %sub3A_343 : i32
        %select_n3A_345 = arith.select %and3A_342, %sub3A_344, %div3A_323 : i32
        %dma_wait3A_346 = arith.constant 0 : i32
        %dma_wait3A_347 = tpu.memref_slice %arg7[%select_n3A_345, %dma_wait3A_346] : memref<409600x128xf32, #tpu.memory_space<hbm>> -> memref<100x128xf32, #tpu.memory_space<hbm>>
        %dma_wait3A_348 = arith.constant 0 : i32
        %dma_wait3A_349 = tpu.memref_slice %arg7[%select_n3A_345, %dma_wait3A_348] : memref<409600x128xf32, #tpu.memory_space<hbm>> -> memref<100x128xf32, #tpu.memory_space<hbm>>
        tpu.wait_dma2 semaphore(%arg18 : memref<!tpu.dma_semaphore, #tpu.memory_space<semaphore_mem>>) src(%arg11 : memref<100x128xf32, #tpu.memory_space<vmem>>) dst(%dma_wait3A_349 : memref<100x128xf32, #tpu.memory_space<hbm>>)
      } else {
      }
      %scan3A_196 = arith.constant 0 : i32
      %scan3A_197 = arith.constant 0 : i32
      %scan3A_198 = arith.constant 50 : i32
      %scan3A_199 = arith.addi %scan3A_197, %scan3A_198 : i32
      %scan3A_200 = arith.constant 1 : i32
      scf.for %scan3A_317 = %scan3A_197 to %scan3A_199 step %scan3A_200  : i32 {
        %mul3A_318 = arith.constant 4 : i32
        %mul3A_319 = arith.muli %scan3A_317, %mul3A_318 : i32
        %add3A_320 = arith.constant 0 : i32
        %add3A_321 = arith.addi %mul3A_319, %add3A_320 : i32
        %mul3A_322 = arith.constant 2 : i32
        %mul3A_323 = arith.muli %scan3A_317, %mul3A_322 : i32
        %add3A_324 = arith.constant 0 : i32
        %add3A_325 = arith.addi %mul3A_323, %add3A_324 : i32
        %get3A_326 = arith.index_cast %add3A_321 : i32 to index
        %get3A_327 = arith.constant 0 : index
        %get3A_328 = tpu.vector_load %arg9[%get3A_326, %get3A_327] {strides = array<i32>} : memref<200x64xf32, #tpu.memory_space<vmem>>, vector<1x16xf32>,
        %get3A_329 = vector.shape_cast %get3A_328 : vector<1x16xf32> to vector<16xf32>
        %get3A_330 = arith.index_cast %add3A_321 : i32 to index
        %get3A_331 = arith.constant 0 : index
        %get3A_332 = tpu.vector_load %arg13[%get3A_330, %get3A_331] {strides = array<i32>} : memref<200x64xf32, #tpu.memory_space<vmem>>, vector<1x16xf32>,
        %get3A_333 = vector.shape_cast %get3A_332 : vector<1x16xf32> to vector<16xf32>
        %add3A_334 = arith.addf %get3A_329, %get3A_333 : vector<16xf32>
        %get3A_335 = arith.index_cast %add3A_321 : i32 to index
        %get3A_336 = arith.constant 16 : index
        %get3A_337 = tpu.vector_load %arg9[%get3A_335, %get3A_336] {strides = array<i32>} : memref<200x64xf32, #tpu.memory_space<vmem>>, vector<1x16xf32>,
        %get3A_338 = vector.shape_cast %get3A_337 : vector<1x16xf32> to vector<16xf32>
        %get3A_339 = arith.index_cast %add3A_321 : i32 to index
        %get3A_340 = arith.constant 16 : index
        %get3A_341 = tpu.vector_load %arg13[%get3A_339, %get3A_340] {strides = array<i32>} : memref<200x64xf32, #tpu.memory_space<vmem>>, vector<1x16xf32>,
        %get3A_342 = vector.shape_cast %get3A_341 : vector<1x16xf32> to vector<16xf32>
        %add3A_343 = arith.addf %get3A_338, %get3A_342 : vector<16xf32>
        %get3A_344 = arith.index_cast %add3A_321 : i32 to index
        %get3A_345 = arith.constant 32 : index
        %get3A_346 = tpu.vector_load %arg9[%get3A_344, %get3A_345] {strides = array<i32>} : memref<200x64xf32, #tpu.memory_space<vmem>>, vector<1x16xf32>,
        %get3A_347 = vector.shape_cast %get3A_346 : vector<1x16xf32> to vector<16xf32>
        %get3A_348 = arith.index_cast %add3A_321 : i32 to index
        %get3A_349 = arith.constant 32 : index
        %get3A_350 = tpu.vector_load %arg13[%get3A_348, %get3A_349] {strides = array<i32>} : memref<200x64xf32, #tpu.memory_space<vmem>>, vector<1x16xf32>,
        %get3A_351 = vector.shape_cast %get3A_350 : vector<1x16xf32> to vector<16xf32>
        %add3A_352 = arith.addf %get3A_347, %get3A_351 : vector<16xf32>
        %get3A_353 = arith.index_cast %add3A_321 : i32 to index
        %get3A_354 = arith.constant 48 : index
        %get3A_355 = tpu.vector_load %arg9[%get3A_353, %get3A_354] {strides = array<i32>} : memref<200x64xf32, #tpu.memory_space<vmem>>, vector<1x16xf32>,
        %get3A_356 = vector.shape_cast %get3A_355 : vector<1x16xf32> to vector<16xf32>
        %get3A_357 = arith.index_cast %add3A_321 : i32 to index
        %get3A_358 = arith.constant 48 : index
        %get3A_359 = tpu.vector_load %arg13[%get3A_357, %get3A_358] {strides = array<i32>} : memref<200x64xf32, #tpu.memory_space<vmem>>, vector<1x16xf32>,
        %get3A_360 = vector.shape_cast %get3A_359 : vector<1x16xf32> to vector<16xf32>
        %add3A_361 = arith.addf %get3A_356, %get3A_360 : vector<16xf32>
        %add3A_362 = arith.addf %add3A_334, %add3A_343 : vector<16xf32>
        %add3A_363 = arith.addf %add3A_352, %add3A_361 : vector<16xf32>
        %add3A_364 = arith.addf %add3A_362, %add3A_363 : vector<16xf32>
        %mul3A_365 = arith.mulf %add3A_334, %add3A_334 : vector<16xf32>
        %mul3A_366 = arith.mulf %add3A_343, %add3A_343 : vector<16xf32>
        %add3A_367 = arith.addf %mul3A_365, %mul3A_366 : vector<16xf32>
        %mul3A_368 = arith.mulf %add3A_352, %add3A_352 : vector<16xf32>
        %mul3A_369 = arith.mulf %add3A_361, %add3A_361 : vector<16xf32>
        %add3A_370 = arith.addf %mul3A_368, %mul3A_369 : vector<16xf32>
        %add3A_371 = arith.addf %add3A_367, %add3A_370 : vector<16xf32>
        %iota3A = tpu.iota {dimensions = array<i32: 0>} : vector<16xi32>
        %xor3A = arith.constant 1 : i32
        %xor3A_372 = vector.broadcast %xor3A : i32 to vector<16xi32>
        %xor3A_373 = arith.xori %iota3A, %xor3A_372 : vector<16xi32>
        %lt3A_374 = arith.constant 0 : i32
        %lt3A_375 = vector.broadcast %lt3A_374 : i32 to vector<16xi32>
        %lt3A_376 = arith.cmpi slt, %xor3A_373, %lt3A_375 : vector<16xi32>
        %add3A_377 = arith.constant 16 : i32
        %add3A_378 = vector.broadcast %add3A_377 : i32 to vector<16xi32>
        %add3A_379 = arith.addi %xor3A_373, %add3A_378 : vector<16xi32>
        %select_n3A_380 = arith.select %lt3A_376, %add3A_379, %xor3A_373 : vector<16xi1>, vector<16xi32>
        %broadcast_in_dim3A = vector.shape_cast %select_n3A_380 : vector<16xi32> to vector<16x1xi32>
        %gather3A = vector.shape_cast %broadcast_in_dim3A : vector<16x1xi32> to vector<16xi32>
        %gather3A_381 = tpu.dynamic_gather %add3A_364[%gather3A] in [0] : vector<16xf32>, vector<16xi32> -> vector<16xf32>
        %add3A_382 = arith.addf %add3A_364, %gather3A_381 : vector<16xf32>
        %iota3A_383 = tpu.iota {dimensions = array<i32: 0>} : vector<16xi32>
        %xor3A_384 = arith.constant 2 : i32
        %xor3A_385 = vector.broadcast %xor3A_384 : i32 to vector<16xi32>
        %xor3A_386 = arith.xori %iota3A_383, %xor3A_385 : vector<16xi32>
        %lt3A_387 = arith.constant 0 : i32
        %lt3A_388 = vector.broadcast %lt3A_387 : i32 to vector<16xi32>
        %lt3A_389 = arith.cmpi slt, %xor3A_386, %lt3A_388 : vector<16xi32>
        %add3A_390 = arith.constant 16 : i32
        %add3A_391 = vector.broadcast %add3A_390 : i32 to vector<16xi32>
        %add3A_392 = arith.addi %xor3A_386, %add3A_391 : vector<16xi32>
        %select_n3A_393 = arith.select %lt3A_389, %add3A_392, %xor3A_386 : vector<16xi1>, vector<16xi32>
        %broadcast_in_dim3A_394 = vector.shape_cast %select_n3A_393 : vector<16xi32> to vector<16x1xi32>
        %gather3A_395 = vector.shape_cast %broadcast_in_dim3A_394 : vector<16x1xi32> to vector<16xi32>
        %gather3A_396 = tpu.dynamic_gather %add3A_382[%gather3A_395] in [0] : vector<16xf32>, vector<16xi32> -> vector<16xf32>
        %add3A_397 = arith.addf %add3A_382, %gather3A_396 : vector<16xf32>
        %iota3A_398 = tpu.iota {dimensions = array<i32: 0>} : vector<16xi32>
        %xor3A_399 = arith.constant 4 : i32
        %xor3A_400 = vector.broadcast %xor3A_399 : i32 to vector<16xi32>
        %xor3A_401 = arith.xori %iota3A_398, %xor3A_400 : vector<16xi32>
        %lt3A_402 = arith.constant 0 : i32
        %lt3A_403 = vector.broadcast %lt3A_402 : i32 to vector<16xi32>
        %lt3A_404 = arith.cmpi slt, %xor3A_401, %lt3A_403 : vector<16xi32>
        %add3A_405 = arith.constant 16 : i32
        %add3A_406 = vector.broadcast %add3A_405 : i32 to vector<16xi32>
        %add3A_407 = arith.addi %xor3A_401, %add3A_406 : vector<16xi32>
        %select_n3A_408 = arith.select %lt3A_404, %add3A_407, %xor3A_401 : vector<16xi1>, vector<16xi32>
        %broadcast_in_dim3A_409 = vector.shape_cast %select_n3A_408 : vector<16xi32> to vector<16x1xi32>
        %gather3A_410 = vector.shape_cast %broadcast_in_dim3A_409 : vector<16x1xi32> to vector<16xi32>
        %gather3A_411 = tpu.dynamic_gather %add3A_397[%gather3A_410] in [0] : vector<16xf32>, vector<16xi32> -> vector<16xf32>
        %add3A_412 = arith.addf %add3A_397, %gather3A_411 : vector<16xf32>
        %iota3A_413 = tpu.iota {dimensions = array<i32: 0>} : vector<16xi32>
        %xor3A_414 = arith.constant 8 : i32
        %xor3A_415 = vector.broadcast %xor3A_414 : i32 to vector<16xi32>
        %xor3A_416 = arith.xori %iota3A_413, %xor3A_415 : vector<16xi32>
        %lt3A_417 = arith.constant 0 : i32
        %lt3A_418 = vector.broadcast %lt3A_417 : i32 to vector<16xi32>
        %lt3A_419 = arith.cmpi slt, %xor3A_416, %lt3A_418 : vector<16xi32>
        %add3A_420 = arith.constant 16 : i32
        %add3A_421 = vector.broadcast %add3A_420 : i32 to vector<16xi32>
        %add3A_422 = arith.addi %xor3A_416, %add3A_421 : vector<16xi32>
        %select_n3A_423 = arith.select %lt3A_419, %add3A_422, %xor3A_416 : vector<16xi1>, vector<16xi32>
        %broadcast_in_dim3A_424 = vector.shape_cast %select_n3A_423 : vector<16xi32> to vector<16x1xi32>
        %gather3A_425 = vector.shape_cast %broadcast_in_dim3A_424 : vector<16x1xi32> to vector<16xi32>
        %gather3A_426 = tpu.dynamic_gather %add3A_412[%gather3A_425] in [0] : vector<16xf32>, vector<16xi32> -> vector<16xf32>
        %add3A_427 = arith.addf %add3A_412, %gather3A_426 : vector<16xf32>
        %mul3A_428 = arith.constant 1.562500e-02 : f32
        %mul3A_429 = vector.broadcast %mul3A_428 : f32 to vector<16xf32>
        %mul3A_430 = arith.mulf %add3A_427, %mul3A_429 : vector<16xf32>
        %iota3A_431 = tpu.iota {dimensions = array<i32: 0>} : vector<16xi32>
        %xor3A_432 = arith.constant 1 : i32
        %xor3A_433 = vector.broadcast %xor3A_432 : i32 to vector<16xi32>
        %xor3A_434 = arith.xori %iota3A_431, %xor3A_433 : vector<16xi32>
        %lt3A_435 = arith.constant 0 : i32
        %lt3A_436 = vector.broadcast %lt3A_435 : i32 to vector<16xi32>
        %lt3A_437 = arith.cmpi slt, %xor3A_434, %lt3A_436 : vector<16xi32>
        %add3A_438 = arith.constant 16 : i32
        %add3A_439 = vector.broadcast %add3A_438 : i32 to vector<16xi32>
        %add3A_440 = arith.addi %xor3A_434, %add3A_439 : vector<16xi32>
        %select_n3A_441 = arith.select %lt3A_437, %add3A_440, %xor3A_434 : vector<16xi1>, vector<16xi32>
        %broadcast_in_dim3A_442 = vector.shape_cast %select_n3A_441 : vector<16xi32> to vector<16x1xi32>
        %gather3A_443 = vector.shape_cast %broadcast_in_dim3A_442 : vector<16x1xi32> to vector<16xi32>
        %gather3A_444 = tpu.dynamic_gather %add3A_371[%gather3A_443] in [0] : vector<16xf32>, vector<16xi32> -> vector<16xf32>
        %add3A_445 = arith.addf %add3A_371, %gather3A_444 : vector<16xf32>
        %iota3A_446 = tpu.iota {dimensions = array<i32: 0>} : vector<16xi32>
        %xor3A_447 = arith.constant 2 : i32
        %xor3A_448 = vector.broadcast %xor3A_447 : i32 to vector<16xi32>
        %xor3A_449 = arith.xori %iota3A_446, %xor3A_448 : vector<16xi32>
        %lt3A_450 = arith.constant 0 : i32
        %lt3A_451 = vector.broadcast %lt3A_450 : i32 to vector<16xi32>
        %lt3A_452 = arith.cmpi slt, %xor3A_449, %lt3A_451 : vector<16xi32>
        %add3A_453 = arith.constant 16 : i32
        %add3A_454 = vector.broadcast %add3A_453 : i32 to vector<16xi32>
        %add3A_455 = arith.addi %xor3A_449, %add3A_454 : vector<16xi32>
        %select_n3A_456 = arith.select %lt3A_452, %add3A_455, %xor3A_449 : vector<16xi1>, vector<16xi32>
        %broadcast_in_dim3A_457 = vector.shape_cast %select_n3A_456 : vector<16xi32> to vector<16x1xi32>
        %gather3A_458 = vector.shape_cast %broadcast_in_dim3A_457 : vector<16x1xi32> to vector<16xi32>
        %gather3A_459 = tpu.dynamic_gather %add3A_445[%gather3A_458] in [0] : vector<16xf32>, vector<16xi32> -> vector<16xf32>
        %add3A_460 = arith.addf %add3A_445, %gather3A_459 : vector<16xf32>
        %iota3A_461 = tpu.iota {dimensions = array<i32: 0>} : vector<16xi32>
        %xor3A_462 = arith.constant 4 : i32
        %xor3A_463 = vector.broadcast %xor3A_462 : i32 to vector<16xi32>
        %xor3A_464 = arith.xori %iota3A_461, %xor3A_463 : vector<16xi32>
        %lt3A_465 = arith.constant 0 : i32
        %lt3A_466 = vector.broadcast %lt3A_465 : i32 to vector<16xi32>
        %lt3A_467 = arith.cmpi slt, %xor3A_464, %lt3A_466 : vector<16xi32>
        %add3A_468 = arith.constant 16 : i32
        %add3A_469 = vector.broadcast %add3A_468 : i32 to vector<16xi32>
        %add3A_470 = arith.addi %xor3A_464, %add3A_469 : vector<16xi32>
        %select_n3A_471 = arith.select %lt3A_467, %add3A_470, %xor3A_464 : vector<16xi1>, vector<16xi32>
        %broadcast_in_dim3A_472 = vector.shape_cast %select_n3A_471 : vector<16xi32> to vector<16x1xi32>
        %gather3A_473 = vector.shape_cast %broadcast_in_dim3A_472 : vector<16x1xi32> to vector<16xi32>
        %gather3A_474 = tpu.dynamic_gather %add3A_460[%gather3A_473] in [0] : vector<16xf32>, vector<16xi32> -> vector<16xf32>
        %add3A_475 = arith.addf %add3A_460, %gather3A_474 : vector<16xf32>
        %iota3A_476 = tpu.iota {dimensions = array<i32: 0>} : vector<16xi32>
        %xor3A_477 = arith.constant 8 : i32
        %xor3A_478 = vector.broadcast %xor3A_477 : i32 to vector<16xi32>
        %xor3A_479 = arith.xori %iota3A_476, %xor3A_478 : vector<16xi32>
        %lt3A_480 = arith.constant 0 : i32
        %lt3A_481 = vector.broadcast %lt3A_480 : i32 to vector<16xi32>
        %lt3A_482 = arith.cmpi slt, %xor3A_479, %lt3A_481 : vector<16xi32>
        %add3A_483 = arith.constant 16 : i32
        %add3A_484 = vector.broadcast %add3A_483 : i32 to vector<16xi32>
        %add3A_485 = arith.addi %xor3A_479, %add3A_484 : vector<16xi32>
        %select_n3A_486 = arith.select %lt3A_482, %add3A_485, %xor3A_479 : vector<16xi1>, vector<16xi32>
        %broadcast_in_dim3A_487 = vector.shape_cast %select_n3A_486 : vector<16xi32> to vector<16x1xi32>
        %gather3A_488 = vector.shape_cast %broadcast_in_dim3A_487 : vector<16x1xi32> to vector<16xi32>
        %gather3A_489 = tpu.dynamic_gather %add3A_475[%gather3A_488] in [0] : vector<16xf32>, vector<16xi32> -> vector<16xf32>
        %add3A_490 = arith.addf %add3A_475, %gather3A_489 : vector<16xf32>
        %mul3A_491 = arith.constant 1.562500e-02 : f32
        %mul3A_492 = vector.broadcast %mul3A_491 : f32 to vector<16xf32>
        %mul3A_493 = arith.mulf %add3A_490, %mul3A_492 : vector<16xf32>
        %mul3A_494 = arith.mulf %mul3A_430, %mul3A_430 : vector<16xf32>
        %sub3A_495 = arith.subf %mul3A_493, %mul3A_494 : vector<16xf32>
        %max3A = arith.constant 0.000000e+00 : f32
        %max3A_496 = vector.broadcast %max3A : f32 to vector<16xf32>
        %max3A_497 = arith.maximumf %sub3A_495, %max3A_496 : vector<16xf32>
        %add3A_498 = arith.constant 9.99999996E-13 : f32
        %add3A_499 = vector.broadcast %add3A_498 : f32 to vector<16xf32>
        %add3A_500 = arith.addf %max3A_497, %add3A_499 : vector<16xf32>
        %bitcast_convert_type3A = tpu.bitcast %add3A_500 : vector<16xf32> -> vector<16xi32>
        %shift_right_arithmetic3A = arith.constant 1 : i32
        %shift_right_arithmetic3A_501 = vector.broadcast %shift_right_arithmetic3A : i32 to vector<16xi32>
        %shift_right_arithmetic3A_502 = arith.shrsi %bitcast_convert_type3A, %shift_right_arithmetic3A_501 : vector<16xi32>
        %sub3A_503 = arith.constant 1597463007 : i32
        %sub3A_504 = vector.broadcast %sub3A_503 : i32 to vector<16xi32>
        %sub3A_505 = arith.subi %sub3A_504, %shift_right_arithmetic3A_502 : vector<16xi32>
        %bitcast_convert_type3A_506 = tpu.bitcast %sub3A_505 : vector<16xi32> -> vector<16xf32>
        %mul3A_507 = arith.constant 5.000000e-01 : f32
        %mul3A_508 = vector.broadcast %mul3A_507 : f32 to vector<16xf32>
        %mul3A_509 = arith.mulf %mul3A_508, %add3A_500 : vector<16xf32>
        %mul3A_510 = arith.mulf %mul3A_509, %bitcast_convert_type3A_506 : vector<16xf32>
        %mul3A_511 = arith.mulf %mul3A_510, %bitcast_convert_type3A_506 : vector<16xf32>
        %sub3A_512 = arith.constant 1.500000e+00 : f32
        %sub3A_513 = vector.broadcast %sub3A_512 : f32 to vector<16xf32>
        %sub3A_514 = arith.subf %sub3A_513, %mul3A_511 : vector<16xf32>
        %mul3A_515 = arith.mulf %bitcast_convert_type3A_506, %sub3A_514 : vector<16xf32>
        %mul3A_516 = arith.mulf %mul3A_509, %mul3A_515 : vector<16xf32>
        %mul3A_517 = arith.mulf %mul3A_516, %mul3A_515 : vector<16xf32>
        %sub3A_518 = arith.constant 1.500000e+00 : f32
        %sub3A_519 = vector.broadcast %sub3A_518 : f32 to vector<16xf32>
        %sub3A_520 = arith.subf %sub3A_519, %mul3A_517 : vector<16xf32>
        %mul3A_521 = arith.mulf %mul3A_515, %sub3A_520 : vector<16xf32>
        %mul3A_522 = arith.mulf %mul3A_521, %get3A_4 : vector<16xf32>
        %mul3A_523 = arith.mulf %mul3A_521, %get3A_7 : vector<16xf32>
        %mul3A_524 = arith.mulf %mul3A_521, %get3A_10 : vector<16xf32>
        %mul3A_525 = arith.mulf %mul3A_521, %get3A_13 : vector<16xf32>
        %mul3A_526 = arith.mulf %add3A_334, %mul3A_522 : vector<16xf32>
        %mul3A_527 = arith.mulf %mul3A_430, %mul3A_522 : vector<16xf32>
        %sub3A_528 = arith.subf %mul3A_527, %get3A_16 : vector<16xf32>
        %sub3A_529 = arith.subf %mul3A_526, %sub3A_528 : vector<16xf32>
        %swap3A = arith.index_cast %add3A_325 : i32 to index
        %swap3A_530 = arith.constant 0 : index
        %swap3A_531 = tpu.vector_load %arg11[%swap3A, %swap3A_530] {strides = array<i32>} : memref<100x128xf32, #tpu.memory_space<vmem>>, vector<1x16xf32>,
        %swap3A_532 = vector.shape_cast %swap3A_531 : vector<1x16xf32> to vector<16xf32>
        %swap3A_533 = vector.shape_cast %sub3A_529 : vector<16xf32> to vector<1x16xf32>
        tpu.vector_store %arg11[%swap3A, %swap3A_530], %swap3A_533 {strides = array<i32>} : memref<100x128xf32, #tpu.memory_space<vmem>>, vector<1x16xf32>,
        %mul3A_534 = arith.mulf %add3A_343, %mul3A_523 : vector<16xf32>
        %mul3A_535 = arith.mulf %mul3A_430, %mul3A_523 : vector<16xf32>
        %sub3A_536 = arith.subf %mul3A_535, %get3A_19 : vector<16xf32>
        %sub3A_537 = arith.subf %mul3A_534, %sub3A_536 : vector<16xf32>
        %swap3A_538 = arith.index_cast %add3A_325 : i32 to index
        %swap3A_539 = arith.constant 16 : index
        %swap3A_540 = tpu.vector_load %arg11[%swap3A_538, %swap3A_539] {strides = array<i32>} : memref<100x128xf32, #tpu.memory_space<vmem>>, vector<1x16xf32>,
        %swap3A_541 = vector.shape_cast %swap3A_540 : vector<1x16xf32> to vector<16xf32>
        %swap3A_542 = vector.shape_cast %sub3A_537 : vector<16xf32> to vector<1x16xf32>
        tpu.vector_store %arg11[%swap3A_538, %swap3A_539], %swap3A_542 {strides = array<i32>} : memref<100x128xf32, #tpu.memory_space<vmem>>, vector<1x16xf32>,
        %mul3A_543 = arith.mulf %add3A_352, %mul3A_524 : vector<16xf32>
        %mul3A_544 = arith.mulf %mul3A_430, %mul3A_524 : vector<16xf32>
        %sub3A_545 = arith.subf %mul3A_544, %get3A_22 : vector<16xf32>
        %sub3A_546 = arith.subf %mul3A_543, %sub3A_545 : vector<16xf32>
        %swap3A_547 = arith.index_cast %add3A_325 : i32 to index
        %swap3A_548 = arith.constant 32 : index
        %swap3A_549 = tpu.vector_load %arg11[%swap3A_547, %swap3A_548] {strides = array<i32>} : memref<100x128xf32, #tpu.memory_space<vmem>>, vector<1x16xf32>,
        %swap3A_550 = vector.shape_cast %swap3A_549 : vector<1x16xf32> to vector<16xf32>
        %swap3A_551 = vector.shape_cast %sub3A_546 : vector<16xf32> to vector<1x16xf32>
        tpu.vector_store %arg11[%swap3A_547, %swap3A_548], %swap3A_551 {strides = array<i32>} : memref<100x128xf32, #tpu.memory_space<vmem>>, vector<1x16xf32>,
        %mul3A_552 = arith.mulf %add3A_361, %mul3A_525 : vector<16xf32>
        %mul3A_553 = arith.mulf %mul3A_430, %mul3A_525 : vector<16xf32>
        %sub3A_554 = arith.subf %mul3A_553, %get3A_25 : vector<16xf32>
        %sub3A_555 = arith.subf %mul3A_552, %sub3A_554 : vector<16xf32>
        %swap3A_556 = arith.index_cast %add3A_325 : i32 to index
        %swap3A_557 = arith.constant 48 : index
        %swap3A_558 = tpu.vector_load %arg11[%swap3A_556, %swap3A_557] {strides = array<i32>} : memref<100x128xf32, #tpu.memory_space<vmem>>, vector<1x16xf32>,
        %swap3A_559 = vector.shape_cast %swap3A_558 : vector<1x16xf32> to vector<16xf32>
        %swap3A_560 = vector.shape_cast %sub3A_555 : vector<16xf32> to vector<1x16xf32>
        tpu.vector_store %arg11[%swap3A_556, %swap3A_557], %swap3A_560 {strides = array<i32>} : memref<100x128xf32, #tpu.memory_space<vmem>>, vector<1x16xf32>,
        %mul3A_561 = arith.constant 4 : i32
        %mul3A_562 = arith.muli %scan3A_317, %mul3A_561 : i32
        %add3A_563 = arith.constant 1 : i32
        %add3A_564 = arith.addi %mul3A_562, %add3A_563 : i32
        %mul3A_565 = arith.constant 2 : i32
        %mul3A_566 = arith.muli %scan3A_317, %mul3A_565 : i32
        %add3A_567 = arith.constant 0 : i32
        %add3A_568 = arith.addi %mul3A_566, %add3A_567 : i32
        %get3A_569 = arith.index_cast %add3A_564 : i32 to index
        %get3A_570 = arith.constant 0 : index
        %get3A_571 = tpu.vector_load %arg9[%get3A_569, %get3A_570] {strides = array<i32>} : memref<200x64xf32, #tpu.memory_space<vmem>>, vector<1x16xf32>,
        %get3A_572 = vector.shape_cast %get3A_571 : vector<1x16xf32> to vector<16xf32>
        %get3A_573 = arith.index_cast %add3A_564 : i32 to index
        %get3A_574 = arith.constant 0 : index
        %get3A_575 = tpu.vector_load %arg13[%get3A_573, %get3A_574] {strides = array<i32>} : memref<200x64xf32, #tpu.memory_space<vmem>>, vector<1x16xf32>,
        %get3A_576 = vector.shape_cast %get3A_575 : vector<1x16xf32> to vector<16xf32>
        %add3A_577 = arith.addf %get3A_572, %get3A_576 : vector<16xf32>
        %get3A_578 = arith.index_cast %add3A_564 : i32 to index
        %get3A_579 = arith.constant 16 : index
        %get3A_580 = tpu.vector_load %arg9[%get3A_578, %get3A_579] {strides = array<i32>} : memref<200x64xf32, #tpu.memory_space<vmem>>, vector<1x16xf32>,
        %get3A_581 = vector.shape_cast %get3A_580 : vector<1x16xf32> to vector<16xf32>
        %get3A_582 = arith.index_cast %add3A_564 : i32 to index
        %get3A_583 = arith.constant 16 : index
        %get3A_584 = tpu.vector_load %arg13[%get3A_582, %get3A_583] {strides = array<i32>} : memref<200x64xf32, #tpu.memory_space<vmem>>, vector<1x16xf32>,
        %get3A_585 = vector.shape_cast %get3A_584 : vector<1x16xf32> to vector<16xf32>
        %add3A_586 = arith.addf %get3A_581, %get3A_585 : vector<16xf32>
        %get3A_587 = arith.index_cast %add3A_564 : i32 to index
        %get3A_588 = arith.constant 32 : index
        %get3A_589 = tpu.vector_load %arg9[%get3A_587, %get3A_588] {strides = array<i32>} : memref<200x64xf32, #tpu.memory_space<vmem>>, vector<1x16xf32>,
        %get3A_590 = vector.shape_cast %get3A_589 : vector<1x16xf32> to vector<16xf32>
        %get3A_591 = arith.index_cast %add3A_564 : i32 to index
        %get3A_592 = arith.constant 32 : index
        %get3A_593 = tpu.vector_load %arg13[%get3A_591, %get3A_592] {strides = array<i32>} : memref<200x64xf32, #tpu.memory_space<vmem>>, vector<1x16xf32>,
        %get3A_594 = vector.shape_cast %get3A_593 : vector<1x16xf32> to vector<16xf32>
        %add3A_595 = arith.addf %get3A_590, %get3A_594 : vector<16xf32>
        %get3A_596 = arith.index_cast %add3A_564 : i32 to index
        %get3A_597 = arith.constant 48 : index
        %get3A_598 = tpu.vector_load %arg9[%get3A_596, %get3A_597] {strides = array<i32>} : memref<200x64xf32, #tpu.memory_space<vmem>>, vector<1x16xf32>,
        %get3A_599 = vector.shape_cast %get3A_598 : vector<1x16xf32> to vector<16xf32>
        %get3A_600 = arith.index_cast %add3A_564 : i32 to index
        %get3A_601 = arith.constant 48 : index
        %get3A_602 = tpu.vector_load %arg13[%get3A_600, %get3A_601] {strides = array<i32>} : memref<200x64xf32, #tpu.memory_space<vmem>>, vector<1x16xf32>,
        %get3A_603 = vector.shape_cast %get3A_602 : vector<1x16xf32> to vector<16xf32>
        %add3A_604 = arith.addf %get3A_599, %get3A_603 : vector<16xf32>
        %add3A_605 = arith.addf %add3A_577, %add3A_586 : vector<16xf32>
        %add3A_606 = arith.addf %add3A_595, %add3A_604 : vector<16xf32>
        %add3A_607 = arith.addf %add3A_605, %add3A_606 : vector<16xf32>
        %mul3A_608 = arith.mulf %add3A_577, %add3A_577 : vector<16xf32>
        %mul3A_609 = arith.mulf %add3A_586, %add3A_586 : vector<16xf32>
        %add3A_610 = arith.addf %mul3A_608, %mul3A_609 : vector<16xf32>
        %mul3A_611 = arith.mulf %add3A_595, %add3A_595 : vector<16xf32>
        %mul3A_612 = arith.mulf %add3A_604, %add3A_604 : vector<16xf32>
        %add3A_613 = arith.addf %mul3A_611, %mul3A_612 : vector<16xf32>
        %add3A_614 = arith.addf %add3A_610, %add3A_613 : vector<16xf32>
        %iota3A_615 = tpu.iota {dimensions = array<i32: 0>} : vector<16xi32>
        %xor3A_616 = arith.constant 1 : i32
        %xor3A_617 = vector.broadcast %xor3A_616 : i32 to vector<16xi32>
        %xor3A_618 = arith.xori %iota3A_615, %xor3A_617 : vector<16xi32>
        %lt3A_619 = arith.constant 0 : i32
        %lt3A_620 = vector.broadcast %lt3A_619 : i32 to vector<16xi32>
        %lt3A_621 = arith.cmpi slt, %xor3A_618, %lt3A_620 : vector<16xi32>
        %add3A_622 = arith.constant 16 : i32
        %add3A_623 = vector.broadcast %add3A_622 : i32 to vector<16xi32>
        %add3A_624 = arith.addi %xor3A_618, %add3A_623 : vector<16xi32>
        %select_n3A_625 = arith.select %lt3A_621, %add3A_624, %xor3A_618 : vector<16xi1>, vector<16xi32>
        %broadcast_in_dim3A_626 = vector.shape_cast %select_n3A_625 : vector<16xi32> to vector<16x1xi32>
        %gather3A_627 = vector.shape_cast %broadcast_in_dim3A_626 : vector<16x1xi32> to vector<16xi32>
        %gather3A_628 = tpu.dynamic_gather %add3A_607[%gather3A_627] in [0] : vector<16xf32>, vector<16xi32> -> vector<16xf32>
        %add3A_629 = arith.addf %add3A_607, %gather3A_628 : vector<16xf32>
        %iota3A_630 = tpu.iota {dimensions = array<i32: 0>} : vector<16xi32>
        %xor3A_631 = arith.constant 2 : i32
        %xor3A_632 = vector.broadcast %xor3A_631 : i32 to vector<16xi32>
        %xor3A_633 = arith.xori %iota3A_630, %xor3A_632 : vector<16xi32>
        %lt3A_634 = arith.constant 0 : i32
        %lt3A_635 = vector.broadcast %lt3A_634 : i32 to vector<16xi32>
        %lt3A_636 = arith.cmpi slt, %xor3A_633, %lt3A_635 : vector<16xi32>
        %add3A_637 = arith.constant 16 : i32
        %add3A_638 = vector.broadcast %add3A_637 : i32 to vector<16xi32>
        %add3A_639 = arith.addi %xor3A_633, %add3A_638 : vector<16xi32>
        %select_n3A_640 = arith.select %lt3A_636, %add3A_639, %xor3A_633 : vector<16xi1>, vector<16xi32>
        %broadcast_in_dim3A_641 = vector.shape_cast %select_n3A_640 : vector<16xi32> to vector<16x1xi32>
        %gather3A_642 = vector.shape_cast %broadcast_in_dim3A_641 : vector<16x1xi32> to vector<16xi32>
        %gather3A_643 = tpu.dynamic_gather %add3A_629[%gather3A_642] in [0] : vector<16xf32>, vector<16xi32> -> vector<16xf32>
        %add3A_644 = arith.addf %add3A_629, %gather3A_643 : vector<16xf32>
        %iota3A_645 = tpu.iota {dimensions = array<i32: 0>} : vector<16xi32>
        %xor3A_646 = arith.constant 4 : i32
        %xor3A_647 = vector.broadcast %xor3A_646 : i32 to vector<16xi32>
        %xor3A_648 = arith.xori %iota3A_645, %xor3A_647 : vector<16xi32>
        %lt3A_649 = arith.constant 0 : i32
        %lt3A_650 = vector.broadcast %lt3A_649 : i32 to vector<16xi32>
        %lt3A_651 = arith.cmpi slt, %xor3A_648, %lt3A_650 : vector<16xi32>
        %add3A_652 = arith.constant 16 : i32
        %add3A_653 = vector.broadcast %add3A_652 : i32 to vector<16xi32>
        %add3A_654 = arith.addi %xor3A_648, %add3A_653 : vector<16xi32>
        %select_n3A_655 = arith.select %lt3A_651, %add3A_654, %xor3A_648 : vector<16xi1>, vector<16xi32>
        %broadcast_in_dim3A_656 = vector.shape_cast %select_n3A_655 : vector<16xi32> to vector<16x1xi32>
        %gather3A_657 = vector.shape_cast %broadcast_in_dim3A_656 : vector<16x1xi32> to vector<16xi32>
        %gather3A_658 = tpu.dynamic_gather %add3A_644[%gather3A_657] in [0] : vector<16xf32>, vector<16xi32> -> vector<16xf32>
        %add3A_659 = arith.addf %add3A_644, %gather3A_658 : vector<16xf32>
        %iota3A_660 = tpu.iota {dimensions = array<i32: 0>} : vector<16xi32>
        %xor3A_661 = arith.constant 8 : i32
        %xor3A_662 = vector.broadcast %xor3A_661 : i32 to vector<16xi32>
        %xor3A_663 = arith.xori %iota3A_660, %xor3A_662 : vector<16xi32>
        %lt3A_664 = arith.constant 0 : i32
        %lt3A_665 = vector.broadcast %lt3A_664 : i32 to vector<16xi32>
        %lt3A_666 = arith.cmpi slt, %xor3A_663, %lt3A_665 : vector<16xi32>
        %add3A_667 = arith.constant 16 : i32
        %add3A_668 = vector.broadcast %add3A_667 : i32 to vector<16xi32>
        %add3A_669 = arith.addi %xor3A_663, %add3A_668 : vector<16xi32>
        %select_n3A_670 = arith.select %lt3A_666, %add3A_669, %xor3A_663 : vector<16xi1>, vector<16xi32>
        %broadcast_in_dim3A_671 = vector.shape_cast %select_n3A_670 : vector<16xi32> to vector<16x1xi32>
        %gather3A_672 = vector.shape_cast %broadcast_in_dim3A_671 : vector<16x1xi32> to vector<16xi32>
        %gather3A_673 = tpu.dynamic_gather %add3A_659[%gather3A_672] in [0] : vector<16xf32>, vector<16xi32> -> vector<16xf32>
        %add3A_674 = arith.addf %add3A_659, %gather3A_673 : vector<16xf32>
        %mul3A_675 = arith.constant 1.562500e-02 : f32
        %mul3A_676 = vector.broadcast %mul3A_675 : f32 to vector<16xf32>
        %mul3A_677 = arith.mulf %add3A_674, %mul3A_676 : vector<16xf32>
        %iota3A_678 = tpu.iota {dimensions = array<i32: 0>} : vector<16xi32>
        %xor3A_679 = arith.constant 1 : i32
        %xor3A_680 = vector.broadcast %xor3A_679 : i32 to vector<16xi32>
        %xor3A_681 = arith.xori %iota3A_678, %xor3A_680 : vector<16xi32>
        %lt3A_682 = arith.constant 0 : i32
        %lt3A_683 = vector.broadcast %lt3A_682 : i32 to vector<16xi32>
        %lt3A_684 = arith.cmpi slt, %xor3A_681, %lt3A_683 : vector<16xi32>
        %add3A_685 = arith.constant 16 : i32
        %add3A_686 = vector.broadcast %add3A_685 : i32 to vector<16xi32>
        %add3A_687 = arith.addi %xor3A_681, %add3A_686 : vector<16xi32>
        %select_n3A_688 = arith.select %lt3A_684, %add3A_687, %xor3A_681 : vector<16xi1>, vector<16xi32>
        %broadcast_in_dim3A_689 = vector.shape_cast %select_n3A_688 : vector<16xi32> to vector<16x1xi32>
        %gather3A_690 = vector.shape_cast %broadcast_in_dim3A_689 : vector<16x1xi32> to vector<16xi32>
        %gather3A_691 = tpu.dynamic_gather %add3A_614[%gather3A_690] in [0] : vector<16xf32>, vector<16xi32> -> vector<16xf32>
        %add3A_692 = arith.addf %add3A_614, %gather3A_691 : vector<16xf32>
        %iota3A_693 = tpu.iota {dimensions = array<i32: 0>} : vector<16xi32>
        %xor3A_694 = arith.constant 2 : i32
        %xor3A_695 = vector.broadcast %xor3A_694 : i32 to vector<16xi32>
        %xor3A_696 = arith.xori %iota3A_693, %xor3A_695 : vector<16xi32>
        %lt3A_697 = arith.constant 0 : i32
        %lt3A_698 = vector.broadcast %lt3A_697 : i32 to vector<16xi32>
        %lt3A_699 = arith.cmpi slt, %xor3A_696, %lt3A_698 : vector<16xi32>
        %add3A_700 = arith.constant 16 : i32
        %add3A_701 = vector.broadcast %add3A_700 : i32 to vector<16xi32>
        %add3A_702 = arith.addi %xor3A_696, %add3A_701 : vector<16xi32>
        %select_n3A_703 = arith.select %lt3A_699, %add3A_702, %xor3A_696 : vector<16xi1>, vector<16xi32>
        %broadcast_in_dim3A_704 = vector.shape_cast %select_n3A_703 : vector<16xi32> to vector<16x1xi32>
        %gather3A_705 = vector.shape_cast %broadcast_in_dim3A_704 : vector<16x1xi32> to vector<16xi32>
        %gather3A_706 = tpu.dynamic_gather %add3A_692[%gather3A_705] in [0] : vector<16xf32>, vector<16xi32> -> vector<16xf32>
        %add3A_707 = arith.addf %add3A_692, %gather3A_706 : vector<16xf32>
        %iota3A_708 = tpu.iota {dimensions = array<i32: 0>} : vector<16xi32>
        %xor3A_709 = arith.constant 4 : i32
        %xor3A_710 = vector.broadcast %xor3A_709 : i32 to vector<16xi32>
        %xor3A_711 = arith.xori %iota3A_708, %xor3A_710 : vector<16xi32>
        %lt3A_712 = arith.constant 0 : i32
        %lt3A_713 = vector.broadcast %lt3A_712 : i32 to vector<16xi32>
        %lt3A_714 = arith.cmpi slt, %xor3A_711, %lt3A_713 : vector<16xi32>
        %add3A_715 = arith.constant 16 : i32
        %add3A_716 = vector.broadcast %add3A_715 : i32 to vector<16xi32>
        %add3A_717 = arith.addi %xor3A_711, %add3A_716 : vector<16xi32>
        %select_n3A_718 = arith.select %lt3A_714, %add3A_717, %xor3A_711 : vector<16xi1>, vector<16xi32>
        %broadcast_in_dim3A_719 = vector.shape_cast %select_n3A_718 : vector<16xi32> to vector<16x1xi32>
        %gather3A_720 = vector.shape_cast %broadcast_in_dim3A_719 : vector<16x1xi32> to vector<16xi32>
        %gather3A_721 = tpu.dynamic_gather %add3A_707[%gather3A_720] in [0] : vector<16xf32>, vector<16xi32> -> vector<16xf32>
        %add3A_722 = arith.addf %add3A_707, %gather3A_721 : vector<16xf32>
        %iota3A_723 = tpu.iota {dimensions = array<i32: 0>} : vector<16xi32>
        %xor3A_724 = arith.constant 8 : i32
        %xor3A_725 = vector.broadcast %xor3A_724 : i32 to vector<16xi32>
        %xor3A_726 = arith.xori %iota3A_723, %xor3A_725 : vector<16xi32>
        %lt3A_727 = arith.constant 0 : i32
        %lt3A_728 = vector.broadcast %lt3A_727 : i32 to vector<16xi32>
        %lt3A_729 = arith.cmpi slt, %xor3A_726, %lt3A_728 : vector<16xi32>
        %add3A_730 = arith.constant 16 : i32
        %add3A_731 = vector.broadcast %add3A_730 : i32 to vector<16xi32>
        %add3A_732 = arith.addi %xor3A_726, %add3A_731 : vector<16xi32>
        %select_n3A_733 = arith.select %lt3A_729, %add3A_732, %xor3A_726 : vector<16xi1>, vector<16xi32>
        %broadcast_in_dim3A_734 = vector.shape_cast %select_n3A_733 : vector<16xi32> to vector<16x1xi32>
        %gather3A_735 = vector.shape_cast %broadcast_in_dim3A_734 : vector<16x1xi32> to vector<16xi32>
        %gather3A_736 = tpu.dynamic_gather %add3A_722[%gather3A_735] in [0] : vector<16xf32>, vector<16xi32> -> vector<16xf32>
        %add3A_737 = arith.addf %add3A_722, %gather3A_736 : vector<16xf32>
        %mul3A_738 = arith.constant 1.562500e-02 : f32
        %mul3A_739 = vector.broadcast %mul3A_738 : f32 to vector<16xf32>
        %mul3A_740 = arith.mulf %add3A_737, %mul3A_739 : vector<16xf32>
        %mul3A_741 = arith.mulf %mul3A_677, %mul3A_677 : vector<16xf32>
        %sub3A_742 = arith.subf %mul3A_740, %mul3A_741 : vector<16xf32>
        %max3A_743 = arith.constant 0.000000e+00 : f32
        %max3A_744 = vector.broadcast %max3A_743 : f32 to vector<16xf32>
        %max3A_745 = arith.maximumf %sub3A_742, %max3A_744 : vector<16xf32>
        %add3A_746 = arith.constant 9.99999996E-13 : f32
        %add3A_747 = vector.broadcast %add3A_746 : f32 to vector<16xf32>
        %add3A_748 = arith.addf %max3A_745, %add3A_747 : vector<16xf32>
        %bitcast_convert_type3A_749 = tpu.bitcast %add3A_748 : vector<16xf32> -> vector<16xi32>
        %shift_right_arithmetic3A_750 = arith.constant 1 : i32
        %shift_right_arithmetic3A_751 = vector.broadcast %shift_right_arithmetic3A_750 : i32 to vector<16xi32>
        %shift_right_arithmetic3A_752 = arith.shrsi %bitcast_convert_type3A_749, %shift_right_arithmetic3A_751 : vector<16xi32>
        %sub3A_753 = arith.constant 1597463007 : i32
        %sub3A_754 = vector.broadcast %sub3A_753 : i32 to vector<16xi32>
        %sub3A_755 = arith.subi %sub3A_754, %shift_right_arithmetic3A_752 : vector<16xi32>
        %bitcast_convert_type3A_756 = tpu.bitcast %sub3A_755 : vector<16xi32> -> vector<16xf32>
        %mul3A_757 = arith.constant 5.000000e-01 : f32
        %mul3A_758 = vector.broadcast %mul3A_757 : f32 to vector<16xf32>
        %mul3A_759 = arith.mulf %mul3A_758, %add3A_748 : vector<16xf32>
        %mul3A_760 = arith.mulf %mul3A_759, %bitcast_convert_type3A_756 : vector<16xf32>
        %mul3A_761 = arith.mulf %mul3A_760, %bitcast_convert_type3A_756 : vector<16xf32>
        %sub3A_762 = arith.constant 1.500000e+00 : f32
        %sub3A_763 = vector.broadcast %sub3A_762 : f32 to vector<16xf32>
        %sub3A_764 = arith.subf %sub3A_763, %mul3A_761 : vector<16xf32>
        %mul3A_765 = arith.mulf %bitcast_convert_type3A_756, %sub3A_764 : vector<16xf32>
        %mul3A_766 = arith.mulf %mul3A_759, %mul3A_765 : vector<16xf32>
        %mul3A_767 = arith.mulf %mul3A_766, %mul3A_765 : vector<16xf32>
        %sub3A_768 = arith.constant 1.500000e+00 : f32
        %sub3A_769 = vector.broadcast %sub3A_768 : f32 to vector<16xf32>
        %sub3A_770 = arith.subf %sub3A_769, %mul3A_767 : vector<16xf32>
        %mul3A_771 = arith.mulf %mul3A_765, %sub3A_770 : vector<16xf32>
        %mul3A_772 = arith.mulf %mul3A_771, %get3A_4 : vector<16xf32>
        %mul3A_773 = arith.mulf %mul3A_771, %get3A_7 : vector<16xf32>
        %mul3A_774 = arith.mulf %mul3A_771, %get3A_10 : vector<16xf32>
        %mul3A_775 = arith.mulf %mul3A_771, %get3A_13 : vector<16xf32>
        %mul3A_776 = arith.mulf %add3A_577, %mul3A_772 : vector<16xf32>
        %mul3A_777 = arith.mulf %mul3A_677, %mul3A_772 : vector<16xf32>
        %sub3A_778 = arith.subf %mul3A_777, %get3A_16 : vector<16xf32>
        %sub3A_779 = arith.subf %mul3A_776, %sub3A_778 : vector<16xf32>
        %swap3A_780 = arith.index_cast %add3A_568 : i32 to index
        %swap3A_781 = arith.constant 64 : index
        %swap3A_782 = tpu.vector_load %arg11[%swap3A_780, %swap3A_781] {strides = array<i32>} : memref<100x128xf32, #tpu.memory_space<vmem>>, vector<1x16xf32>,
        %swap3A_783 = vector.shape_cast %swap3A_782 : vector<1x16xf32> to vector<16xf32>
        %swap3A_784 = vector.shape_cast %sub3A_779 : vector<16xf32> to vector<1x16xf32>
        tpu.vector_store %arg11[%swap3A_780, %swap3A_781], %swap3A_784 {strides = array<i32>} : memref<100x128xf32, #tpu.memory_space<vmem>>, vector<1x16xf32>,
        %mul3A_785 = arith.mulf %add3A_586, %mul3A_773 : vector<16xf32>
        %mul3A_786 = arith.mulf %mul3A_677, %mul3A_773 : vector<16xf32>
        %sub3A_787 = arith.subf %mul3A_786, %get3A_19 : vector<16xf32>
        %sub3A_788 = arith.subf %mul3A_785, %sub3A_787 : vector<16xf32>
        %swap3A_789 = arith.index_cast %add3A_568 : i32 to index
        %swap3A_790 = arith.constant 80 : index
        %swap3A_791 = tpu.vector_load %arg11[%swap3A_789, %swap3A_790] {strides = array<i32>} : memref<100x128xf32, #tpu.memory_space<vmem>>, vector<1x16xf32>,
        %swap3A_792 = vector.shape_cast %swap3A_791 : vector<1x16xf32> to vector<16xf32>
        %swap3A_793 = vector.shape_cast %sub3A_788 : vector<16xf32> to vector<1x16xf32>
        tpu.vector_store %arg11[%swap3A_789, %swap3A_790], %swap3A_793 {strides = array<i32>} : memref<100x128xf32, #tpu.memory_space<vmem>>, vector<1x16xf32>,
        %mul3A_794 = arith.mulf %add3A_595, %mul3A_774 : vector<16xf32>
        %mul3A_795 = arith.mulf %mul3A_677, %mul3A_774 : vector<16xf32>
        %sub3A_796 = arith.subf %mul3A_795, %get3A_22 : vector<16xf32>
        %sub3A_797 = arith.subf %mul3A_794, %sub3A_796 : vector<16xf32>
        %swap3A_798 = arith.index_cast %add3A_568 : i32 to index
        %swap3A_799 = arith.constant 96 : index
        %swap3A_800 = tpu.vector_load %arg11[%swap3A_798, %swap3A_799] {strides = array<i32>} : memref<100x128xf32, #tpu.memory_space<vmem>>, vector<1x16xf32>,
        %swap3A_801 = vector.shape_cast %swap3A_800 : vector<1x16xf32> to vector<16xf32>
        %swap3A_802 = vector.shape_cast %sub3A_797 : vector<16xf32> to vector<1x16xf32>
        tpu.vector_store %arg11[%swap3A_798, %swap3A_799], %swap3A_802 {strides = array<i32>} : memref<100x128xf32, #tpu.memory_space<vmem>>, vector<1x16xf32>,
        %mul3A_803 = arith.mulf %add3A_604, %mul3A_775 : vector<16xf32>
        %mul3A_804 = arith.mulf %mul3A_677, %mul3A_775 : vector<16xf32>
        %sub3A_805 = arith.subf %mul3A_804, %get3A_25 : vector<16xf32>
        %sub3A_806 = arith.subf %mul3A_803, %sub3A_805 : vector<16xf32>
        %swap3A_807 = arith.index_cast %add3A_568 : i32 to index
        %swap3A_808 = arith.constant 112 : index
        %swap3A_809 = tpu.vector_load %arg11[%swap3A_807, %swap3A_808] {strides = array<i32>} : memref<100x128xf32, #tpu.memory_space<vmem>>, vector<1x16xf32>,
        %swap3A_810 = vector.shape_cast %swap3A_809 : vector<1x16xf32> to vector<16xf32>
        %swap3A_811 = vector.shape_cast %sub3A_806 : vector<16xf32> to vector<1x16xf32>
        tpu.vector_store %arg11[%swap3A_807, %swap3A_808], %swap3A_811 {strides = array<i32>} : memref<100x128xf32, #tpu.memory_space<vmem>>, vector<1x16xf32>,
        %mul3A_812 = arith.constant 4 : i32
        %mul3A_813 = arith.muli %scan3A_317, %mul3A_812 : i32
        %add3A_814 = arith.constant 2 : i32
        %add3A_815 = arith.addi %mul3A_813, %add3A_814 : i32
        %mul3A_816 = arith.constant 2 : i32
        %mul3A_817 = arith.muli %scan3A_317, %mul3A_816 : i32
        %add3A_818 = arith.constant 1 : i32
        %add3A_819 = arith.addi %mul3A_817, %add3A_818 : i32
        %get3A_820 = arith.index_cast %add3A_815 : i32 to index
        %get3A_821 = arith.constant 0 : index
        %get3A_822 = tpu.vector_load %arg9[%get3A_820, %get3A_821] {strides = array<i32>} : memref<200x64xf32, #tpu.memory_space<vmem>>, vector<1x16xf32>,
        %get3A_823 = vector.shape_cast %get3A_822 : vector<1x16xf32> to vector<16xf32>
        %get3A_824 = arith.index_cast %add3A_815 : i32 to index
        %get3A_825 = arith.constant 0 : index
        %get3A_826 = tpu.vector_load %arg13[%get3A_824, %get3A_825] {strides = array<i32>} : memref<200x64xf32, #tpu.memory_space<vmem>>, vector<1x16xf32>,
        %get3A_827 = vector.shape_cast %get3A_826 : vector<1x16xf32> to vector<16xf32>
        %add3A_828 = arith.addf %get3A_823, %get3A_827 : vector<16xf32>
        %get3A_829 = arith.index_cast %add3A_815 : i32 to index
        %get3A_830 = arith.constant 16 : index
        %get3A_831 = tpu.vector_load %arg9[%get3A_829, %get3A_830] {strides = array<i32>} : memref<200x64xf32, #tpu.memory_space<vmem>>, vector<1x16xf32>,
        %get3A_832 = vector.shape_cast %get3A_831 : vector<1x16xf32> to vector<16xf32>
        %get3A_833 = arith.index_cast %add3A_815 : i32 to index
        %get3A_834 = arith.constant 16 : index
        %get3A_835 = tpu.vector_load %arg13[%get3A_833, %get3A_834] {strides = array<i32>} : memref<200x64xf32, #tpu.memory_space<vmem>>, vector<1x16xf32>,
        %get3A_836 = vector.shape_cast %get3A_835 : vector<1x16xf32> to vector<16xf32>
        %add3A_837 = arith.addf %get3A_832, %get3A_836 : vector<16xf32>
        %get3A_838 = arith.index_cast %add3A_815 : i32 to index
        %get3A_839 = arith.constant 32 : index
        %get3A_840 = tpu.vector_load %arg9[%get3A_838, %get3A_839] {strides = array<i32>} : memref<200x64xf32, #tpu.memory_space<vmem>>, vector<1x16xf32>,
        %get3A_841 = vector.shape_cast %get3A_840 : vector<1x16xf32> to vector<16xf32>
        %get3A_842 = arith.index_cast %add3A_815 : i32 to index
        %get3A_843 = arith.constant 32 : index
        %get3A_844 = tpu.vector_load %arg13[%get3A_842, %get3A_843] {strides = array<i32>} : memref<200x64xf32, #tpu.memory_space<vmem>>, vector<1x16xf32>,
        %get3A_845 = vector.shape_cast %get3A_844 : vector<1x16xf32> to vector<16xf32>
        %add3A_846 = arith.addf %get3A_841, %get3A_845 : vector<16xf32>
        %get3A_847 = arith.index_cast %add3A_815 : i32 to index
        %get3A_848 = arith.constant 48 : index
        %get3A_849 = tpu.vector_load %arg9[%get3A_847, %get3A_848] {strides = array<i32>} : memref<200x64xf32, #tpu.memory_space<vmem>>, vector<1x16xf32>,
        %get3A_850 = vector.shape_cast %get3A_849 : vector<1x16xf32> to vector<16xf32>
        %get3A_851 = arith.index_cast %add3A_815 : i32 to index
        %get3A_852 = arith.constant 48 : index
        %get3A_853 = tpu.vector_load %arg13[%get3A_851, %get3A_852] {strides = array<i32>} : memref<200x64xf32, #tpu.memory_space<vmem>>, vector<1x16xf32>,
        %get3A_854 = vector.shape_cast %get3A_853 : vector<1x16xf32> to vector<16xf32>
        %add3A_855 = arith.addf %get3A_850, %get3A_854 : vector<16xf32>
        %add3A_856 = arith.addf %add3A_828, %add3A_837 : vector<16xf32>
        %add3A_857 = arith.addf %add3A_846, %add3A_855 : vector<16xf32>
        %add3A_858 = arith.addf %add3A_856, %add3A_857 : vector<16xf32>
        %mul3A_859 = arith.mulf %add3A_828, %add3A_828 : vector<16xf32>
        %mul3A_860 = arith.mulf %add3A_837, %add3A_837 : vector<16xf32>
        %add3A_861 = arith.addf %mul3A_859, %mul3A_860 : vector<16xf32>
        %mul3A_862 = arith.mulf %add3A_846, %add3A_846 : vector<16xf32>
        %mul3A_863 = arith.mulf %add3A_855, %add3A_855 : vector<16xf32>
        %add3A_864 = arith.addf %mul3A_862, %mul3A_863 : vector<16xf32>
        %add3A_865 = arith.addf %add3A_861, %add3A_864 : vector<16xf32>
        %iota3A_866 = tpu.iota {dimensions = array<i32: 0>} : vector<16xi32>
        %xor3A_867 = arith.constant 1 : i32
        %xor3A_868 = vector.broadcast %xor3A_867 : i32 to vector<16xi32>
        %xor3A_869 = arith.xori %iota3A_866, %xor3A_868 : vector<16xi32>
        %lt3A_870 = arith.constant 0 : i32
        %lt3A_871 = vector.broadcast %lt3A_870 : i32 to vector<16xi32>
        %lt3A_872 = arith.cmpi slt, %xor3A_869, %lt3A_871 : vector<16xi32>
        %add3A_873 = arith.constant 16 : i32
        %add3A_874 = vector.broadcast %add3A_873 : i32 to vector<16xi32>
        %add3A_875 = arith.addi %xor3A_869, %add3A_874 : vector<16xi32>
        %select_n3A_876 = arith.select %lt3A_872, %add3A_875, %xor3A_869 : vector<16xi1>, vector<16xi32>
        %broadcast_in_dim3A_877 = vector.shape_cast %select_n3A_876 : vector<16xi32> to vector<16x1xi32>
        %gather3A_878 = vector.shape_cast %broadcast_in_dim3A_877 : vector<16x1xi32> to vector<16xi32>
        %gather3A_879 = tpu.dynamic_gather %add3A_858[%gather3A_878] in [0] : vector<16xf32>, vector<16xi32> -> vector<16xf32>
        %add3A_880 = arith.addf %add3A_858, %gather3A_879 : vector<16xf32>
        %iota3A_881 = tpu.iota {dimensions = array<i32: 0>} : vector<16xi32>
        %xor3A_882 = arith.constant 2 : i32
        %xor3A_883 = vector.broadcast %xor3A_882 : i32 to vector<16xi32>
        %xor3A_884 = arith.xori %iota3A_881, %xor3A_883 : vector<16xi32>
        %lt3A_885 = arith.constant 0 : i32
        %lt3A_886 = vector.broadcast %lt3A_885 : i32 to vector<16xi32>
        %lt3A_887 = arith.cmpi slt, %xor3A_884, %lt3A_886 : vector<16xi32>
        %add3A_888 = arith.constant 16 : i32
        %add3A_889 = vector.broadcast %add3A_888 : i32 to vector<16xi32>
        %add3A_890 = arith.addi %xor3A_884, %add3A_889 : vector<16xi32>
        %select_n3A_891 = arith.select %lt3A_887, %add3A_890, %xor3A_884 : vector<16xi1>, vector<16xi32>
        %broadcast_in_dim3A_892 = vector.shape_cast %select_n3A_891 : vector<16xi32> to vector<16x1xi32>
        %gather3A_893 = vector.shape_cast %broadcast_in_dim3A_892 : vector<16x1xi32> to vector<16xi32>
        %gather3A_894 = tpu.dynamic_gather %add3A_880[%gather3A_893] in [0] : vector<16xf32>, vector<16xi32> -> vector<16xf32>
        %add3A_895 = arith.addf %add3A_880, %gather3A_894 : vector<16xf32>
        %iota3A_896 = tpu.iota {dimensions = array<i32: 0>} : vector<16xi32>
        %xor3A_897 = arith.constant 4 : i32
        %xor3A_898 = vector.broadcast %xor3A_897 : i32 to vector<16xi32>
        %xor3A_899 = arith.xori %iota3A_896, %xor3A_898 : vector<16xi32>
        %lt3A_900 = arith.constant 0 : i32
        %lt3A_901 = vector.broadcast %lt3A_900 : i32 to vector<16xi32>
        %lt3A_902 = arith.cmpi slt, %xor3A_899, %lt3A_901 : vector<16xi32>
        %add3A_903 = arith.constant 16 : i32
        %add3A_904 = vector.broadcast %add3A_903 : i32 to vector<16xi32>
        %add3A_905 = arith.addi %xor3A_899, %add3A_904 : vector<16xi32>
        %select_n3A_906 = arith.select %lt3A_902, %add3A_905, %xor3A_899 : vector<16xi1>, vector<16xi32>
        %broadcast_in_dim3A_907 = vector.shape_cast %select_n3A_906 : vector<16xi32> to vector<16x1xi32>
        %gather3A_908 = vector.shape_cast %broadcast_in_dim3A_907 : vector<16x1xi32> to vector<16xi32>
        %gather3A_909 = tpu.dynamic_gather %add3A_895[%gather3A_908] in [0] : vector<16xf32>, vector<16xi32> -> vector<16xf32>
        %add3A_910 = arith.addf %add3A_895, %gather3A_909 : vector<16xf32>
        %iota3A_911 = tpu.iota {dimensions = array<i32: 0>} : vector<16xi32>
        %xor3A_912 = arith.constant 8 : i32
        %xor3A_913 = vector.broadcast %xor3A_912 : i32 to vector<16xi32>
        %xor3A_914 = arith.xori %iota3A_911, %xor3A_913 : vector<16xi32>
        %lt3A_915 = arith.constant 0 : i32
        %lt3A_916 = vector.broadcast %lt3A_915 : i32 to vector<16xi32>
        %lt3A_917 = arith.cmpi slt, %xor3A_914, %lt3A_916 : vector<16xi32>
        %add3A_918 = arith.constant 16 : i32
        %add3A_919 = vector.broadcast %add3A_918 : i32 to vector<16xi32>
        %add3A_920 = arith.addi %xor3A_914, %add3A_919 : vector<16xi32>
        %select_n3A_921 = arith.select %lt3A_917, %add3A_920, %xor3A_914 : vector<16xi1>, vector<16xi32>
        %broadcast_in_dim3A_922 = vector.shape_cast %select_n3A_921 : vector<16xi32> to vector<16x1xi32>
        %gather3A_923 = vector.shape_cast %broadcast_in_dim3A_922 : vector<16x1xi32> to vector<16xi32>
        %gather3A_924 = tpu.dynamic_gather %add3A_910[%gather3A_923] in [0] : vector<16xf32>, vector<16xi32> -> vector<16xf32>
        %add3A_925 = arith.addf %add3A_910, %gather3A_924 : vector<16xf32>
        %mul3A_926 = arith.constant 1.562500e-02 : f32
        %mul3A_927 = vector.broadcast %mul3A_926 : f32 to vector<16xf32>
        %mul3A_928 = arith.mulf %add3A_925, %mul3A_927 : vector<16xf32>
        %iota3A_929 = tpu.iota {dimensions = array<i32: 0>} : vector<16xi32>
        %xor3A_930 = arith.constant 1 : i32
        %xor3A_931 = vector.broadcast %xor3A_930 : i32 to vector<16xi32>
        %xor3A_932 = arith.xori %iota3A_929, %xor3A_931 : vector<16xi32>
        %lt3A_933 = arith.constant 0 : i32
        %lt3A_934 = vector.broadcast %lt3A_933 : i32 to vector<16xi32>
        %lt3A_935 = arith.cmpi slt, %xor3A_932, %lt3A_934 : vector<16xi32>
        %add3A_936 = arith.constant 16 : i32
        %add3A_937 = vector.broadcast %add3A_936 : i32 to vector<16xi32>
        %add3A_938 = arith.addi %xor3A_932, %add3A_937 : vector<16xi32>
        %select_n3A_939 = arith.select %lt3A_935, %add3A_938, %xor3A_932 : vector<16xi1>, vector<16xi32>
        %broadcast_in_dim3A_940 = vector.shape_cast %select_n3A_939 : vector<16xi32> to vector<16x1xi32>
        %gather3A_941 = vector.shape_cast %broadcast_in_dim3A_940 : vector<16x1xi32> to vector<16xi32>
        %gather3A_942 = tpu.dynamic_gather %add3A_865[%gather3A_941] in [0] : vector<16xf32>, vector<16xi32> -> vector<16xf32>
        %add3A_943 = arith.addf %add3A_865, %gather3A_942 : vector<16xf32>
        %iota3A_944 = tpu.iota {dimensions = array<i32: 0>} : vector<16xi32>
        %xor3A_945 = arith.constant 2 : i32
        %xor3A_946 = vector.broadcast %xor3A_945 : i32 to vector<16xi32>
        %xor3A_947 = arith.xori %iota3A_944, %xor3A_946 : vector<16xi32>
        %lt3A_948 = arith.constant 0 : i32
        %lt3A_949 = vector.broadcast %lt3A_948 : i32 to vector<16xi32>
        %lt3A_950 = arith.cmpi slt, %xor3A_947, %lt3A_949 : vector<16xi32>
        %add3A_951 = arith.constant 16 : i32
        %add3A_952 = vector.broadcast %add3A_951 : i32 to vector<16xi32>
        %add3A_953 = arith.addi %xor3A_947, %add3A_952 : vector<16xi32>
        %select_n3A_954 = arith.select %lt3A_950, %add3A_953, %xor3A_947 : vector<16xi1>, vector<16xi32>
        %broadcast_in_dim3A_955 = vector.shape_cast %select_n3A_954 : vector<16xi32> to vector<16x1xi32>
        %gather3A_956 = vector.shape_cast %broadcast_in_dim3A_955 : vector<16x1xi32> to vector<16xi32>
        %gather3A_957 = tpu.dynamic_gather %add3A_943[%gather3A_956] in [0] : vector<16xf32>, vector<16xi32> -> vector<16xf32>
        %add3A_958 = arith.addf %add3A_943, %gather3A_957 : vector<16xf32>
        %iota3A_959 = tpu.iota {dimensions = array<i32: 0>} : vector<16xi32>
        %xor3A_960 = arith.constant 4 : i32
        %xor3A_961 = vector.broadcast %xor3A_960 : i32 to vector<16xi32>
        %xor3A_962 = arith.xori %iota3A_959, %xor3A_961 : vector<16xi32>
        %lt3A_963 = arith.constant 0 : i32
        %lt3A_964 = vector.broadcast %lt3A_963 : i32 to vector<16xi32>
        %lt3A_965 = arith.cmpi slt, %xor3A_962, %lt3A_964 : vector<16xi32>
        %add3A_966 = arith.constant 16 : i32
        %add3A_967 = vector.broadcast %add3A_966 : i32 to vector<16xi32>
        %add3A_968 = arith.addi %xor3A_962, %add3A_967 : vector<16xi32>
        %select_n3A_969 = arith.select %lt3A_965, %add3A_968, %xor3A_962 : vector<16xi1>, vector<16xi32>
        %broadcast_in_dim3A_970 = vector.shape_cast %select_n3A_969 : vector<16xi32> to vector<16x1xi32>
        %gather3A_971 = vector.shape_cast %broadcast_in_dim3A_970 : vector<16x1xi32> to vector<16xi32>
        %gather3A_972 = tpu.dynamic_gather %add3A_958[%gather3A_971] in [0] : vector<16xf32>, vector<16xi32> -> vector<16xf32>
        %add3A_973 = arith.addf %add3A_958, %gather3A_972 : vector<16xf32>
        %iota3A_974 = tpu.iota {dimensions = array<i32: 0>} : vector<16xi32>
        %xor3A_975 = arith.constant 8 : i32
        %xor3A_976 = vector.broadcast %xor3A_975 : i32 to vector<16xi32>
        %xor3A_977 = arith.xori %iota3A_974, %xor3A_976 : vector<16xi32>
        %lt3A_978 = arith.constant 0 : i32
        %lt3A_979 = vector.broadcast %lt3A_978 : i32 to vector<16xi32>
        %lt3A_980 = arith.cmpi slt, %xor3A_977, %lt3A_979 : vector<16xi32>
        %add3A_981 = arith.constant 16 : i32
        %add3A_982 = vector.broadcast %add3A_981 : i32 to vector<16xi32>
        %add3A_983 = arith.addi %xor3A_977, %add3A_982 : vector<16xi32>
        %select_n3A_984 = arith.select %lt3A_980, %add3A_983, %xor3A_977 : vector<16xi1>, vector<16xi32>
        %broadcast_in_dim3A_985 = vector.shape_cast %select_n3A_984 : vector<16xi32> to vector<16x1xi32>
        %gather3A_986 = vector.shape_cast %broadcast_in_dim3A_985 : vector<16x1xi32> to vector<16xi32>
        %gather3A_987 = tpu.dynamic_gather %add3A_973[%gather3A_986] in [0] : vector<16xf32>, vector<16xi32> -> vector<16xf32>
        %add3A_988 = arith.addf %add3A_973, %gather3A_987 : vector<16xf32>
        %mul3A_989 = arith.constant 1.562500e-02 : f32
        %mul3A_990 = vector.broadcast %mul3A_989 : f32 to vector<16xf32>
        %mul3A_991 = arith.mulf %add3A_988, %mul3A_990 : vector<16xf32>
        %mul3A_992 = arith.mulf %mul3A_928, %mul3A_928 : vector<16xf32>
        %sub3A_993 = arith.subf %mul3A_991, %mul3A_992 : vector<16xf32>
        %max3A_994 = arith.constant 0.000000e+00 : f32
        %max3A_995 = vector.broadcast %max3A_994 : f32 to vector<16xf32>
        %max3A_996 = arith.maximumf %sub3A_993, %max3A_995 : vector<16xf32>
        %add3A_997 = arith.constant 9.99999996E-13 : f32
        %add3A_998 = vector.broadcast %add3A_997 : f32 to vector<16xf32>
        %add3A_999 = arith.addf %max3A_996, %add3A_998 : vector<16xf32>
        %bitcast_convert_type3A_1000 = tpu.bitcast %add3A_999 : vector<16xf32> -> vector<16xi32>
        %shift_right_arithmetic3A_1001 = arith.constant 1 : i32
        %shift_right_arithmetic3A_1002 = vector.broadcast %shift_right_arithmetic3A_1001 : i32 to vector<16xi32>
        %shift_right_arithmetic3A_1003 = arith.shrsi %bitcast_convert_type3A_1000, %shift_right_arithmetic3A_1002 : vector<16xi32>
        %sub3A_1004 = arith.constant 1597463007 : i32
        %sub3A_1005 = vector.broadcast %sub3A_1004 : i32 to vector<16xi32>
        %sub3A_1006 = arith.subi %sub3A_1005, %shift_right_arithmetic3A_1003 : vector<16xi32>
        %bitcast_convert_type3A_1007 = tpu.bitcast %sub3A_1006 : vector<16xi32> -> vector<16xf32>
        %mul3A_1008 = arith.constant 5.000000e-01 : f32
        %mul3A_1009 = vector.broadcast %mul3A_1008 : f32 to vector<16xf32>
        %mul3A_1010 = arith.mulf %mul3A_1009, %add3A_999 : vector<16xf32>
        %mul3A_1011 = arith.mulf %mul3A_1010, %bitcast_convert_type3A_1007 : vector<16xf32>
        %mul3A_1012 = arith.mulf %mul3A_1011, %bitcast_convert_type3A_1007 : vector<16xf32>
        %sub3A_1013 = arith.constant 1.500000e+00 : f32
        %sub3A_1014 = vector.broadcast %sub3A_1013 : f32 to vector<16xf32>
        %sub3A_1015 = arith.subf %sub3A_1014, %mul3A_1012 : vector<16xf32>
        %mul3A_1016 = arith.mulf %bitcast_convert_type3A_1007, %sub3A_1015 : vector<16xf32>
        %mul3A_1017 = arith.mulf %mul3A_1010, %mul3A_1016 : vector<16xf32>
        %mul3A_1018 = arith.mulf %mul3A_1017, %mul3A_1016 : vector<16xf32>
        %sub3A_1019 = arith.constant 1.500000e+00 : f32
        %sub3A_1020 = vector.broadcast %sub3A_1019 : f32 to vector<16xf32>
        %sub3A_1021 = arith.subf %sub3A_1020, %mul3A_1018 : vector<16xf32>
        %mul3A_1022 = arith.mulf %mul3A_1016, %sub3A_1021 : vector<16xf32>
        %mul3A_1023 = arith.mulf %mul3A_1022, %get3A_4 : vector<16xf32>
        %mul3A_1024 = arith.mulf %mul3A_1022, %get3A_7 : vector<16xf32>
        %mul3A_1025 = arith.mulf %mul3A_1022, %get3A_10 : vector<16xf32>
        %mul3A_1026 = arith.mulf %mul3A_1022, %get3A_13 : vector<16xf32>
        %mul3A_1027 = arith.mulf %add3A_828, %mul3A_1023 : vector<16xf32>
        %mul3A_1028 = arith.mulf %mul3A_928, %mul3A_1023 : vector<16xf32>
        %sub3A_1029 = arith.subf %mul3A_1028, %get3A_16 : vector<16xf32>
        %sub3A_1030 = arith.subf %mul3A_1027, %sub3A_1029 : vector<16xf32>
        %swap3A_1031 = arith.index_cast %add3A_819 : i32 to index
        %swap3A_1032 = arith.constant 0 : index
        %swap3A_1033 = tpu.vector_load %arg11[%swap3A_1031, %swap3A_1032] {strides = array<i32>} : memref<100x128xf32, #tpu.memory_space<vmem>>, vector<1x16xf32>,
        %swap3A_1034 = vector.shape_cast %swap3A_1033 : vector<1x16xf32> to vector<16xf32>
        %swap3A_1035 = vector.shape_cast %sub3A_1030 : vector<16xf32> to vector<1x16xf32>
        tpu.vector_store %arg11[%swap3A_1031, %swap3A_1032], %swap3A_1035 {strides = array<i32>} : memref<100x128xf32, #tpu.memory_space<vmem>>, vector<1x16xf32>,
        %mul3A_1036 = arith.mulf %add3A_837, %mul3A_1024 : vector<16xf32>
        %mul3A_1037 = arith.mulf %mul3A_928, %mul3A_1024 : vector<16xf32>
        %sub3A_1038 = arith.subf %mul3A_1037, %get3A_19 : vector<16xf32>
        %sub3A_1039 = arith.subf %mul3A_1036, %sub3A_1038 : vector<16xf32>
        %swap3A_1040 = arith.index_cast %add3A_819 : i32 to index
        %swap3A_1041 = arith.constant 16 : index
        %swap3A_1042 = tpu.vector_load %arg11[%swap3A_1040, %swap3A_1041] {strides = array<i32>} : memref<100x128xf32, #tpu.memory_space<vmem>>, vector<1x16xf32>,
        %swap3A_1043 = vector.shape_cast %swap3A_1042 : vector<1x16xf32> to vector<16xf32>
        %swap3A_1044 = vector.shape_cast %sub3A_1039 : vector<16xf32> to vector<1x16xf32>
        tpu.vector_store %arg11[%swap3A_1040, %swap3A_1041], %swap3A_1044 {strides = array<i32>} : memref<100x128xf32, #tpu.memory_space<vmem>>, vector<1x16xf32>,
        %mul3A_1045 = arith.mulf %add3A_846, %mul3A_1025 : vector<16xf32>
        %mul3A_1046 = arith.mulf %mul3A_928, %mul3A_1025 : vector<16xf32>
        %sub3A_1047 = arith.subf %mul3A_1046, %get3A_22 : vector<16xf32>
        %sub3A_1048 = arith.subf %mul3A_1045, %sub3A_1047 : vector<16xf32>
        %swap3A_1049 = arith.index_cast %add3A_819 : i32 to index
        %swap3A_1050 = arith.constant 32 : index
        %swap3A_1051 = tpu.vector_load %arg11[%swap3A_1049, %swap3A_1050] {strides = array<i32>} : memref<100x128xf32, #tpu.memory_space<vmem>>, vector<1x16xf32>,
        %swap3A_1052 = vector.shape_cast %swap3A_1051 : vector<1x16xf32> to vector<16xf32>
        %swap3A_1053 = vector.shape_cast %sub3A_1048 : vector<16xf32> to vector<1x16xf32>
        tpu.vector_store %arg11[%swap3A_1049, %swap3A_1050], %swap3A_1053 {strides = array<i32>} : memref<100x128xf32, #tpu.memory_space<vmem>>, vector<1x16xf32>,
        %mul3A_1054 = arith.mulf %add3A_855, %mul3A_1026 : vector<16xf32>
        %mul3A_1055 = arith.mulf %mul3A_928, %mul3A_1026 : vector<16xf32>
        %sub3A_1056 = arith.subf %mul3A_1055, %get3A_25 : vector<16xf32>
        %sub3A_1057 = arith.subf %mul3A_1054, %sub3A_1056 : vector<16xf32>
        %swap3A_1058 = arith.index_cast %add3A_819 : i32 to index
        %swap3A_1059 = arith.constant 48 : index
        %swap3A_1060 = tpu.vector_load %arg11[%swap3A_1058, %swap3A_1059] {strides = array<i32>} : memref<100x128xf32, #tpu.memory_space<vmem>>, vector<1x16xf32>,
        %swap3A_1061 = vector.shape_cast %swap3A_1060 : vector<1x16xf32> to vector<16xf32>
        %swap3A_1062 = vector.shape_cast %sub3A_1057 : vector<16xf32> to vector<1x16xf32>
        tpu.vector_store %arg11[%swap3A_1058, %swap3A_1059], %swap3A_1062 {strides = array<i32>} : memref<100x128xf32, #tpu.memory_space<vmem>>, vector<1x16xf32>,
        %mul3A_1063 = arith.constant 4 : i32
        %mul3A_1064 = arith.muli %scan3A_317, %mul3A_1063 : i32
        %add3A_1065 = arith.constant 3 : i32
        %add3A_1066 = arith.addi %mul3A_1064, %add3A_1065 : i32
        %mul3A_1067 = arith.constant 2 : i32
        %mul3A_1068 = arith.muli %scan3A_317, %mul3A_1067 : i32
        %add3A_1069 = arith.constant 1 : i32
        %add3A_1070 = arith.addi %mul3A_1068, %add3A_1069 : i32
        %get3A_1071 = arith.index_cast %add3A_1066 : i32 to index
        %get3A_1072 = arith.constant 0 : index
        %get3A_1073 = tpu.vector_load %arg9[%get3A_1071, %get3A_1072] {strides = array<i32>} : memref<200x64xf32, #tpu.memory_space<vmem>>, vector<1x16xf32>,
        %get3A_1074 = vector.shape_cast %get3A_1073 : vector<1x16xf32> to vector<16xf32>
        %get3A_1075 = arith.index_cast %add3A_1066 : i32 to index
        %get3A_1076 = arith.constant 0 : index
        %get3A_1077 = tpu.vector_load %arg13[%get3A_1075, %get3A_1076] {strides = array<i32>} : memref<200x64xf32, #tpu.memory_space<vmem>>, vector<1x16xf32>,
        %get3A_1078 = vector.shape_cast %get3A_1077 : vector<1x16xf32> to vector<16xf32>
        %add3A_1079 = arith.addf %get3A_1074, %get3A_1078 : vector<16xf32>
        %get3A_1080 = arith.index_cast %add3A_1066 : i32 to index
        %get3A_1081 = arith.constant 16 : index
        %get3A_1082 = tpu.vector_load %arg9[%get3A_1080, %get3A_1081] {strides = array<i32>} : memref<200x64xf32, #tpu.memory_space<vmem>>, vector<1x16xf32>,
        %get3A_1083 = vector.shape_cast %get3A_1082 : vector<1x16xf32> to vector<16xf32>
        %get3A_1084 = arith.index_cast %add3A_1066 : i32 to index
        %get3A_1085 = arith.constant 16 : index
        %get3A_1086 = tpu.vector_load %arg13[%get3A_1084, %get3A_1085] {strides = array<i32>} : memref<200x64xf32, #tpu.memory_space<vmem>>, vector<1x16xf32>,
        %get3A_1087 = vector.shape_cast %get3A_1086 : vector<1x16xf32> to vector<16xf32>
        %add3A_1088 = arith.addf %get3A_1083, %get3A_1087 : vector<16xf32>
        %get3A_1089 = arith.index_cast %add3A_1066 : i32 to index
        %get3A_1090 = arith.constant 32 : index
        %get3A_1091 = tpu.vector_load %arg9[%get3A_1089, %get3A_1090] {strides = array<i32>} : memref<200x64xf32, #tpu.memory_space<vmem>>, vector<1x16xf32>,
        %get3A_1092 = vector.shape_cast %get3A_1091 : vector<1x16xf32> to vector<16xf32>
        %get3A_1093 = arith.index_cast %add3A_1066 : i32 to index
        %get3A_1094 = arith.constant 32 : index
        %get3A_1095 = tpu.vector_load %arg13[%get3A_1093, %get3A_1094] {strides = array<i32>} : memref<200x64xf32, #tpu.memory_space<vmem>>, vector<1x16xf32>,
        %get3A_1096 = vector.shape_cast %get3A_1095 : vector<1x16xf32> to vector<16xf32>
        %add3A_1097 = arith.addf %get3A_1092, %get3A_1096 : vector<16xf32>
        %get3A_1098 = arith.index_cast %add3A_1066 : i32 to index
        %get3A_1099 = arith.constant 48 : index
        %get3A_1100 = tpu.vector_load %arg9[%get3A_1098, %get3A_1099] {strides = array<i32>} : memref<200x64xf32, #tpu.memory_space<vmem>>, vector<1x16xf32>,
        %get3A_1101 = vector.shape_cast %get3A_1100 : vector<1x16xf32> to vector<16xf32>
        %get3A_1102 = arith.index_cast %add3A_1066 : i32 to index
        %get3A_1103 = arith.constant 48 : index
        %get3A_1104 = tpu.vector_load %arg13[%get3A_1102, %get3A_1103] {strides = array<i32>} : memref<200x64xf32, #tpu.memory_space<vmem>>, vector<1x16xf32>,
        %get3A_1105 = vector.shape_cast %get3A_1104 : vector<1x16xf32> to vector<16xf32>
        %add3A_1106 = arith.addf %get3A_1101, %get3A_1105 : vector<16xf32>
        %add3A_1107 = arith.addf %add3A_1079, %add3A_1088 : vector<16xf32>
        %add3A_1108 = arith.addf %add3A_1097, %add3A_1106 : vector<16xf32>
        %add3A_1109 = arith.addf %add3A_1107, %add3A_1108 : vector<16xf32>
        %mul3A_1110 = arith.mulf %add3A_1079, %add3A_1079 : vector<16xf32>
        %mul3A_1111 = arith.mulf %add3A_1088, %add3A_1088 : vector<16xf32>
        %add3A_1112 = arith.addf %mul3A_1110, %mul3A_1111 : vector<16xf32>
        %mul3A_1113 = arith.mulf %add3A_1097, %add3A_1097 : vector<16xf32>
        %mul3A_1114 = arith.mulf %add3A_1106, %add3A_1106 : vector<16xf32>
        %add3A_1115 = arith.addf %mul3A_1113, %mul3A_1114 : vector<16xf32>
        %add3A_1116 = arith.addf %add3A_1112, %add3A_1115 : vector<16xf32>
        %iota3A_1117 = tpu.iota {dimensions = array<i32: 0>} : vector<16xi32>
        %xor3A_1118 = arith.constant 1 : i32
        %xor3A_1119 = vector.broadcast %xor3A_1118 : i32 to vector<16xi32>
        %xor3A_1120 = arith.xori %iota3A_1117, %xor3A_1119 : vector<16xi32>
        %lt3A_1121 = arith.constant 0 : i32
        %lt3A_1122 = vector.broadcast %lt3A_1121 : i32 to vector<16xi32>
        %lt3A_1123 = arith.cmpi slt, %xor3A_1120, %lt3A_1122 : vector<16xi32>
        %add3A_1124 = arith.constant 16 : i32
        %add3A_1125 = vector.broadcast %add3A_1124 : i32 to vector<16xi32>
        %add3A_1126 = arith.addi %xor3A_1120, %add3A_1125 : vector<16xi32>
        %select_n3A_1127 = arith.select %lt3A_1123, %add3A_1126, %xor3A_1120 : vector<16xi1>, vector<16xi32>
        %broadcast_in_dim3A_1128 = vector.shape_cast %select_n3A_1127 : vector<16xi32> to vector<16x1xi32>
        %gather3A_1129 = vector.shape_cast %broadcast_in_dim3A_1128 : vector<16x1xi32> to vector<16xi32>
        %gather3A_1130 = tpu.dynamic_gather %add3A_1109[%gather3A_1129] in [0] : vector<16xf32>, vector<16xi32> -> vector<16xf32>
        %add3A_1131 = arith.addf %add3A_1109, %gather3A_1130 : vector<16xf32>
        %iota3A_1132 = tpu.iota {dimensions = array<i32: 0>} : vector<16xi32>
        %xor3A_1133 = arith.constant 2 : i32
        %xor3A_1134 = vector.broadcast %xor3A_1133 : i32 to vector<16xi32>
        %xor3A_1135 = arith.xori %iota3A_1132, %xor3A_1134 : vector<16xi32>
        %lt3A_1136 = arith.constant 0 : i32
        %lt3A_1137 = vector.broadcast %lt3A_1136 : i32 to vector<16xi32>
        %lt3A_1138 = arith.cmpi slt, %xor3A_1135, %lt3A_1137 : vector<16xi32>
        %add3A_1139 = arith.constant 16 : i32
        %add3A_1140 = vector.broadcast %add3A_1139 : i32 to vector<16xi32>
        %add3A_1141 = arith.addi %xor3A_1135, %add3A_1140 : vector<16xi32>
        %select_n3A_1142 = arith.select %lt3A_1138, %add3A_1141, %xor3A_1135 : vector<16xi1>, vector<16xi32>
        %broadcast_in_dim3A_1143 = vector.shape_cast %select_n3A_1142 : vector<16xi32> to vector<16x1xi32>
        %gather3A_1144 = vector.shape_cast %broadcast_in_dim3A_1143 : vector<16x1xi32> to vector<16xi32>
        %gather3A_1145 = tpu.dynamic_gather %add3A_1131[%gather3A_1144] in [0] : vector<16xf32>, vector<16xi32> -> vector<16xf32>
        %add3A_1146 = arith.addf %add3A_1131, %gather3A_1145 : vector<16xf32>
        %iota3A_1147 = tpu.iota {dimensions = array<i32: 0>} : vector<16xi32>
        %xor3A_1148 = arith.constant 4 : i32
        %xor3A_1149 = vector.broadcast %xor3A_1148 : i32 to vector<16xi32>
        %xor3A_1150 = arith.xori %iota3A_1147, %xor3A_1149 : vector<16xi32>
        %lt3A_1151 = arith.constant 0 : i32
        %lt3A_1152 = vector.broadcast %lt3A_1151 : i32 to vector<16xi32>
        %lt3A_1153 = arith.cmpi slt, %xor3A_1150, %lt3A_1152 : vector<16xi32>
        %add3A_1154 = arith.constant 16 : i32
        %add3A_1155 = vector.broadcast %add3A_1154 : i32 to vector<16xi32>
        %add3A_1156 = arith.addi %xor3A_1150, %add3A_1155 : vector<16xi32>
        %select_n3A_1157 = arith.select %lt3A_1153, %add3A_1156, %xor3A_1150 : vector<16xi1>, vector<16xi32>
        %broadcast_in_dim3A_1158 = vector.shape_cast %select_n3A_1157 : vector<16xi32> to vector<16x1xi32>
        %gather3A_1159 = vector.shape_cast %broadcast_in_dim3A_1158 : vector<16x1xi32> to vector<16xi32>
        %gather3A_1160 = tpu.dynamic_gather %add3A_1146[%gather3A_1159] in [0] : vector<16xf32>, vector<16xi32> -> vector<16xf32>
        %add3A_1161 = arith.addf %add3A_1146, %gather3A_1160 : vector<16xf32>
        %iota3A_1162 = tpu.iota {dimensions = array<i32: 0>} : vector<16xi32>
        %xor3A_1163 = arith.constant 8 : i32
        %xor3A_1164 = vector.broadcast %xor3A_1163 : i32 to vector<16xi32>
        %xor3A_1165 = arith.xori %iota3A_1162, %xor3A_1164 : vector<16xi32>
        %lt3A_1166 = arith.constant 0 : i32
        %lt3A_1167 = vector.broadcast %lt3A_1166 : i32 to vector<16xi32>
        %lt3A_1168 = arith.cmpi slt, %xor3A_1165, %lt3A_1167 : vector<16xi32>
        %add3A_1169 = arith.constant 16 : i32
        %add3A_1170 = vector.broadcast %add3A_1169 : i32 to vector<16xi32>
        %add3A_1171 = arith.addi %xor3A_1165, %add3A_1170 : vector<16xi32>
        %select_n3A_1172 = arith.select %lt3A_1168, %add3A_1171, %xor3A_1165 : vector<16xi1>, vector<16xi32>
        %broadcast_in_dim3A_1173 = vector.shape_cast %select_n3A_1172 : vector<16xi32> to vector<16x1xi32>
        %gather3A_1174 = vector.shape_cast %broadcast_in_dim3A_1173 : vector<16x1xi32> to vector<16xi32>
        %gather3A_1175 = tpu.dynamic_gather %add3A_1161[%gather3A_1174] in [0] : vector<16xf32>, vector<16xi32> -> vector<16xf32>
        %add3A_1176 = arith.addf %add3A_1161, %gather3A_1175 : vector<16xf32>
        %mul3A_1177 = arith.constant 1.562500e-02 : f32
        %mul3A_1178 = vector.broadcast %mul3A_1177 : f32 to vector<16xf32>
        %mul3A_1179 = arith.mulf %add3A_1176, %mul3A_1178 : vector<16xf32>
        %iota3A_1180 = tpu.iota {dimensions = array<i32: 0>} : vector<16xi32>
        %xor3A_1181 = arith.constant 1 : i32
        %xor3A_1182 = vector.broadcast %xor3A_1181 : i32 to vector<16xi32>
        %xor3A_1183 = arith.xori %iota3A_1180, %xor3A_1182 : vector<16xi32>
        %lt3A_1184 = arith.constant 0 : i32
        %lt3A_1185 = vector.broadcast %lt3A_1184 : i32 to vector<16xi32>
        %lt3A_1186 = arith.cmpi slt, %xor3A_1183, %lt3A_1185 : vector<16xi32>
        %add3A_1187 = arith.constant 16 : i32
        %add3A_1188 = vector.broadcast %add3A_1187 : i32 to vector<16xi32>
        %add3A_1189 = arith.addi %xor3A_1183, %add3A_1188 : vector<16xi32>
        %select_n3A_1190 = arith.select %lt3A_1186, %add3A_1189, %xor3A_1183 : vector<16xi1>, vector<16xi32>
        %broadcast_in_dim3A_1191 = vector.shape_cast %select_n3A_1190 : vector<16xi32> to vector<16x1xi32>
        %gather3A_1192 = vector.shape_cast %broadcast_in_dim3A_1191 : vector<16x1xi32> to vector<16xi32>
        %gather3A_1193 = tpu.dynamic_gather %add3A_1116[%gather3A_1192] in [0] : vector<16xf32>, vector<16xi32> -> vector<16xf32>
        %add3A_1194 = arith.addf %add3A_1116, %gather3A_1193 : vector<16xf32>
        %iota3A_1195 = tpu.iota {dimensions = array<i32: 0>} : vector<16xi32>
        %xor3A_1196 = arith.constant 2 : i32
        %xor3A_1197 = vector.broadcast %xor3A_1196 : i32 to vector<16xi32>
        %xor3A_1198 = arith.xori %iota3A_1195, %xor3A_1197 : vector<16xi32>
        %lt3A_1199 = arith.constant 0 : i32
        %lt3A_1200 = vector.broadcast %lt3A_1199 : i32 to vector<16xi32>
        %lt3A_1201 = arith.cmpi slt, %xor3A_1198, %lt3A_1200 : vector<16xi32>
        %add3A_1202 = arith.constant 16 : i32
        %add3A_1203 = vector.broadcast %add3A_1202 : i32 to vector<16xi32>
        %add3A_1204 = arith.addi %xor3A_1198, %add3A_1203 : vector<16xi32>
        %select_n3A_1205 = arith.select %lt3A_1201, %add3A_1204, %xor3A_1198 : vector<16xi1>, vector<16xi32>
        %broadcast_in_dim3A_1206 = vector.shape_cast %select_n3A_1205 : vector<16xi32> to vector<16x1xi32>
        %gather3A_1207 = vector.shape_cast %broadcast_in_dim3A_1206 : vector<16x1xi32> to vector<16xi32>
        %gather3A_1208 = tpu.dynamic_gather %add3A_1194[%gather3A_1207] in [0] : vector<16xf32>, vector<16xi32> -> vector<16xf32>
        %add3A_1209 = arith.addf %add3A_1194, %gather3A_1208 : vector<16xf32>
        %iota3A_1210 = tpu.iota {dimensions = array<i32: 0>} : vector<16xi32>
        %xor3A_1211 = arith.constant 4 : i32
        %xor3A_1212 = vector.broadcast %xor3A_1211 : i32 to vector<16xi32>
        %xor3A_1213 = arith.xori %iota3A_1210, %xor3A_1212 : vector<16xi32>
        %lt3A_1214 = arith.constant 0 : i32
        %lt3A_1215 = vector.broadcast %lt3A_1214 : i32 to vector<16xi32>
        %lt3A_1216 = arith.cmpi slt, %xor3A_1213, %lt3A_1215 : vector<16xi32>
        %add3A_1217 = arith.constant 16 : i32
        %add3A_1218 = vector.broadcast %add3A_1217 : i32 to vector<16xi32>
        %add3A_1219 = arith.addi %xor3A_1213, %add3A_1218 : vector<16xi32>
        %select_n3A_1220 = arith.select %lt3A_1216, %add3A_1219, %xor3A_1213 : vector<16xi1>, vector<16xi32>
        %broadcast_in_dim3A_1221 = vector.shape_cast %select_n3A_1220 : vector<16xi32> to vector<16x1xi32>
        %gather3A_1222 = vector.shape_cast %broadcast_in_dim3A_1221 : vector<16x1xi32> to vector<16xi32>
        %gather3A_1223 = tpu.dynamic_gather %add3A_1209[%gather3A_1222] in [0] : vector<16xf32>, vector<16xi32> -> vector<16xf32>
        %add3A_1224 = arith.addf %add3A_1209, %gather3A_1223 : vector<16xf32>
        %iota3A_1225 = tpu.iota {dimensions = array<i32: 0>} : vector<16xi32>
        %xor3A_1226 = arith.constant 8 : i32
        %xor3A_1227 = vector.broadcast %xor3A_1226 : i32 to vector<16xi32>
        %xor3A_1228 = arith.xori %iota3A_1225, %xor3A_1227 : vector<16xi32>
        %lt3A_1229 = arith.constant 0 : i32
        %lt3A_1230 = vector.broadcast %lt3A_1229 : i32 to vector<16xi32>
        %lt3A_1231 = arith.cmpi slt, %xor3A_1228, %lt3A_1230 : vector<16xi32>
        %add3A_1232 = arith.constant 16 : i32
        %add3A_1233 = vector.broadcast %add3A_1232 : i32 to vector<16xi32>
        %add3A_1234 = arith.addi %xor3A_1228, %add3A_1233 : vector<16xi32>
        %select_n3A_1235 = arith.select %lt3A_1231, %add3A_1234, %xor3A_1228 : vector<16xi1>, vector<16xi32>
        %broadcast_in_dim3A_1236 = vector.shape_cast %select_n3A_1235 : vector<16xi32> to vector<16x1xi32>
        %gather3A_1237 = vector.shape_cast %broadcast_in_dim3A_1236 : vector<16x1xi32> to vector<16xi32>
        %gather3A_1238 = tpu.dynamic_gather %add3A_1224[%gather3A_1237] in [0] : vector<16xf32>, vector<16xi32> -> vector<16xf32>
        %add3A_1239 = arith.addf %add3A_1224, %gather3A_1238 : vector<16xf32>
        %mul3A_1240 = arith.constant 1.562500e-02 : f32
        %mul3A_1241 = vector.broadcast %mul3A_1240 : f32 to vector<16xf32>
        %mul3A_1242 = arith.mulf %add3A_1239, %mul3A_1241 : vector<16xf32>
        %mul3A_1243 = arith.mulf %mul3A_1179, %mul3A_1179 : vector<16xf32>
        %sub3A_1244 = arith.subf %mul3A_1242, %mul3A_1243 : vector<16xf32>
        %max3A_1245 = arith.constant 0.000000e+00 : f32
        %max3A_1246 = vector.broadcast %max3A_1245 : f32 to vector<16xf32>
        %max3A_1247 = arith.maximumf %sub3A_1244, %max3A_1246 : vector<16xf32>
        %add3A_1248 = arith.constant 9.99999996E-13 : f32
        %add3A_1249 = vector.broadcast %add3A_1248 : f32 to vector<16xf32>
        %add3A_1250 = arith.addf %max3A_1247, %add3A_1249 : vector<16xf32>
        %bitcast_convert_type3A_1251 = tpu.bitcast %add3A_1250 : vector<16xf32> -> vector<16xi32>
        %shift_right_arithmetic3A_1252 = arith.constant 1 : i32
        %shift_right_arithmetic3A_1253 = vector.broadcast %shift_right_arithmetic3A_1252 : i32 to vector<16xi32>
        %shift_right_arithmetic3A_1254 = arith.shrsi %bitcast_convert_type3A_1251, %shift_right_arithmetic3A_1253 : vector<16xi32>
        %sub3A_1255 = arith.constant 1597463007 : i32
        %sub3A_1256 = vector.broadcast %sub3A_1255 : i32 to vector<16xi32>
        %sub3A_1257 = arith.subi %sub3A_1256, %shift_right_arithmetic3A_1254 : vector<16xi32>
        %bitcast_convert_type3A_1258 = tpu.bitcast %sub3A_1257 : vector<16xi32> -> vector<16xf32>
        %mul3A_1259 = arith.constant 5.000000e-01 : f32
        %mul3A_1260 = vector.broadcast %mul3A_1259 : f32 to vector<16xf32>
        %mul3A_1261 = arith.mulf %mul3A_1260, %add3A_1250 : vector<16xf32>
        %mul3A_1262 = arith.mulf %mul3A_1261, %bitcast_convert_type3A_1258 : vector<16xf32>
        %mul3A_1263 = arith.mulf %mul3A_1262, %bitcast_convert_type3A_1258 : vector<16xf32>
        %sub3A_1264 = arith.constant 1.500000e+00 : f32
        %sub3A_1265 = vector.broadcast %sub3A_1264 : f32 to vector<16xf32>
        %sub3A_1266 = arith.subf %sub3A_1265, %mul3A_1263 : vector<16xf32>
        %mul3A_1267 = arith.mulf %bitcast_convert_type3A_1258, %sub3A_1266 : vector<16xf32>
        %mul3A_1268 = arith.mulf %mul3A_1261, %mul3A_1267 : vector<16xf32>
        %mul3A_1269 = arith.mulf %mul3A_1268, %mul3A_1267 : vector<16xf32>
        %sub3A_1270 = arith.constant 1.500000e+00 : f32
        %sub3A_1271 = vector.broadcast %sub3A_1270 : f32 to vector<16xf32>
        %sub3A_1272 = arith.subf %sub3A_1271, %mul3A_1269 : vector<16xf32>
        %mul3A_1273 = arith.mulf %mul3A_1267, %sub3A_1272 : vector<16xf32>
        %mul3A_1274 = arith.mulf %mul3A_1273, %get3A_4 : vector<16xf32>
        %mul3A_1275 = arith.mulf %mul3A_1273, %get3A_7 : vector<16xf32>
        %mul3A_1276 = arith.mulf %mul3A_1273, %get3A_10 : vector<16xf32>
        %mul3A_1277 = arith.mulf %mul3A_1273, %get3A_13 : vector<16xf32>
        %mul3A_1278 = arith.mulf %add3A_1079, %mul3A_1274 : vector<16xf32>
        %mul3A_1279 = arith.mulf %mul3A_1179, %mul3A_1274 : vector<16xf32>
        %sub3A_1280 = arith.subf %mul3A_1279, %get3A_16 : vector<16xf32>
        %sub3A_1281 = arith.subf %mul3A_1278, %sub3A_1280 : vector<16xf32>
        %swap3A_1282 = arith.index_cast %add3A_1070 : i32 to index
        %swap3A_1283 = arith.constant 64 : index
        %swap3A_1284 = tpu.vector_load %arg11[%swap3A_1282, %swap3A_1283] {strides = array<i32>} : memref<100x128xf32, #tpu.memory_space<vmem>>, vector<1x16xf32>,
        %swap3A_1285 = vector.shape_cast %swap3A_1284 : vector<1x16xf32> to vector<16xf32>
        %swap3A_1286 = vector.shape_cast %sub3A_1281 : vector<16xf32> to vector<1x16xf32>
        tpu.vector_store %arg11[%swap3A_1282, %swap3A_1283], %swap3A_1286 {strides = array<i32>} : memref<100x128xf32, #tpu.memory_space<vmem>>, vector<1x16xf32>,
        %mul3A_1287 = arith.mulf %add3A_1088, %mul3A_1275 : vector<16xf32>
        %mul3A_1288 = arith.mulf %mul3A_1179, %mul3A_1275 : vector<16xf32>
        %sub3A_1289 = arith.subf %mul3A_1288, %get3A_19 : vector<16xf32>
        %sub3A_1290 = arith.subf %mul3A_1287, %sub3A_1289 : vector<16xf32>
        %swap3A_1291 = arith.index_cast %add3A_1070 : i32 to index
        %swap3A_1292 = arith.constant 80 : index
        %swap3A_1293 = tpu.vector_load %arg11[%swap3A_1291, %swap3A_1292] {strides = array<i32>} : memref<100x128xf32, #tpu.memory_space<vmem>>, vector<1x16xf32>,
        %swap3A_1294 = vector.shape_cast %swap3A_1293 : vector<1x16xf32> to vector<16xf32>
        %swap3A_1295 = vector.shape_cast %sub3A_1290 : vector<16xf32> to vector<1x16xf32>
        tpu.vector_store %arg11[%swap3A_1291, %swap3A_1292], %swap3A_1295 {strides = array<i32>} : memref<100x128xf32, #tpu.memory_space<vmem>>, vector<1x16xf32>,
        %mul3A_1296 = arith.mulf %add3A_1097, %mul3A_1276 : vector<16xf32>
        %mul3A_1297 = arith.mulf %mul3A_1179, %mul3A_1276 : vector<16xf32>
        %sub3A_1298 = arith.subf %mul3A_1297, %get3A_22 : vector<16xf32>
        %sub3A_1299 = arith.subf %mul3A_1296, %sub3A_1298 : vector<16xf32>
        %swap3A_1300 = arith.index_cast %add3A_1070 : i32 to index
        %swap3A_1301 = arith.constant 96 : index
        %swap3A_1302 = tpu.vector_load %arg11[%swap3A_1300, %swap3A_1301] {strides = array<i32>} : memref<100x128xf32, #tpu.memory_space<vmem>>, vector<1x16xf32>,
        %swap3A_1303 = vector.shape_cast %swap3A_1302 : vector<1x16xf32> to vector<16xf32>
        %swap3A_1304 = vector.shape_cast %sub3A_1299 : vector<16xf32> to vector<1x16xf32>
        tpu.vector_store %arg11[%swap3A_1300, %swap3A_1301], %swap3A_1304 {strides = array<i32>} : memref<100x128xf32, #tpu.memory_space<vmem>>, vector<1x16xf32>,
        %mul3A_1305 = arith.mulf %add3A_1106, %mul3A_1277 : vector<16xf32>
        %mul3A_1306 = arith.mulf %mul3A_1179, %mul3A_1277 : vector<16xf32>
        %sub3A_1307 = arith.subf %mul3A_1306, %get3A_25 : vector<16xf32>
        %sub3A_1308 = arith.subf %mul3A_1305, %sub3A_1307 : vector<16xf32>
        %swap3A_1309 = arith.index_cast %add3A_1070 : i32 to index
        %swap3A_1310 = arith.constant 112 : index
        %swap3A_1311 = tpu.vector_load %arg11[%swap3A_1309, %swap3A_1310] {strides = array<i32>} : memref<100x128xf32, #tpu.memory_space<vmem>>, vector<1x16xf32>,
        %swap3A_1312 = vector.shape_cast %swap3A_1311 : vector<1x16xf32> to vector<16xf32>
        %swap3A_1313 = vector.shape_cast %sub3A_1308 : vector<16xf32> to vector<1x16xf32>
        tpu.vector_store %arg11[%swap3A_1309, %swap3A_1310], %swap3A_1313 {strides = array<i32>} : memref<100x128xf32, #tpu.memory_space<vmem>>, vector<1x16xf32>,
      }
      %scan3A_201 = arith.constant 50 : i32
      %mul3A_202 = arith.constant 200 : i32
      %mul3A_203 = arith.muli %mul3A_115, %mul3A_202 : i32
      %add3A_204 = arith.addi %mul3A_2, %mul3A_203 : i32
      %jit3A_205 = arith.constant 2 : i32
      %div3A_206 = arith.divsi %add3A_204, %jit3A_205 : i32
      %sign3A_207 = arith.constant 0 : i32
      %sign3A_208 = arith.cmpi sgt, %add3A_204, %sign3A_207 : i32
      %sign3A_209 = arith.extui %sign3A_208 : i1 to i32
      %sign3A_210 = arith.constant 0 : i32
      %sign3A_211 = arith.cmpi slt, %add3A_204, %sign3A_210 : i32
      %sign3A_212 = arith.extui %sign3A_211 : i1 to i32
      %sign3A_213 = arith.subi %sign3A_209, %sign3A_212 : i32
      %sign3A_214 = arith.constant 0 : i32
      %sign3A_215 = arith.cmpi sgt, %jit3A_205, %sign3A_214 : i32
      %sign3A_216 = arith.extui %sign3A_215 : i1 to i32
      %sign3A_217 = arith.constant 0 : i32
      %sign3A_218 = arith.cmpi slt, %jit3A_205, %sign3A_217 : i32
      %sign3A_219 = arith.extui %sign3A_218 : i1 to i32
      %sign3A_220 = arith.subi %sign3A_216, %sign3A_219 : i32
      %ne3A_221 = arith.cmpi ne, %sign3A_213, %sign3A_220 : i32
      %rem3A_222 = arith.remsi %add3A_204, %jit3A_205 : i32
      %ne3A_223 = arith.constant 0 : i32
      %ne3A_224 = arith.cmpi ne, %rem3A_222, %ne3A_223 : i32
      %and3A_225 = arith.andi %ne3A_221, %ne3A_224 : i1
      %sub3A_226 = arith.constant 1 : i32
      %sub3A_227 = arith.subi %div3A_206, %sub3A_226 : i32
      %select_n3A_228 = arith.select %and3A_225, %sub3A_227, %div3A_206 : i32
      %dma_start3A_229 = arith.constant 0 : i32
      %dma_start3A_230 = tpu.memref_slice %arg7[%select_n3A_228, %dma_start3A_229] : memref<409600x128xf32, #tpu.memory_space<hbm>> -> memref<100x128xf32, #tpu.memory_space<hbm>>
      %dma_start3A_231 = arith.constant 0 : i32
      %dma_start3A_232 = tpu.memref_slice %arg7[%select_n3A_228, %dma_start3A_231] : memref<409600x128xf32, #tpu.memory_space<hbm>> -> memref<100x128xf32, #tpu.memory_space<hbm>>
      tpu.enqueue_dma source(%arg11 : memref<100x128xf32, #tpu.memory_space<vmem>>) target(%dma_start3A_232 : memref<100x128xf32, #tpu.memory_space<hbm>>) target_semaphore(%arg18 : memref<!tpu.dma_semaphore, #tpu.memory_space<semaphore_mem>>)
      %lt3A = arith.constant 63 : i32
      %lt3A_233 = arith.cmpi slt, %scan3A_113, %lt3A : i32
      %convert_element_type3A_234 = arith.extui %lt3A_233 : i1 to i32
      %cond3A_235 = arith.constant 0 : i32
      %cond3A_236 = arith.cmpi ne, %convert_element_type3A_234, %cond3A_235 : i32
      scf.if %cond3A_236 {
        %add3A_317 = arith.constant 2 : i32
        %add3A_318 = arith.addi %mul3A_115, %add3A_317 : i32
        %mul3A_319 = arith.constant 200 : i32
        %mul3A_320 = arith.muli %add3A_318, %mul3A_319 : i32
        %add3A_321 = arith.constant 0 : i32
        %add3A_322 = arith.addi %mul3A_320, %add3A_321 : i32
        %add3A_323 = arith.constant 48 : i32
        %add3A_324 = arith.addi %mul3A_320, %add3A_323 : i32
        %add3A_325 = arith.constant 104 : i32
        %add3A_326 = arith.addi %mul3A_320, %add3A_325 : i32
        %add3A_327 = arith.constant 152 : i32
        %add3A_328 = arith.addi %mul3A_320, %add3A_327 : i32
        %dma_start3A_329 = arith.constant 0 : i32
        %dma_start3A_330 = arith.constant 0 : i32
        %dma_start3A_331 = tpu.memref_slice %arg9[%dma_start3A_329, %dma_start3A_330] : memref<200x64xf32, #tpu.memory_space<vmem>> -> memref<48x64xf32, #tpu.memory_space<vmem>>
        %dma_start3A_332 = tpu.memref_slice %arg8[%add3A_322] : memref<25600xi32, #tpu.memory_space<vmem>> -> memref<48xi32, #tpu.memory_space<vmem>>
        %dma_start3A_333 = arith.constant 0 : i32
        %dma_start3A_334 = arith.constant 0 : i32
        %dma_start3A_335 = tpu.memref_slice %arg3[%dma_start3A_333, %dma_start3A_334] : memref<100000x64xf32, #tpu.memory_space<hbm>> -> memref<100000x64xf32, #tpu.memory_space<hbm>>
        tpu.enqueue_indirect_dma source(%dma_start3A_335 : memref<100000x64xf32, #tpu.memory_space<hbm>>) target(%dma_start3A_331 : memref<48x64xf32, #tpu.memory_space<vmem>>) offsets(%dma_start3A_332 : memref<48xi32, #tpu.memory_space<vmem>>) semaphore(%arg16 : memref<!tpu.dma_semaphore, #tpu.memory_space<semaphore_mem>>)
        %dma_start3A_336 = arith.constant 48 : i32
        %dma_start3A_337 = arith.constant 0 : i32
        %dma_start3A_338 = tpu.memref_slice %arg9[%dma_start3A_336, %dma_start3A_337] : memref<200x64xf32, #tpu.memory_space<vmem>> -> memref<56x64xf32, #tpu.memory_space<vmem>>
        %dma_start3A_339 = tpu.memref_slice %arg8[%add3A_324] : memref<25600xi32, #tpu.memory_space<vmem>> -> memref<56xi32, #tpu.memory_space<vmem>>
        %dma_start3A_340 = arith.constant 0 : i32
        %dma_start3A_341 = arith.constant 0 : i32
        %dma_start3A_342 = tpu.memref_slice %arg3[%dma_start3A_340, %dma_start3A_341] : memref<100000x64xf32, #tpu.memory_space<hbm>> -> memref<100000x64xf32, #tpu.memory_space<hbm>>
        tpu.enqueue_indirect_dma source(%dma_start3A_342 : memref<100000x64xf32, #tpu.memory_space<hbm>>) target(%dma_start3A_338 : memref<56x64xf32, #tpu.memory_space<vmem>>) offsets(%dma_start3A_339 : memref<56xi32, #tpu.memory_space<vmem>>) semaphore(%arg16 : memref<!tpu.dma_semaphore, #tpu.memory_space<semaphore_mem>>)
        %dma_start3A_343 = arith.constant 104 : i32
        %dma_start3A_344 = arith.constant 0 : i32
        %dma_start3A_345 = tpu.memref_slice %arg9[%dma_start3A_343, %dma_start3A_344] : memref<200x64xf32, #tpu.memory_space<vmem>> -> memref<48x64xf32, #tpu.memory_space<vmem>>
        %dma_start3A_346 = tpu.memref_slice %arg8[%add3A_326] : memref<25600xi32, #tpu.memory_space<vmem>> -> memref<48xi32, #tpu.memory_space<vmem>>
        %dma_start3A_347 = arith.constant 0 : i32
        %dma_start3A_348 = arith.constant 0 : i32
        %dma_start3A_349 = tpu.memref_slice %arg3[%dma_start3A_347, %dma_start3A_348] : memref<100000x64xf32, #tpu.memory_space<hbm>> -> memref<100000x64xf32, #tpu.memory_space<hbm>>
        tpu.enqueue_indirect_dma source(%dma_start3A_349 : memref<100000x64xf32, #tpu.memory_space<hbm>>) target(%dma_start3A_345 : memref<48x64xf32, #tpu.memory_space<vmem>>) offsets(%dma_start3A_346 : memref<48xi32, #tpu.memory_space<vmem>>) semaphore(%arg16 : memref<!tpu.dma_semaphore, #tpu.memory_space<semaphore_mem>>)
        %dma_start3A_350 = arith.constant 152 : i32
        %dma_start3A_351 = arith.constant 0 : i32
        %dma_start3A_352 = tpu.memref_slice %arg9[%dma_start3A_350, %dma_start3A_351] : memref<200x64xf32, #tpu.memory_space<vmem>> -> memref<48x64xf32, #tpu.memory_space<vmem>>
        %dma_start3A_353 = tpu.memref_slice %arg8[%add3A_328] : memref<25600xi32, #tpu.memory_space<vmem>> -> memref<48xi32, #tpu.memory_space<vmem>>
        %dma_start3A_354 = arith.constant 0 : i32
        %dma_start3A_355 = arith.constant 0 : i32
        %dma_start3A_356 = tpu.memref_slice %arg3[%dma_start3A_354, %dma_start3A_355] : memref<100000x64xf32, #tpu.memory_space<hbm>> -> memref<100000x64xf32, #tpu.memory_space<hbm>>
        tpu.enqueue_indirect_dma source(%dma_start3A_356 : memref<100000x64xf32, #tpu.memory_space<hbm>>) target(%dma_start3A_352 : memref<48x64xf32, #tpu.memory_space<vmem>>) offsets(%dma_start3A_353 : memref<48xi32, #tpu.memory_space<vmem>>) semaphore(%arg16 : memref<!tpu.dma_semaphore, #tpu.memory_space<semaphore_mem>>)
      } else {
      }
      %mul3A_237 = arith.constant 200 : i32
      %mul3A_238 = arith.muli %add3A_117, %mul3A_237 : i32
      %add3A_239 = arith.constant 0 : i32
      %add3A_240 = arith.addi %mul3A_238, %add3A_239 : i32
      %add3A_241 = arith.constant 48 : i32
      %add3A_242 = arith.addi %mul3A_238, %add3A_241 : i32
      %add3A_243 = arith.constant 104 : i32
      %add3A_244 = arith.addi %mul3A_238, %add3A_243 : i32
      %add3A_245 = arith.constant 152 : i32
      %add3A_246 = arith.addi %mul3A_238, %add3A_245 : i32
      %dma_wait3A_247 = arith.constant 0 : i32
      %dma_wait3A_248 = arith.constant 0 : i32
      %dma_wait3A_249 = tpu.memref_slice %arg10[%dma_wait3A_247, %dma_wait3A_248] : memref<200x64xf32, #tpu.memory_space<vmem>> -> memref<48x64xf32, #tpu.memory_space<vmem>>
      %dma_wait3A_250 = tpu.memref_slice %arg8[%add3A_240] : memref<25600xi32, #tpu.memory_space<vmem>> -> memref<48xi32, #tpu.memory_space<vmem>>
      %dma_wait3A_251 = arith.constant 0 : i32
      %dma_wait3A_252 = arith.constant 0 : i32
      %dma_wait3A_253 = tpu.memref_slice %arg3[%dma_wait3A_251, %dma_wait3A_252] : memref<100000x64xf32, #tpu.memory_space<hbm>> -> memref<100000x64xf32, #tpu.memory_space<hbm>>
      tpu.wait_indirect_dma semaphore(%arg17 : memref<!tpu.dma_semaphore, #tpu.memory_space<semaphore_mem>>) src(%dma_wait3A_253 : memref<100000x64xf32, #tpu.memory_space<hbm>>) dst(%dma_wait3A_249 : memref<48x64xf32, #tpu.memory_space<vmem>>)
      %dma_wait3A_254 = arith.constant 48 : i32
      %dma_wait3A_255 = arith.constant 0 : i32
      %dma_wait3A_256 = tpu.memref_slice %arg10[%dma_wait3A_254, %dma_wait3A_255] : memref<200x64xf32, #tpu.memory_space<vmem>> -> memref<56x64xf32, #tpu.memory_space<vmem>>
      %dma_wait3A_257 = tpu.memref_slice %arg8[%add3A_242] : memref<25600xi32, #tpu.memory_space<vmem>> -> memref<56xi32, #tpu.memory_space<vmem>>
      %dma_wait3A_258 = arith.constant 0 : i32
      %dma_wait3A_259 = arith.constant 0 : i32
      %dma_wait3A_260 = tpu.memref_slice %arg3[%dma_wait3A_258, %dma_wait3A_259] : memref<100000x64xf32, #tpu.memory_space<hbm>> -> memref<100000x64xf32, #tpu.memory_space<hbm>>
      tpu.wait_indirect_dma semaphore(%arg17 : memref<!tpu.dma_semaphore, #tpu.memory_space<semaphore_mem>>) src(%dma_wait3A_260 : memref<100000x64xf32, #tpu.memory_space<hbm>>) dst(%dma_wait3A_256 : memref<56x64xf32, #tpu.memory_space<vmem>>)
      %dma_wait3A_261 = arith.constant 104 : i32
      %dma_wait3A_262 = arith.constant 0 : i32
      %dma_wait3A_263 = tpu.memref_slice %arg10[%dma_wait3A_261, %dma_wait3A_262] : memref<200x64xf32, #tpu.memory_space<vmem>> -> memref<48x64xf32, #tpu.memory_space<vmem>>
      %dma_wait3A_264 = tpu.memref_slice %arg8[%add3A_244] : memref<25600xi32, #tpu.memory_space<vmem>> -> memref<48xi32, #tpu.memory_space<vmem>>
      %dma_wait3A_265 = arith.constant 0 : i32
      %dma_wait3A_266 = arith.constant 0 : i32
      %dma_wait3A_267 = tpu.memref_slice %arg3[%dma_wait3A_265, %dma_wait3A_266] : memref<100000x64xf32, #tpu.memory_space<hbm>> -> memref<100000x64xf32, #tpu.memory_space<hbm>>
      tpu.wait_indirect_dma semaphore(%arg17 : memref<!tpu.dma_semaphore, #tpu.memory_space<semaphore_mem>>) src(%dma_wait3A_267 : memref<100000x64xf32, #tpu.memory_space<hbm>>) dst(%dma_wait3A_263 : memref<48x64xf32, #tpu.memory_space<vmem>>)
      %dma_wait3A_268 = arith.constant 152 : i32
      %dma_wait3A_269 = arith.constant 0 : i32
      %dma_wait3A_270 = tpu.memref_slice %arg10[%dma_wait3A_268, %dma_wait3A_269] : memref<200x64xf32, #tpu.memory_space<vmem>> -> memref<48x64xf32, #tpu.memory_space<vmem>>
      %dma_wait3A_271 = tpu.memref_slice %arg8[%add3A_246] : memref<25600xi32, #tpu.memory_space<vmem>> -> memref<48xi32, #tpu.memory_space<vmem>>
      %dma_wait3A_272 = arith.constant 0 : i32
      %dma_wait3A_273 = arith.constant 0 : i32
      %dma_wait3A_274 = tpu.memref_slice %arg3[%dma_wait3A_272, %dma_wait3A_273] : memref<100000x64xf32, #tpu.memory_space<hbm>> -> memref<100000x64xf32, #tpu.memory_space<hbm>>
      tpu.wait_indirect_dma semaphore(%arg17 : memref<!tpu.dma_semaphore, #tpu.memory_space<semaphore_mem>>) src(%dma_wait3A_274 : memref<100000x64xf32, #tpu.memory_space<hbm>>) dst(%dma_wait3A_270 : memref<48x64xf32, #tpu.memory_space<vmem>>)
      %gt3A_275 = arith.constant 0 : i32
      %gt3A_276 = arith.cmpi sgt, %scan3A_113, %gt3A_275 : i32
      %convert_element_type3A_277 = arith.extui %gt3A_276 : i1 to i32
      %cond3A_278 = arith.constant 0 : i32
      %cond3A_279 = arith.cmpi ne, %convert_element_type3A_277, %cond3A_278 : i32
      scf.if %cond3A_279 {
        %sub3A_317 = arith.constant 2 : i32
        %sub3A_318 = arith.subi %add3A_117, %sub3A_317 : i32
        %mul3A_319 = arith.constant 200 : i32
        %mul3A_320 = arith.muli %sub3A_318, %mul3A_319 : i32
        %add3A_321 = arith.addi %mul3A_2, %mul3A_320 : i32
        %jit3A_322 = arith.constant 2 : i32
        %div3A_323 = arith.divsi %add3A_321, %jit3A_322 : i32
        %sign3A_324 = arith.constant 0 : i32
        %sign3A_325 = arith.cmpi sgt, %add3A_321, %sign3A_324 : i32
        %sign3A_326 = arith.extui %sign3A_325 : i1 to i32
        %sign3A_327 = arith.constant 0 : i32
        %sign3A_328 = arith.cmpi slt, %add3A_321, %sign3A_327 : i32
        %sign3A_329 = arith.extui %sign3A_328 : i1 to i32
        %sign3A_330 = arith.subi %sign3A_326, %sign3A_329 : i32
        %sign3A_331 = arith.constant 0 : i32
        %sign3A_332 = arith.cmpi sgt, %jit3A_322, %sign3A_331 : i32
        %sign3A_333 = arith.extui %sign3A_332 : i1 to i32
        %sign3A_334 = arith.constant 0 : i32
        %sign3A_335 = arith.cmpi slt, %jit3A_322, %sign3A_334 : i32
        %sign3A_336 = arith.extui %sign3A_335 : i1 to i32
        %sign3A_337 = arith.subi %sign3A_333, %sign3A_336 : i32
        %ne3A_338 = arith.cmpi ne, %sign3A_330, %sign3A_337 : i32
        %rem3A_339 = arith.remsi %add3A_321, %jit3A_322 : i32
        %ne3A_340 = arith.constant 0 : i32
        %ne3A_341 = arith.cmpi ne, %rem3A_339, %ne3A_340 : i32
        %and3A_342 = arith.andi %ne3A_338, %ne3A_341 : i1
        %sub3A_343 = arith.constant 1 : i32
        %sub3A_344 = arith.subi %div3A_323, %sub3A_343 : i32
        %select_n3A_345 = arith.select %and3A_342, %sub3A_344, %div3A_323 : i32
        %dma_wait3A_346 = arith.constant 0 : i32
        %dma_wait3A_347 = tpu.memref_slice %arg7[%select_n3A_345, %dma_wait3A_346] : memref<409600x128xf32, #tpu.memory_space<hbm>> -> memref<100x128xf32, #tpu.memory_space<hbm>>
        %dma_wait3A_348 = arith.constant 0 : i32
        %dma_wait3A_349 = tpu.memref_slice %arg7[%select_n3A_345, %dma_wait3A_348] : memref<409600x128xf32, #tpu.memory_space<hbm>> -> memref<100x128xf32, #tpu.memory_space<hbm>>
        tpu.wait_dma2 semaphore(%arg19 : memref<!tpu.dma_semaphore, #tpu.memory_space<semaphore_mem>>) src(%arg12 : memref<100x128xf32, #tpu.memory_space<vmem>>) dst(%dma_wait3A_349 : memref<100x128xf32, #tpu.memory_space<hbm>>)
      } else {
      }
      %scan3A_280 = arith.constant 0 : i32
      %scan3A_281 = arith.constant 0 : i32
      %scan3A_282 = arith.constant 50 : i32
      %scan3A_283 = arith.addi %scan3A_281, %scan3A_282 : i32
      %scan3A_284 = arith.constant 1 : i32
      scf.for %scan3A_317 = %scan3A_281 to %scan3A_283 step %scan3A_284  : i32 {
        %mul3A_318 = arith.constant 4 : i32
        %mul3A_319 = arith.muli %scan3A_317, %mul3A_318 : i32
        %add3A_320 = arith.constant 0 : i32
        %add3A_321 = arith.addi %mul3A_319, %add3A_320 : i32
        %mul3A_322 = arith.constant 2 : i32
        %mul3A_323 = arith.muli %scan3A_317, %mul3A_322 : i32
        %add3A_324 = arith.constant 0 : i32
        %add3A_325 = arith.addi %mul3A_323, %add3A_324 : i32
        %get3A_326 = arith.index_cast %add3A_321 : i32 to index
        %get3A_327 = arith.constant 0 : index
        %get3A_328 = tpu.vector_load %arg10[%get3A_326, %get3A_327] {strides = array<i32>} : memref<200x64xf32, #tpu.memory_space<vmem>>, vector<1x16xf32>,
        %get3A_329 = vector.shape_cast %get3A_328 : vector<1x16xf32> to vector<16xf32>
        %get3A_330 = arith.index_cast %add3A_321 : i32 to index
        %get3A_331 = arith.constant 0 : index
        %get3A_332 = tpu.vector_load %arg13[%get3A_330, %get3A_331] {strides = array<i32>} : memref<200x64xf32, #tpu.memory_space<vmem>>, vector<1x16xf32>,
        %get3A_333 = vector.shape_cast %get3A_332 : vector<1x16xf32> to vector<16xf32>
        %add3A_334 = arith.addf %get3A_329, %get3A_333 : vector<16xf32>
        %get3A_335 = arith.index_cast %add3A_321 : i32 to index
        %get3A_336 = arith.constant 16 : index
        %get3A_337 = tpu.vector_load %arg10[%get3A_335, %get3A_336] {strides = array<i32>} : memref<200x64xf32, #tpu.memory_space<vmem>>, vector<1x16xf32>,
        %get3A_338 = vector.shape_cast %get3A_337 : vector<1x16xf32> to vector<16xf32>
        %get3A_339 = arith.index_cast %add3A_321 : i32 to index
        %get3A_340 = arith.constant 16 : index
        %get3A_341 = tpu.vector_load %arg13[%get3A_339, %get3A_340] {strides = array<i32>} : memref<200x64xf32, #tpu.memory_space<vmem>>, vector<1x16xf32>,
        %get3A_342 = vector.shape_cast %get3A_341 : vector<1x16xf32> to vector<16xf32>
        %add3A_343 = arith.addf %get3A_338, %get3A_342 : vector<16xf32>
        %get3A_344 = arith.index_cast %add3A_321 : i32 to index
        %get3A_345 = arith.constant 32 : index
        %get3A_346 = tpu.vector_load %arg10[%get3A_344, %get3A_345] {strides = array<i32>} : memref<200x64xf32, #tpu.memory_space<vmem>>, vector<1x16xf32>,
        %get3A_347 = vector.shape_cast %get3A_346 : vector<1x16xf32> to vector<16xf32>
        %get3A_348 = arith.index_cast %add3A_321 : i32 to index
        %get3A_349 = arith.constant 32 : index
        %get3A_350 = tpu.vector_load %arg13[%get3A_348, %get3A_349] {strides = array<i32>} : memref<200x64xf32, #tpu.memory_space<vmem>>, vector<1x16xf32>,
        %get3A_351 = vector.shape_cast %get3A_350 : vector<1x16xf32> to vector<16xf32>
        %add3A_352 = arith.addf %get3A_347, %get3A_351 : vector<16xf32>
        %get3A_353 = arith.index_cast %add3A_321 : i32 to index
        %get3A_354 = arith.constant 48 : index
        %get3A_355 = tpu.vector_load %arg10[%get3A_353, %get3A_354] {strides = array<i32>} : memref<200x64xf32, #tpu.memory_space<vmem>>, vector<1x16xf32>,
        %get3A_356 = vector.shape_cast %get3A_355 : vector<1x16xf32> to vector<16xf32>
        %get3A_357 = arith.index_cast %add3A_321 : i32 to index
        %get3A_358 = arith.constant 48 : index
        %get3A_359 = tpu.vector_load %arg13[%get3A_357, %get3A_358] {strides = array<i32>} : memref<200x64xf32, #tpu.memory_space<vmem>>, vector<1x16xf32>,
        %get3A_360 = vector.shape_cast %get3A_359 : vector<1x16xf32> to vector<16xf32>
        %add3A_361 = arith.addf %get3A_356, %get3A_360 : vector<16xf32>
        %add3A_362 = arith.addf %add3A_334, %add3A_343 : vector<16xf32>
        %add3A_363 = arith.addf %add3A_352, %add3A_361 : vector<16xf32>
        %add3A_364 = arith.addf %add3A_362, %add3A_363 : vector<16xf32>
        %mul3A_365 = arith.mulf %add3A_334, %add3A_334 : vector<16xf32>
        %mul3A_366 = arith.mulf %add3A_343, %add3A_343 : vector<16xf32>
        %add3A_367 = arith.addf %mul3A_365, %mul3A_366 : vector<16xf32>
        %mul3A_368 = arith.mulf %add3A_352, %add3A_352 : vector<16xf32>
        %mul3A_369 = arith.mulf %add3A_361, %add3A_361 : vector<16xf32>
        %add3A_370 = arith.addf %mul3A_368, %mul3A_369 : vector<16xf32>
        %add3A_371 = arith.addf %add3A_367, %add3A_370 : vector<16xf32>
        %iota3A = tpu.iota {dimensions = array<i32: 0>} : vector<16xi32>
        %xor3A = arith.constant 1 : i32
        %xor3A_372 = vector.broadcast %xor3A : i32 to vector<16xi32>
        %xor3A_373 = arith.xori %iota3A, %xor3A_372 : vector<16xi32>
        %lt3A_374 = arith.constant 0 : i32
        %lt3A_375 = vector.broadcast %lt3A_374 : i32 to vector<16xi32>
        %lt3A_376 = arith.cmpi slt, %xor3A_373, %lt3A_375 : vector<16xi32>
        %add3A_377 = arith.constant 16 : i32
        %add3A_378 = vector.broadcast %add3A_377 : i32 to vector<16xi32>
        %add3A_379 = arith.addi %xor3A_373, %add3A_378 : vector<16xi32>
        %select_n3A_380 = arith.select %lt3A_376, %add3A_379, %xor3A_373 : vector<16xi1>, vector<16xi32>
        %broadcast_in_dim3A = vector.shape_cast %select_n3A_380 : vector<16xi32> to vector<16x1xi32>
        %gather3A = vector.shape_cast %broadcast_in_dim3A : vector<16x1xi32> to vector<16xi32>
        %gather3A_381 = tpu.dynamic_gather %add3A_364[%gather3A] in [0] : vector<16xf32>, vector<16xi32> -> vector<16xf32>
        %add3A_382 = arith.addf %add3A_364, %gather3A_381 : vector<16xf32>
        %iota3A_383 = tpu.iota {dimensions = array<i32: 0>} : vector<16xi32>
        %xor3A_384 = arith.constant 2 : i32
        %xor3A_385 = vector.broadcast %xor3A_384 : i32 to vector<16xi32>
        %xor3A_386 = arith.xori %iota3A_383, %xor3A_385 : vector<16xi32>
        %lt3A_387 = arith.constant 0 : i32
        %lt3A_388 = vector.broadcast %lt3A_387 : i32 to vector<16xi32>
        %lt3A_389 = arith.cmpi slt, %xor3A_386, %lt3A_388 : vector<16xi32>
        %add3A_390 = arith.constant 16 : i32
        %add3A_391 = vector.broadcast %add3A_390 : i32 to vector<16xi32>
        %add3A_392 = arith.addi %xor3A_386, %add3A_391 : vector<16xi32>
        %select_n3A_393 = arith.select %lt3A_389, %add3A_392, %xor3A_386 : vector<16xi1>, vector<16xi32>
        %broadcast_in_dim3A_394 = vector.shape_cast %select_n3A_393 : vector<16xi32> to vector<16x1xi32>
        %gather3A_395 = vector.shape_cast %broadcast_in_dim3A_394 : vector<16x1xi32> to vector<16xi32>
        %gather3A_396 = tpu.dynamic_gather %add3A_382[%gather3A_395] in [0] : vector<16xf32>, vector<16xi32> -> vector<16xf32>
        %add3A_397 = arith.addf %add3A_382, %gather3A_396 : vector<16xf32>
        %iota3A_398 = tpu.iota {dimensions = array<i32: 0>} : vector<16xi32>
        %xor3A_399 = arith.constant 4 : i32
        %xor3A_400 = vector.broadcast %xor3A_399 : i32 to vector<16xi32>
        %xor3A_401 = arith.xori %iota3A_398, %xor3A_400 : vector<16xi32>
        %lt3A_402 = arith.constant 0 : i32
        %lt3A_403 = vector.broadcast %lt3A_402 : i32 to vector<16xi32>
        %lt3A_404 = arith.cmpi slt, %xor3A_401, %lt3A_403 : vector<16xi32>
        %add3A_405 = arith.constant 16 : i32
        %add3A_406 = vector.broadcast %add3A_405 : i32 to vector<16xi32>
        %add3A_407 = arith.addi %xor3A_401, %add3A_406 : vector<16xi32>
        %select_n3A_408 = arith.select %lt3A_404, %add3A_407, %xor3A_401 : vector<16xi1>, vector<16xi32>
        %broadcast_in_dim3A_409 = vector.shape_cast %select_n3A_408 : vector<16xi32> to vector<16x1xi32>
        %gather3A_410 = vector.shape_cast %broadcast_in_dim3A_409 : vector<16x1xi32> to vector<16xi32>
        %gather3A_411 = tpu.dynamic_gather %add3A_397[%gather3A_410] in [0] : vector<16xf32>, vector<16xi32> -> vector<16xf32>
        %add3A_412 = arith.addf %add3A_397, %gather3A_411 : vector<16xf32>
        %iota3A_413 = tpu.iota {dimensions = array<i32: 0>} : vector<16xi32>
        %xor3A_414 = arith.constant 8 : i32
        %xor3A_415 = vector.broadcast %xor3A_414 : i32 to vector<16xi32>
        %xor3A_416 = arith.xori %iota3A_413, %xor3A_415 : vector<16xi32>
        %lt3A_417 = arith.constant 0 : i32
        %lt3A_418 = vector.broadcast %lt3A_417 : i32 to vector<16xi32>
        %lt3A_419 = arith.cmpi slt, %xor3A_416, %lt3A_418 : vector<16xi32>
        %add3A_420 = arith.constant 16 : i32
        %add3A_421 = vector.broadcast %add3A_420 : i32 to vector<16xi32>
        %add3A_422 = arith.addi %xor3A_416, %add3A_421 : vector<16xi32>
        %select_n3A_423 = arith.select %lt3A_419, %add3A_422, %xor3A_416 : vector<16xi1>, vector<16xi32>
        %broadcast_in_dim3A_424 = vector.shape_cast %select_n3A_423 : vector<16xi32> to vector<16x1xi32>
        %gather3A_425 = vector.shape_cast %broadcast_in_dim3A_424 : vector<16x1xi32> to vector<16xi32>
        %gather3A_426 = tpu.dynamic_gather %add3A_412[%gather3A_425] in [0] : vector<16xf32>, vector<16xi32> -> vector<16xf32>
        %add3A_427 = arith.addf %add3A_412, %gather3A_426 : vector<16xf32>
        %mul3A_428 = arith.constant 1.562500e-02 : f32
        %mul3A_429 = vector.broadcast %mul3A_428 : f32 to vector<16xf32>
        %mul3A_430 = arith.mulf %add3A_427, %mul3A_429 : vector<16xf32>
        %iota3A_431 = tpu.iota {dimensions = array<i32: 0>} : vector<16xi32>
        %xor3A_432 = arith.constant 1 : i32
        %xor3A_433 = vector.broadcast %xor3A_432 : i32 to vector<16xi32>
        %xor3A_434 = arith.xori %iota3A_431, %xor3A_433 : vector<16xi32>
        %lt3A_435 = arith.constant 0 : i32
        %lt3A_436 = vector.broadcast %lt3A_435 : i32 to vector<16xi32>
        %lt3A_437 = arith.cmpi slt, %xor3A_434, %lt3A_436 : vector<16xi32>
        %add3A_438 = arith.constant 16 : i32
        %add3A_439 = vector.broadcast %add3A_438 : i32 to vector<16xi32>
        %add3A_440 = arith.addi %xor3A_434, %add3A_439 : vector<16xi32>
        %select_n3A_441 = arith.select %lt3A_437, %add3A_440, %xor3A_434 : vector<16xi1>, vector<16xi32>
        %broadcast_in_dim3A_442 = vector.shape_cast %select_n3A_441 : vector<16xi32> to vector<16x1xi32>
        %gather3A_443 = vector.shape_cast %broadcast_in_dim3A_442 : vector<16x1xi32> to vector<16xi32>
        %gather3A_444 = tpu.dynamic_gather %add3A_371[%gather3A_443] in [0] : vector<16xf32>, vector<16xi32> -> vector<16xf32>
        %add3A_445 = arith.addf %add3A_371, %gather3A_444 : vector<16xf32>
        %iota3A_446 = tpu.iota {dimensions = array<i32: 0>} : vector<16xi32>
        %xor3A_447 = arith.constant 2 : i32
        %xor3A_448 = vector.broadcast %xor3A_447 : i32 to vector<16xi32>
        %xor3A_449 = arith.xori %iota3A_446, %xor3A_448 : vector<16xi32>
        %lt3A_450 = arith.constant 0 : i32
        %lt3A_451 = vector.broadcast %lt3A_450 : i32 to vector<16xi32>
        %lt3A_452 = arith.cmpi slt, %xor3A_449, %lt3A_451 : vector<16xi32>
        %add3A_453 = arith.constant 16 : i32
        %add3A_454 = vector.broadcast %add3A_453 : i32 to vector<16xi32>
        %add3A_455 = arith.addi %xor3A_449, %add3A_454 : vector<16xi32>
        %select_n3A_456 = arith.select %lt3A_452, %add3A_455, %xor3A_449 : vector<16xi1>, vector<16xi32>
        %broadcast_in_dim3A_457 = vector.shape_cast %select_n3A_456 : vector<16xi32> to vector<16x1xi32>
        %gather3A_458 = vector.shape_cast %broadcast_in_dim3A_457 : vector<16x1xi32> to vector<16xi32>
        %gather3A_459 = tpu.dynamic_gather %add3A_445[%gather3A_458] in [0] : vector<16xf32>, vector<16xi32> -> vector<16xf32>
        %add3A_460 = arith.addf %add3A_445, %gather3A_459 : vector<16xf32>
        %iota3A_461 = tpu.iota {dimensions = array<i32: 0>} : vector<16xi32>
        %xor3A_462 = arith.constant 4 : i32
        %xor3A_463 = vector.broadcast %xor3A_462 : i32 to vector<16xi32>
        %xor3A_464 = arith.xori %iota3A_461, %xor3A_463 : vector<16xi32>
        %lt3A_465 = arith.constant 0 : i32
        %lt3A_466 = vector.broadcast %lt3A_465 : i32 to vector<16xi32>
        %lt3A_467 = arith.cmpi slt, %xor3A_464, %lt3A_466 : vector<16xi32>
        %add3A_468 = arith.constant 16 : i32
        %add3A_469 = vector.broadcast %add3A_468 : i32 to vector<16xi32>
        %add3A_470 = arith.addi %xor3A_464, %add3A_469 : vector<16xi32>
        %select_n3A_471 = arith.select %lt3A_467, %add3A_470, %xor3A_464 : vector<16xi1>, vector<16xi32>
        %broadcast_in_dim3A_472 = vector.shape_cast %select_n3A_471 : vector<16xi32> to vector<16x1xi32>
        %gather3A_473 = vector.shape_cast %broadcast_in_dim3A_472 : vector<16x1xi32> to vector<16xi32>
        %gather3A_474 = tpu.dynamic_gather %add3A_460[%gather3A_473] in [0] : vector<16xf32>, vector<16xi32> -> vector<16xf32>
        %add3A_475 = arith.addf %add3A_460, %gather3A_474 : vector<16xf32>
        %iota3A_476 = tpu.iota {dimensions = array<i32: 0>} : vector<16xi32>
        %xor3A_477 = arith.constant 8 : i32
        %xor3A_478 = vector.broadcast %xor3A_477 : i32 to vector<16xi32>
        %xor3A_479 = arith.xori %iota3A_476, %xor3A_478 : vector<16xi32>
        %lt3A_480 = arith.constant 0 : i32
        %lt3A_481 = vector.broadcast %lt3A_480 : i32 to vector<16xi32>
        %lt3A_482 = arith.cmpi slt, %xor3A_479, %lt3A_481 : vector<16xi32>
        %add3A_483 = arith.constant 16 : i32
        %add3A_484 = vector.broadcast %add3A_483 : i32 to vector<16xi32>
        %add3A_485 = arith.addi %xor3A_479, %add3A_484 : vector<16xi32>
        %select_n3A_486 = arith.select %lt3A_482, %add3A_485, %xor3A_479 : vector<16xi1>, vector<16xi32>
        %broadcast_in_dim3A_487 = vector.shape_cast %select_n3A_486 : vector<16xi32> to vector<16x1xi32>
        %gather3A_488 = vector.shape_cast %broadcast_in_dim3A_487 : vector<16x1xi32> to vector<16xi32>
        %gather3A_489 = tpu.dynamic_gather %add3A_475[%gather3A_488] in [0] : vector<16xf32>, vector<16xi32> -> vector<16xf32>
        %add3A_490 = arith.addf %add3A_475, %gather3A_489 : vector<16xf32>
        %mul3A_491 = arith.constant 1.562500e-02 : f32
        %mul3A_492 = vector.broadcast %mul3A_491 : f32 to vector<16xf32>
        %mul3A_493 = arith.mulf %add3A_490, %mul3A_492 : vector<16xf32>
        %mul3A_494 = arith.mulf %mul3A_430, %mul3A_430 : vector<16xf32>
        %sub3A_495 = arith.subf %mul3A_493, %mul3A_494 : vector<16xf32>
        %max3A = arith.constant 0.000000e+00 : f32
        %max3A_496 = vector.broadcast %max3A : f32 to vector<16xf32>
        %max3A_497 = arith.maximumf %sub3A_495, %max3A_496 : vector<16xf32>
        %add3A_498 = arith.constant 9.99999996E-13 : f32
        %add3A_499 = vector.broadcast %add3A_498 : f32 to vector<16xf32>
        %add3A_500 = arith.addf %max3A_497, %add3A_499 : vector<16xf32>
        %bitcast_convert_type3A = tpu.bitcast %add3A_500 : vector<16xf32> -> vector<16xi32>
        %shift_right_arithmetic3A = arith.constant 1 : i32
        %shift_right_arithmetic3A_501 = vector.broadcast %shift_right_arithmetic3A : i32 to vector<16xi32>
        %shift_right_arithmetic3A_502 = arith.shrsi %bitcast_convert_type3A, %shift_right_arithmetic3A_501 : vector<16xi32>
        %sub3A_503 = arith.constant 1597463007 : i32
        %sub3A_504 = vector.broadcast %sub3A_503 : i32 to vector<16xi32>
        %sub3A_505 = arith.subi %sub3A_504, %shift_right_arithmetic3A_502 : vector<16xi32>
        %bitcast_convert_type3A_506 = tpu.bitcast %sub3A_505 : vector<16xi32> -> vector<16xf32>
        %mul3A_507 = arith.constant 5.000000e-01 : f32
        %mul3A_508 = vector.broadcast %mul3A_507 : f32 to vector<16xf32>
        %mul3A_509 = arith.mulf %mul3A_508, %add3A_500 : vector<16xf32>
        %mul3A_510 = arith.mulf %mul3A_509, %bitcast_convert_type3A_506 : vector<16xf32>
        %mul3A_511 = arith.mulf %mul3A_510, %bitcast_convert_type3A_506 : vector<16xf32>
        %sub3A_512 = arith.constant 1.500000e+00 : f32
        %sub3A_513 = vector.broadcast %sub3A_512 : f32 to vector<16xf32>
        %sub3A_514 = arith.subf %sub3A_513, %mul3A_511 : vector<16xf32>
        %mul3A_515 = arith.mulf %bitcast_convert_type3A_506, %sub3A_514 : vector<16xf32>
        %mul3A_516 = arith.mulf %mul3A_509, %mul3A_515 : vector<16xf32>
        %mul3A_517 = arith.mulf %mul3A_516, %mul3A_515 : vector<16xf32>
        %sub3A_518 = arith.constant 1.500000e+00 : f32
        %sub3A_519 = vector.broadcast %sub3A_518 : f32 to vector<16xf32>
        %sub3A_520 = arith.subf %sub3A_519, %mul3A_517 : vector<16xf32>
        %mul3A_521 = arith.mulf %mul3A_515, %sub3A_520 : vector<16xf32>
        %mul3A_522 = arith.mulf %mul3A_521, %get3A_4 : vector<16xf32>
        %mul3A_523 = arith.mulf %mul3A_521, %get3A_7 : vector<16xf32>
        %mul3A_524 = arith.mulf %mul3A_521, %get3A_10 : vector<16xf32>
        %mul3A_525 = arith.mulf %mul3A_521, %get3A_13 : vector<16xf32>
        %mul3A_526 = arith.mulf %add3A_334, %mul3A_522 : vector<16xf32>
        %mul3A_527 = arith.mulf %mul3A_430, %mul3A_522 : vector<16xf32>
        %sub3A_528 = arith.subf %mul3A_527, %get3A_16 : vector<16xf32>
        %sub3A_529 = arith.subf %mul3A_526, %sub3A_528 : vector<16xf32>
        %swap3A = arith.index_cast %add3A_325 : i32 to index
        %swap3A_530 = arith.constant 0 : index
        %swap3A_531 = tpu.vector_load %arg12[%swap3A, %swap3A_530] {strides = array<i32>} : memref<100x128xf32, #tpu.memory_space<vmem>>, vector<1x16xf32>,
        %swap3A_532 = vector.shape_cast %swap3A_531 : vector<1x16xf32> to vector<16xf32>
        %swap3A_533 = vector.shape_cast %sub3A_529 : vector<16xf32> to vector<1x16xf32>
        tpu.vector_store %arg12[%swap3A, %swap3A_530], %swap3A_533 {strides = array<i32>} : memref<100x128xf32, #tpu.memory_space<vmem>>, vector<1x16xf32>,
        %mul3A_534 = arith.mulf %add3A_343, %mul3A_523 : vector<16xf32>
        %mul3A_535 = arith.mulf %mul3A_430, %mul3A_523 : vector<16xf32>
        %sub3A_536 = arith.subf %mul3A_535, %get3A_19 : vector<16xf32>
        %sub3A_537 = arith.subf %mul3A_534, %sub3A_536 : vector<16xf32>
        %swap3A_538 = arith.index_cast %add3A_325 : i32 to index
        %swap3A_539 = arith.constant 16 : index
        %swap3A_540 = tpu.vector_load %arg12[%swap3A_538, %swap3A_539] {strides = array<i32>} : memref<100x128xf32, #tpu.memory_space<vmem>>, vector<1x16xf32>,
        %swap3A_541 = vector.shape_cast %swap3A_540 : vector<1x16xf32> to vector<16xf32>
        %swap3A_542 = vector.shape_cast %sub3A_537 : vector<16xf32> to vector<1x16xf32>
        tpu.vector_store %arg12[%swap3A_538, %swap3A_539], %swap3A_542 {strides = array<i32>} : memref<100x128xf32, #tpu.memory_space<vmem>>, vector<1x16xf32>,
        %mul3A_543 = arith.mulf %add3A_352, %mul3A_524 : vector<16xf32>
        %mul3A_544 = arith.mulf %mul3A_430, %mul3A_524 : vector<16xf32>
        %sub3A_545 = arith.subf %mul3A_544, %get3A_22 : vector<16xf32>
        %sub3A_546 = arith.subf %mul3A_543, %sub3A_545 : vector<16xf32>
        %swap3A_547 = arith.index_cast %add3A_325 : i32 to index
        %swap3A_548 = arith.constant 32 : index
        %swap3A_549 = tpu.vector_load %arg12[%swap3A_547, %swap3A_548] {strides = array<i32>} : memref<100x128xf32, #tpu.memory_space<vmem>>, vector<1x16xf32>,
        %swap3A_550 = vector.shape_cast %swap3A_549 : vector<1x16xf32> to vector<16xf32>
        %swap3A_551 = vector.shape_cast %sub3A_546 : vector<16xf32> to vector<1x16xf32>
        tpu.vector_store %arg12[%swap3A_547, %swap3A_548], %swap3A_551 {strides = array<i32>} : memref<100x128xf32, #tpu.memory_space<vmem>>, vector<1x16xf32>,
        %mul3A_552 = arith.mulf %add3A_361, %mul3A_525 : vector<16xf32>
        %mul3A_553 = arith.mulf %mul3A_430, %mul3A_525 : vector<16xf32>
        %sub3A_554 = arith.subf %mul3A_553, %get3A_25 : vector<16xf32>
        %sub3A_555 = arith.subf %mul3A_552, %sub3A_554 : vector<16xf32>
        %swap3A_556 = arith.index_cast %add3A_325 : i32 to index
        %swap3A_557 = arith.constant 48 : index
        %swap3A_558 = tpu.vector_load %arg12[%swap3A_556, %swap3A_557] {strides = array<i32>} : memref<100x128xf32, #tpu.memory_space<vmem>>, vector<1x16xf32>,
        %swap3A_559 = vector.shape_cast %swap3A_558 : vector<1x16xf32> to vector<16xf32>
        %swap3A_560 = vector.shape_cast %sub3A_555 : vector<16xf32> to vector<1x16xf32>
        tpu.vector_store %arg12[%swap3A_556, %swap3A_557], %swap3A_560 {strides = array<i32>} : memref<100x128xf32, #tpu.memory_space<vmem>>, vector<1x16xf32>,
        %mul3A_561 = arith.constant 4 : i32
        %mul3A_562 = arith.muli %scan3A_317, %mul3A_561 : i32
        %add3A_563 = arith.constant 1 : i32
        %add3A_564 = arith.addi %mul3A_562, %add3A_563 : i32
        %mul3A_565 = arith.constant 2 : i32
        %mul3A_566 = arith.muli %scan3A_317, %mul3A_565 : i32
        %add3A_567 = arith.constant 0 : i32
        %add3A_568 = arith.addi %mul3A_566, %add3A_567 : i32
        %get3A_569 = arith.index_cast %add3A_564 : i32 to index
        %get3A_570 = arith.constant 0 : index
        %get3A_571 = tpu.vector_load %arg10[%get3A_569, %get3A_570] {strides = array<i32>} : memref<200x64xf32, #tpu.memory_space<vmem>>, vector<1x16xf32>,
        %get3A_572 = vector.shape_cast %get3A_571 : vector<1x16xf32> to vector<16xf32>
        %get3A_573 = arith.index_cast %add3A_564 : i32 to index
        %get3A_574 = arith.constant 0 : index
        %get3A_575 = tpu.vector_load %arg13[%get3A_573, %get3A_574] {strides = array<i32>} : memref<200x64xf32, #tpu.memory_space<vmem>>, vector<1x16xf32>,
        %get3A_576 = vector.shape_cast %get3A_575 : vector<1x16xf32> to vector<16xf32>
        %add3A_577 = arith.addf %get3A_572, %get3A_576 : vector<16xf32>
        %get3A_578 = arith.index_cast %add3A_564 : i32 to index
        %get3A_579 = arith.constant 16 : index
        %get3A_580 = tpu.vector_load %arg10[%get3A_578, %get3A_579] {strides = array<i32>} : memref<200x64xf32, #tpu.memory_space<vmem>>, vector<1x16xf32>,
        %get3A_581 = vector.shape_cast %get3A_580 : vector<1x16xf32> to vector<16xf32>
        %get3A_582 = arith.index_cast %add3A_564 : i32 to index
        %get3A_583 = arith.constant 16 : index
        %get3A_584 = tpu.vector_load %arg13[%get3A_582, %get3A_583] {strides = array<i32>} : memref<200x64xf32, #tpu.memory_space<vmem>>, vector<1x16xf32>,
        %get3A_585 = vector.shape_cast %get3A_584 : vector<1x16xf32> to vector<16xf32>
        %add3A_586 = arith.addf %get3A_581, %get3A_585 : vector<16xf32>
        %get3A_587 = arith.index_cast %add3A_564 : i32 to index
        %get3A_588 = arith.constant 32 : index
        %get3A_589 = tpu.vector_load %arg10[%get3A_587, %get3A_588] {strides = array<i32>} : memref<200x64xf32, #tpu.memory_space<vmem>>, vector<1x16xf32>,
        %get3A_590 = vector.shape_cast %get3A_589 : vector<1x16xf32> to vector<16xf32>
        %get3A_591 = arith.index_cast %add3A_564 : i32 to index
        %get3A_592 = arith.constant 32 : index
        %get3A_593 = tpu.vector_load %arg13[%get3A_591, %get3A_592] {strides = array<i32>} : memref<200x64xf32, #tpu.memory_space<vmem>>, vector<1x16xf32>,
        %get3A_594 = vector.shape_cast %get3A_593 : vector<1x16xf32> to vector<16xf32>
        %add3A_595 = arith.addf %get3A_590, %get3A_594 : vector<16xf32>
        %get3A_596 = arith.index_cast %add3A_564 : i32 to index
        %get3A_597 = arith.constant 48 : index
        %get3A_598 = tpu.vector_load %arg10[%get3A_596, %get3A_597] {strides = array<i32>} : memref<200x64xf32, #tpu.memory_space<vmem>>, vector<1x16xf32>,
        %get3A_599 = vector.shape_cast %get3A_598 : vector<1x16xf32> to vector<16xf32>
        %get3A_600 = arith.index_cast %add3A_564 : i32 to index
        %get3A_601 = arith.constant 48 : index
        %get3A_602 = tpu.vector_load %arg13[%get3A_600, %get3A_601] {strides = array<i32>} : memref<200x64xf32, #tpu.memory_space<vmem>>, vector<1x16xf32>,
        %get3A_603 = vector.shape_cast %get3A_602 : vector<1x16xf32> to vector<16xf32>
        %add3A_604 = arith.addf %get3A_599, %get3A_603 : vector<16xf32>
        %add3A_605 = arith.addf %add3A_577, %add3A_586 : vector<16xf32>
        %add3A_606 = arith.addf %add3A_595, %add3A_604 : vector<16xf32>
        %add3A_607 = arith.addf %add3A_605, %add3A_606 : vector<16xf32>
        %mul3A_608 = arith.mulf %add3A_577, %add3A_577 : vector<16xf32>
        %mul3A_609 = arith.mulf %add3A_586, %add3A_586 : vector<16xf32>
        %add3A_610 = arith.addf %mul3A_608, %mul3A_609 : vector<16xf32>
        %mul3A_611 = arith.mulf %add3A_595, %add3A_595 : vector<16xf32>
        %mul3A_612 = arith.mulf %add3A_604, %add3A_604 : vector<16xf32>
        %add3A_613 = arith.addf %mul3A_611, %mul3A_612 : vector<16xf32>
        %add3A_614 = arith.addf %add3A_610, %add3A_613 : vector<16xf32>
        %iota3A_615 = tpu.iota {dimensions = array<i32: 0>} : vector<16xi32>
        %xor3A_616 = arith.constant 1 : i32
        %xor3A_617 = vector.broadcast %xor3A_616 : i32 to vector<16xi32>
        %xor3A_618 = arith.xori %iota3A_615, %xor3A_617 : vector<16xi32>
        %lt3A_619 = arith.constant 0 : i32
        %lt3A_620 = vector.broadcast %lt3A_619 : i32 to vector<16xi32>
        %lt3A_621 = arith.cmpi slt, %xor3A_618, %lt3A_620 : vector<16xi32>
        %add3A_622 = arith.constant 16 : i32
        %add3A_623 = vector.broadcast %add3A_622 : i32 to vector<16xi32>
        %add3A_624 = arith.addi %xor3A_618, %add3A_623 : vector<16xi32>
        %select_n3A_625 = arith.select %lt3A_621, %add3A_624, %xor3A_618 : vector<16xi1>, vector<16xi32>
        %broadcast_in_dim3A_626 = vector.shape_cast %select_n3A_625 : vector<16xi32> to vector<16x1xi32>
        %gather3A_627 = vector.shape_cast %broadcast_in_dim3A_626 : vector<16x1xi32> to vector<16xi32>
        %gather3A_628 = tpu.dynamic_gather %add3A_607[%gather3A_627] in [0] : vector<16xf32>, vector<16xi32> -> vector<16xf32>
        %add3A_629 = arith.addf %add3A_607, %gather3A_628 : vector<16xf32>
        %iota3A_630 = tpu.iota {dimensions = array<i32: 0>} : vector<16xi32>
        %xor3A_631 = arith.constant 2 : i32
        %xor3A_632 = vector.broadcast %xor3A_631 : i32 to vector<16xi32>
        %xor3A_633 = arith.xori %iota3A_630, %xor3A_632 : vector<16xi32>
        %lt3A_634 = arith.constant 0 : i32
        %lt3A_635 = vector.broadcast %lt3A_634 : i32 to vector<16xi32>
        %lt3A_636 = arith.cmpi slt, %xor3A_633, %lt3A_635 : vector<16xi32>
        %add3A_637 = arith.constant 16 : i32
        %add3A_638 = vector.broadcast %add3A_637 : i32 to vector<16xi32>
        %add3A_639 = arith.addi %xor3A_633, %add3A_638 : vector<16xi32>
        %select_n3A_640 = arith.select %lt3A_636, %add3A_639, %xor3A_633 : vector<16xi1>, vector<16xi32>
        %broadcast_in_dim3A_641 = vector.shape_cast %select_n3A_640 : vector<16xi32> to vector<16x1xi32>
        %gather3A_642 = vector.shape_cast %broadcast_in_dim3A_641 : vector<16x1xi32> to vector<16xi32>
        %gather3A_643 = tpu.dynamic_gather %add3A_629[%gather3A_642] in [0] : vector<16xf32>, vector<16xi32> -> vector<16xf32>
        %add3A_644 = arith.addf %add3A_629, %gather3A_643 : vector<16xf32>
        %iota3A_645 = tpu.iota {dimensions = array<i32: 0>} : vector<16xi32>
        %xor3A_646 = arith.constant 4 : i32
        %xor3A_647 = vector.broadcast %xor3A_646 : i32 to vector<16xi32>
        %xor3A_648 = arith.xori %iota3A_645, %xor3A_647 : vector<16xi32>
        %lt3A_649 = arith.constant 0 : i32
        %lt3A_650 = vector.broadcast %lt3A_649 : i32 to vector<16xi32>
        %lt3A_651 = arith.cmpi slt, %xor3A_648, %lt3A_650 : vector<16xi32>
        %add3A_652 = arith.constant 16 : i32
        %add3A_653 = vector.broadcast %add3A_652 : i32 to vector<16xi32>
        %add3A_654 = arith.addi %xor3A_648, %add3A_653 : vector<16xi32>
        %select_n3A_655 = arith.select %lt3A_651, %add3A_654, %xor3A_648 : vector<16xi1>, vector<16xi32>
        %broadcast_in_dim3A_656 = vector.shape_cast %select_n3A_655 : vector<16xi32> to vector<16x1xi32>
        %gather3A_657 = vector.shape_cast %broadcast_in_dim3A_656 : vector<16x1xi32> to vector<16xi32>
        %gather3A_658 = tpu.dynamic_gather %add3A_644[%gather3A_657] in [0] : vector<16xf32>, vector<16xi32> -> vector<16xf32>
        %add3A_659 = arith.addf %add3A_644, %gather3A_658 : vector<16xf32>
        %iota3A_660 = tpu.iota {dimensions = array<i32: 0>} : vector<16xi32>
        %xor3A_661 = arith.constant 8 : i32
        %xor3A_662 = vector.broadcast %xor3A_661 : i32 to vector<16xi32>
        %xor3A_663 = arith.xori %iota3A_660, %xor3A_662 : vector<16xi32>
        %lt3A_664 = arith.constant 0 : i32
        %lt3A_665 = vector.broadcast %lt3A_664 : i32 to vector<16xi32>
        %lt3A_666 = arith.cmpi slt, %xor3A_663, %lt3A_665 : vector<16xi32>
        %add3A_667 = arith.constant 16 : i32
        %add3A_668 = vector.broadcast %add3A_667 : i32 to vector<16xi32>
        %add3A_669 = arith.addi %xor3A_663, %add3A_668 : vector<16xi32>
        %select_n3A_670 = arith.select %lt3A_666, %add3A_669, %xor3A_663 : vector<16xi1>, vector<16xi32>
        %broadcast_in_dim3A_671 = vector.shape_cast %select_n3A_670 : vector<16xi32> to vector<16x1xi32>
        %gather3A_672 = vector.shape_cast %broadcast_in_dim3A_671 : vector<16x1xi32> to vector<16xi32>
        %gather3A_673 = tpu.dynamic_gather %add3A_659[%gather3A_672] in [0] : vector<16xf32>, vector<16xi32> -> vector<16xf32>
        %add3A_674 = arith.addf %add3A_659, %gather3A_673 : vector<16xf32>
        %mul3A_675 = arith.constant 1.562500e-02 : f32
        %mul3A_676 = vector.broadcast %mul3A_675 : f32 to vector<16xf32>
        %mul3A_677 = arith.mulf %add3A_674, %mul3A_676 : vector<16xf32>
        %iota3A_678 = tpu.iota {dimensions = array<i32: 0>} : vector<16xi32>
        %xor3A_679 = arith.constant 1 : i32
        %xor3A_680 = vector.broadcast %xor3A_679 : i32 to vector<16xi32>
        %xor3A_681 = arith.xori %iota3A_678, %xor3A_680 : vector<16xi32>
        %lt3A_682 = arith.constant 0 : i32
        %lt3A_683 = vector.broadcast %lt3A_682 : i32 to vector<16xi32>
        %lt3A_684 = arith.cmpi slt, %xor3A_681, %lt3A_683 : vector<16xi32>
        %add3A_685 = arith.constant 16 : i32
        %add3A_686 = vector.broadcast %add3A_685 : i32 to vector<16xi32>
        %add3A_687 = arith.addi %xor3A_681, %add3A_686 : vector<16xi32>
        %select_n3A_688 = arith.select %lt3A_684, %add3A_687, %xor3A_681 : vector<16xi1>, vector<16xi32>
        %broadcast_in_dim3A_689 = vector.shape_cast %select_n3A_688 : vector<16xi32> to vector<16x1xi32>
        %gather3A_690 = vector.shape_cast %broadcast_in_dim3A_689 : vector<16x1xi32> to vector<16xi32>
        %gather3A_691 = tpu.dynamic_gather %add3A_614[%gather3A_690] in [0] : vector<16xf32>, vector<16xi32> -> vector<16xf32>
        %add3A_692 = arith.addf %add3A_614, %gather3A_691 : vector<16xf32>
        %iota3A_693 = tpu.iota {dimensions = array<i32: 0>} : vector<16xi32>
        %xor3A_694 = arith.constant 2 : i32
        %xor3A_695 = vector.broadcast %xor3A_694 : i32 to vector<16xi32>
        %xor3A_696 = arith.xori %iota3A_693, %xor3A_695 : vector<16xi32>
        %lt3A_697 = arith.constant 0 : i32
        %lt3A_698 = vector.broadcast %lt3A_697 : i32 to vector<16xi32>
        %lt3A_699 = arith.cmpi slt, %xor3A_696, %lt3A_698 : vector<16xi32>
        %add3A_700 = arith.constant 16 : i32
        %add3A_701 = vector.broadcast %add3A_700 : i32 to vector<16xi32>
        %add3A_702 = arith.addi %xor3A_696, %add3A_701 : vector<16xi32>
        %select_n3A_703 = arith.select %lt3A_699, %add3A_702, %xor3A_696 : vector<16xi1>, vector<16xi32>
        %broadcast_in_dim3A_704 = vector.shape_cast %select_n3A_703 : vector<16xi32> to vector<16x1xi32>
        %gather3A_705 = vector.shape_cast %broadcast_in_dim3A_704 : vector<16x1xi32> to vector<16xi32>
        %gather3A_706 = tpu.dynamic_gather %add3A_692[%gather3A_705] in [0] : vector<16xf32>, vector<16xi32> -> vector<16xf32>
        %add3A_707 = arith.addf %add3A_692, %gather3A_706 : vector<16xf32>
        %iota3A_708 = tpu.iota {dimensions = array<i32: 0>} : vector<16xi32>
        %xor3A_709 = arith.constant 4 : i32
        %xor3A_710 = vector.broadcast %xor3A_709 : i32 to vector<16xi32>
        %xor3A_711 = arith.xori %iota3A_708, %xor3A_710 : vector<16xi32>
        %lt3A_712 = arith.constant 0 : i32
        %lt3A_713 = vector.broadcast %lt3A_712 : i32 to vector<16xi32>
        %lt3A_714 = arith.cmpi slt, %xor3A_711, %lt3A_713 : vector<16xi32>
        %add3A_715 = arith.constant 16 : i32
        %add3A_716 = vector.broadcast %add3A_715 : i32 to vector<16xi32>
        %add3A_717 = arith.addi %xor3A_711, %add3A_716 : vector<16xi32>
        %select_n3A_718 = arith.select %lt3A_714, %add3A_717, %xor3A_711 : vector<16xi1>, vector<16xi32>
        %broadcast_in_dim3A_719 = vector.shape_cast %select_n3A_718 : vector<16xi32> to vector<16x1xi32>
        %gather3A_720 = vector.shape_cast %broadcast_in_dim3A_719 : vector<16x1xi32> to vector<16xi32>
        %gather3A_721 = tpu.dynamic_gather %add3A_707[%gather3A_720] in [0] : vector<16xf32>, vector<16xi32> -> vector<16xf32>
        %add3A_722 = arith.addf %add3A_707, %gather3A_721 : vector<16xf32>
        %iota3A_723 = tpu.iota {dimensions = array<i32: 0>} : vector<16xi32>
        %xor3A_724 = arith.constant 8 : i32
        %xor3A_725 = vector.broadcast %xor3A_724 : i32 to vector<16xi32>
        %xor3A_726 = arith.xori %iota3A_723, %xor3A_725 : vector<16xi32>
        %lt3A_727 = arith.constant 0 : i32
        %lt3A_728 = vector.broadcast %lt3A_727 : i32 to vector<16xi32>
        %lt3A_729 = arith.cmpi slt, %xor3A_726, %lt3A_728 : vector<16xi32>
        %add3A_730 = arith.constant 16 : i32
        %add3A_731 = vector.broadcast %add3A_730 : i32 to vector<16xi32>
        %add3A_732 = arith.addi %xor3A_726, %add3A_731 : vector<16xi32>
        %select_n3A_733 = arith.select %lt3A_729, %add3A_732, %xor3A_726 : vector<16xi1>, vector<16xi32>
        %broadcast_in_dim3A_734 = vector.shape_cast %select_n3A_733 : vector<16xi32> to vector<16x1xi32>
        %gather3A_735 = vector.shape_cast %broadcast_in_dim3A_734 : vector<16x1xi32> to vector<16xi32>
        %gather3A_736 = tpu.dynamic_gather %add3A_722[%gather3A_735] in [0] : vector<16xf32>, vector<16xi32> -> vector<16xf32>
        %add3A_737 = arith.addf %add3A_722, %gather3A_736 : vector<16xf32>
        %mul3A_738 = arith.constant 1.562500e-02 : f32
        %mul3A_739 = vector.broadcast %mul3A_738 : f32 to vector<16xf32>
        %mul3A_740 = arith.mulf %add3A_737, %mul3A_739 : vector<16xf32>
        %mul3A_741 = arith.mulf %mul3A_677, %mul3A_677 : vector<16xf32>
        %sub3A_742 = arith.subf %mul3A_740, %mul3A_741 : vector<16xf32>
        %max3A_743 = arith.constant 0.000000e+00 : f32
        %max3A_744 = vector.broadcast %max3A_743 : f32 to vector<16xf32>
        %max3A_745 = arith.maximumf %sub3A_742, %max3A_744 : vector<16xf32>
        %add3A_746 = arith.constant 9.99999996E-13 : f32
        %add3A_747 = vector.broadcast %add3A_746 : f32 to vector<16xf32>
        %add3A_748 = arith.addf %max3A_745, %add3A_747 : vector<16xf32>
        %bitcast_convert_type3A_749 = tpu.bitcast %add3A_748 : vector<16xf32> -> vector<16xi32>
        %shift_right_arithmetic3A_750 = arith.constant 1 : i32
        %shift_right_arithmetic3A_751 = vector.broadcast %shift_right_arithmetic3A_750 : i32 to vector<16xi32>
        %shift_right_arithmetic3A_752 = arith.shrsi %bitcast_convert_type3A_749, %shift_right_arithmetic3A_751 : vector<16xi32>
        %sub3A_753 = arith.constant 1597463007 : i32
        %sub3A_754 = vector.broadcast %sub3A_753 : i32 to vector<16xi32>
        %sub3A_755 = arith.subi %sub3A_754, %shift_right_arithmetic3A_752 : vector<16xi32>
        %bitcast_convert_type3A_756 = tpu.bitcast %sub3A_755 : vector<16xi32> -> vector<16xf32>
        %mul3A_757 = arith.constant 5.000000e-01 : f32
        %mul3A_758 = vector.broadcast %mul3A_757 : f32 to vector<16xf32>
        %mul3A_759 = arith.mulf %mul3A_758, %add3A_748 : vector<16xf32>
        %mul3A_760 = arith.mulf %mul3A_759, %bitcast_convert_type3A_756 : vector<16xf32>
        %mul3A_761 = arith.mulf %mul3A_760, %bitcast_convert_type3A_756 : vector<16xf32>
        %sub3A_762 = arith.constant 1.500000e+00 : f32
        %sub3A_763 = vector.broadcast %sub3A_762 : f32 to vector<16xf32>
        %sub3A_764 = arith.subf %sub3A_763, %mul3A_761 : vector<16xf32>
        %mul3A_765 = arith.mulf %bitcast_convert_type3A_756, %sub3A_764 : vector<16xf32>
        %mul3A_766 = arith.mulf %mul3A_759, %mul3A_765 : vector<16xf32>
        %mul3A_767 = arith.mulf %mul3A_766, %mul3A_765 : vector<16xf32>
        %sub3A_768 = arith.constant 1.500000e+00 : f32
        %sub3A_769 = vector.broadcast %sub3A_768 : f32 to vector<16xf32>
        %sub3A_770 = arith.subf %sub3A_769, %mul3A_767 : vector<16xf32>
        %mul3A_771 = arith.mulf %mul3A_765, %sub3A_770 : vector<16xf32>
        %mul3A_772 = arith.mulf %mul3A_771, %get3A_4 : vector<16xf32>
        %mul3A_773 = arith.mulf %mul3A_771, %get3A_7 : vector<16xf32>
        %mul3A_774 = arith.mulf %mul3A_771, %get3A_10 : vector<16xf32>
        %mul3A_775 = arith.mulf %mul3A_771, %get3A_13 : vector<16xf32>
        %mul3A_776 = arith.mulf %add3A_577, %mul3A_772 : vector<16xf32>
        %mul3A_777 = arith.mulf %mul3A_677, %mul3A_772 : vector<16xf32>
        %sub3A_778 = arith.subf %mul3A_777, %get3A_16 : vector<16xf32>
        %sub3A_779 = arith.subf %mul3A_776, %sub3A_778 : vector<16xf32>
        %swap3A_780 = arith.index_cast %add3A_568 : i32 to index
        %swap3A_781 = arith.constant 64 : index
        %swap3A_782 = tpu.vector_load %arg12[%swap3A_780, %swap3A_781] {strides = array<i32>} : memref<100x128xf32, #tpu.memory_space<vmem>>, vector<1x16xf32>,
        %swap3A_783 = vector.shape_cast %swap3A_782 : vector<1x16xf32> to vector<16xf32>
        %swap3A_784 = vector.shape_cast %sub3A_779 : vector<16xf32> to vector<1x16xf32>
        tpu.vector_store %arg12[%swap3A_780, %swap3A_781], %swap3A_784 {strides = array<i32>} : memref<100x128xf32, #tpu.memory_space<vmem>>, vector<1x16xf32>,
        %mul3A_785 = arith.mulf %add3A_586, %mul3A_773 : vector<16xf32>
        %mul3A_786 = arith.mulf %mul3A_677, %mul3A_773 : vector<16xf32>
        %sub3A_787 = arith.subf %mul3A_786, %get3A_19 : vector<16xf32>
        %sub3A_788 = arith.subf %mul3A_785, %sub3A_787 : vector<16xf32>
        %swap3A_789 = arith.index_cast %add3A_568 : i32 to index
        %swap3A_790 = arith.constant 80 : index
        %swap3A_791 = tpu.vector_load %arg12[%swap3A_789, %swap3A_790] {strides = array<i32>} : memref<100x128xf32, #tpu.memory_space<vmem>>, vector<1x16xf32>,
        %swap3A_792 = vector.shape_cast %swap3A_791 : vector<1x16xf32> to vector<16xf32>
        %swap3A_793 = vector.shape_cast %sub3A_788 : vector<16xf32> to vector<1x16xf32>
        tpu.vector_store %arg12[%swap3A_789, %swap3A_790], %swap3A_793 {strides = array<i32>} : memref<100x128xf32, #tpu.memory_space<vmem>>, vector<1x16xf32>,
        %mul3A_794 = arith.mulf %add3A_595, %mul3A_774 : vector<16xf32>
        %mul3A_795 = arith.mulf %mul3A_677, %mul3A_774 : vector<16xf32>
        %sub3A_796 = arith.subf %mul3A_795, %get3A_22 : vector<16xf32>
        %sub3A_797 = arith.subf %mul3A_794, %sub3A_796 : vector<16xf32>
        %swap3A_798 = arith.index_cast %add3A_568 : i32 to index
        %swap3A_799 = arith.constant 96 : index
        %swap3A_800 = tpu.vector_load %arg12[%swap3A_798, %swap3A_799] {strides = array<i32>} : memref<100x128xf32, #tpu.memory_space<vmem>>, vector<1x16xf32>,
        %swap3A_801 = vector.shape_cast %swap3A_800 : vector<1x16xf32> to vector<16xf32>
        %swap3A_802 = vector.shape_cast %sub3A_797 : vector<16xf32> to vector<1x16xf32>
        tpu.vector_store %arg12[%swap3A_798, %swap3A_799], %swap3A_802 {strides = array<i32>} : memref<100x128xf32, #tpu.memory_space<vmem>>, vector<1x16xf32>,
        %mul3A_803 = arith.mulf %add3A_604, %mul3A_775 : vector<16xf32>
        %mul3A_804 = arith.mulf %mul3A_677, %mul3A_775 : vector<16xf32>
        %sub3A_805 = arith.subf %mul3A_804, %get3A_25 : vector<16xf32>
        %sub3A_806 = arith.subf %mul3A_803, %sub3A_805 : vector<16xf32>
        %swap3A_807 = arith.index_cast %add3A_568 : i32 to index
        %swap3A_808 = arith.constant 112 : index
        %swap3A_809 = tpu.vector_load %arg12[%swap3A_807, %swap3A_808] {strides = array<i32>} : memref<100x128xf32, #tpu.memory_space<vmem>>, vector<1x16xf32>,
        %swap3A_810 = vector.shape_cast %swap3A_809 : vector<1x16xf32> to vector<16xf32>
        %swap3A_811 = vector.shape_cast %sub3A_806 : vector<16xf32> to vector<1x16xf32>
        tpu.vector_store %arg12[%swap3A_807, %swap3A_808], %swap3A_811 {strides = array<i32>} : memref<100x128xf32, #tpu.memory_space<vmem>>, vector<1x16xf32>,
        %mul3A_812 = arith.constant 4 : i32
        %mul3A_813 = arith.muli %scan3A_317, %mul3A_812 : i32
        %add3A_814 = arith.constant 2 : i32
        %add3A_815 = arith.addi %mul3A_813, %add3A_814 : i32
        %mul3A_816 = arith.constant 2 : i32
        %mul3A_817 = arith.muli %scan3A_317, %mul3A_816 : i32
        %add3A_818 = arith.constant 1 : i32
        %add3A_819 = arith.addi %mul3A_817, %add3A_818 : i32
        %get3A_820 = arith.index_cast %add3A_815 : i32 to index
        %get3A_821 = arith.constant 0 : index
        %get3A_822 = tpu.vector_load %arg10[%get3A_820, %get3A_821] {strides = array<i32>} : memref<200x64xf32, #tpu.memory_space<vmem>>, vector<1x16xf32>,
        %get3A_823 = vector.shape_cast %get3A_822 : vector<1x16xf32> to vector<16xf32>
        %get3A_824 = arith.index_cast %add3A_815 : i32 to index
        %get3A_825 = arith.constant 0 : index
        %get3A_826 = tpu.vector_load %arg13[%get3A_824, %get3A_825] {strides = array<i32>} : memref<200x64xf32, #tpu.memory_space<vmem>>, vector<1x16xf32>,
        %get3A_827 = vector.shape_cast %get3A_826 : vector<1x16xf32> to vector<16xf32>
        %add3A_828 = arith.addf %get3A_823, %get3A_827 : vector<16xf32>
        %get3A_829 = arith.index_cast %add3A_815 : i32 to index
        %get3A_830 = arith.constant 16 : index
        %get3A_831 = tpu.vector_load %arg10[%get3A_829, %get3A_830] {strides = array<i32>} : memref<200x64xf32, #tpu.memory_space<vmem>>, vector<1x16xf32>,
        %get3A_832 = vector.shape_cast %get3A_831 : vector<1x16xf32> to vector<16xf32>
        %get3A_833 = arith.index_cast %add3A_815 : i32 to index
        %get3A_834 = arith.constant 16 : index
        %get3A_835 = tpu.vector_load %arg13[%get3A_833, %get3A_834] {strides = array<i32>} : memref<200x64xf32, #tpu.memory_space<vmem>>, vector<1x16xf32>,
        %get3A_836 = vector.shape_cast %get3A_835 : vector<1x16xf32> to vector<16xf32>
        %add3A_837 = arith.addf %get3A_832, %get3A_836 : vector<16xf32>
        %get3A_838 = arith.index_cast %add3A_815 : i32 to index
        %get3A_839 = arith.constant 32 : index
        %get3A_840 = tpu.vector_load %arg10[%get3A_838, %get3A_839] {strides = array<i32>} : memref<200x64xf32, #tpu.memory_space<vmem>>, vector<1x16xf32>,
        %get3A_841 = vector.shape_cast %get3A_840 : vector<1x16xf32> to vector<16xf32>
        %get3A_842 = arith.index_cast %add3A_815 : i32 to index
        %get3A_843 = arith.constant 32 : index
        %get3A_844 = tpu.vector_load %arg13[%get3A_842, %get3A_843] {strides = array<i32>} : memref<200x64xf32, #tpu.memory_space<vmem>>, vector<1x16xf32>,
        %get3A_845 = vector.shape_cast %get3A_844 : vector<1x16xf32> to vector<16xf32>
        %add3A_846 = arith.addf %get3A_841, %get3A_845 : vector<16xf32>
        %get3A_847 = arith.index_cast %add3A_815 : i32 to index
        %get3A_848 = arith.constant 48 : index
        %get3A_849 = tpu.vector_load %arg10[%get3A_847, %get3A_848] {strides = array<i32>} : memref<200x64xf32, #tpu.memory_space<vmem>>, vector<1x16xf32>,
        %get3A_850 = vector.shape_cast %get3A_849 : vector<1x16xf32> to vector<16xf32>
        %get3A_851 = arith.index_cast %add3A_815 : i32 to index
        %get3A_852 = arith.constant 48 : index
        %get3A_853 = tpu.vector_load %arg13[%get3A_851, %get3A_852] {strides = array<i32>} : memref<200x64xf32, #tpu.memory_space<vmem>>, vector<1x16xf32>,
        %get3A_854 = vector.shape_cast %get3A_853 : vector<1x16xf32> to vector<16xf32>
        %add3A_855 = arith.addf %get3A_850, %get3A_854 : vector<16xf32>
        %add3A_856 = arith.addf %add3A_828, %add3A_837 : vector<16xf32>
        %add3A_857 = arith.addf %add3A_846, %add3A_855 : vector<16xf32>
        %add3A_858 = arith.addf %add3A_856, %add3A_857 : vector<16xf32>
        %mul3A_859 = arith.mulf %add3A_828, %add3A_828 : vector<16xf32>
        %mul3A_860 = arith.mulf %add3A_837, %add3A_837 : vector<16xf32>
        %add3A_861 = arith.addf %mul3A_859, %mul3A_860 : vector<16xf32>
        %mul3A_862 = arith.mulf %add3A_846, %add3A_846 : vector<16xf32>
        %mul3A_863 = arith.mulf %add3A_855, %add3A_855 : vector<16xf32>
        %add3A_864 = arith.addf %mul3A_862, %mul3A_863 : vector<16xf32>
        %add3A_865 = arith.addf %add3A_861, %add3A_864 : vector<16xf32>
        %iota3A_866 = tpu.iota {dimensions = array<i32: 0>} : vector<16xi32>
        %xor3A_867 = arith.constant 1 : i32
        %xor3A_868 = vector.broadcast %xor3A_867 : i32 to vector<16xi32>
        %xor3A_869 = arith.xori %iota3A_866, %xor3A_868 : vector<16xi32>
        %lt3A_870 = arith.constant 0 : i32
        %lt3A_871 = vector.broadcast %lt3A_870 : i32 to vector<16xi32>
        %lt3A_872 = arith.cmpi slt, %xor3A_869, %lt3A_871 : vector<16xi32>
        %add3A_873 = arith.constant 16 : i32
        %add3A_874 = vector.broadcast %add3A_873 : i32 to vector<16xi32>
        %add3A_875 = arith.addi %xor3A_869, %add3A_874 : vector<16xi32>
        %select_n3A_876 = arith.select %lt3A_872, %add3A_875, %xor3A_869 : vector<16xi1>, vector<16xi32>
        %broadcast_in_dim3A_877 = vector.shape_cast %select_n3A_876 : vector<16xi32> to vector<16x1xi32>
        %gather3A_878 = vector.shape_cast %broadcast_in_dim3A_877 : vector<16x1xi32> to vector<16xi32>
        %gather3A_879 = tpu.dynamic_gather %add3A_858[%gather3A_878] in [0] : vector<16xf32>, vector<16xi32> -> vector<16xf32>
        %add3A_880 = arith.addf %add3A_858, %gather3A_879 : vector<16xf32>
        %iota3A_881 = tpu.iota {dimensions = array<i32: 0>} : vector<16xi32>
        %xor3A_882 = arith.constant 2 : i32
        %xor3A_883 = vector.broadcast %xor3A_882 : i32 to vector<16xi32>
        %xor3A_884 = arith.xori %iota3A_881, %xor3A_883 : vector<16xi32>
        %lt3A_885 = arith.constant 0 : i32
        %lt3A_886 = vector.broadcast %lt3A_885 : i32 to vector<16xi32>
        %lt3A_887 = arith.cmpi slt, %xor3A_884, %lt3A_886 : vector<16xi32>
        %add3A_888 = arith.constant 16 : i32
        %add3A_889 = vector.broadcast %add3A_888 : i32 to vector<16xi32>
        %add3A_890 = arith.addi %xor3A_884, %add3A_889 : vector<16xi32>
        %select_n3A_891 = arith.select %lt3A_887, %add3A_890, %xor3A_884 : vector<16xi1>, vector<16xi32>
        %broadcast_in_dim3A_892 = vector.shape_cast %select_n3A_891 : vector<16xi32> to vector<16x1xi32>
        %gather3A_893 = vector.shape_cast %broadcast_in_dim3A_892 : vector<16x1xi32> to vector<16xi32>
        %gather3A_894 = tpu.dynamic_gather %add3A_880[%gather3A_893] in [0] : vector<16xf32>, vector<16xi32> -> vector<16xf32>
        %add3A_895 = arith.addf %add3A_880, %gather3A_894 : vector<16xf32>
        %iota3A_896 = tpu.iota {dimensions = array<i32: 0>} : vector<16xi32>
        %xor3A_897 = arith.constant 4 : i32
        %xor3A_898 = vector.broadcast %xor3A_897 : i32 to vector<16xi32>
        %xor3A_899 = arith.xori %iota3A_896, %xor3A_898 : vector<16xi32>
        %lt3A_900 = arith.constant 0 : i32
        %lt3A_901 = vector.broadcast %lt3A_900 : i32 to vector<16xi32>
        %lt3A_902 = arith.cmpi slt, %xor3A_899, %lt3A_901 : vector<16xi32>
        %add3A_903 = arith.constant 16 : i32
        %add3A_904 = vector.broadcast %add3A_903 : i32 to vector<16xi32>
        %add3A_905 = arith.addi %xor3A_899, %add3A_904 : vector<16xi32>
        %select_n3A_906 = arith.select %lt3A_902, %add3A_905, %xor3A_899 : vector<16xi1>, vector<16xi32>
        %broadcast_in_dim3A_907 = vector.shape_cast %select_n3A_906 : vector<16xi32> to vector<16x1xi32>
        %gather3A_908 = vector.shape_cast %broadcast_in_dim3A_907 : vector<16x1xi32> to vector<16xi32>
        %gather3A_909 = tpu.dynamic_gather %add3A_895[%gather3A_908] in [0] : vector<16xf32>, vector<16xi32> -> vector<16xf32>
        %add3A_910 = arith.addf %add3A_895, %gather3A_909 : vector<16xf32>
        %iota3A_911 = tpu.iota {dimensions = array<i32: 0>} : vector<16xi32>
        %xor3A_912 = arith.constant 8 : i32
        %xor3A_913 = vector.broadcast %xor3A_912 : i32 to vector<16xi32>
        %xor3A_914 = arith.xori %iota3A_911, %xor3A_913 : vector<16xi32>
        %lt3A_915 = arith.constant 0 : i32
        %lt3A_916 = vector.broadcast %lt3A_915 : i32 to vector<16xi32>
        %lt3A_917 = arith.cmpi slt, %xor3A_914, %lt3A_916 : vector<16xi32>
        %add3A_918 = arith.constant 16 : i32
        %add3A_919 = vector.broadcast %add3A_918 : i32 to vector<16xi32>
        %add3A_920 = arith.addi %xor3A_914, %add3A_919 : vector<16xi32>
        %select_n3A_921 = arith.select %lt3A_917, %add3A_920, %xor3A_914 : vector<16xi1>, vector<16xi32>
        %broadcast_in_dim3A_922 = vector.shape_cast %select_n3A_921 : vector<16xi32> to vector<16x1xi32>
        %gather3A_923 = vector.shape_cast %broadcast_in_dim3A_922 : vector<16x1xi32> to vector<16xi32>
        %gather3A_924 = tpu.dynamic_gather %add3A_910[%gather3A_923] in [0] : vector<16xf32>, vector<16xi32> -> vector<16xf32>
        %add3A_925 = arith.addf %add3A_910, %gather3A_924 : vector<16xf32>
        %mul3A_926 = arith.constant 1.562500e-02 : f32
        %mul3A_927 = vector.broadcast %mul3A_926 : f32 to vector<16xf32>
        %mul3A_928 = arith.mulf %add3A_925, %mul3A_927 : vector<16xf32>
        %iota3A_929 = tpu.iota {dimensions = array<i32: 0>} : vector<16xi32>
        %xor3A_930 = arith.constant 1 : i32
        %xor3A_931 = vector.broadcast %xor3A_930 : i32 to vector<16xi32>
        %xor3A_932 = arith.xori %iota3A_929, %xor3A_931 : vector<16xi32>
        %lt3A_933 = arith.constant 0 : i32
        %lt3A_934 = vector.broadcast %lt3A_933 : i32 to vector<16xi32>
        %lt3A_935 = arith.cmpi slt, %xor3A_932, %lt3A_934 : vector<16xi32>
        %add3A_936 = arith.constant 16 : i32
        %add3A_937 = vector.broadcast %add3A_936 : i32 to vector<16xi32>
        %add3A_938 = arith.addi %xor3A_932, %add3A_937 : vector<16xi32>
        %select_n3A_939 = arith.select %lt3A_935, %add3A_938, %xor3A_932 : vector<16xi1>, vector<16xi32>
        %broadcast_in_dim3A_940 = vector.shape_cast %select_n3A_939 : vector<16xi32> to vector<16x1xi32>
        %gather3A_941 = vector.shape_cast %broadcast_in_dim3A_940 : vector<16x1xi32> to vector<16xi32>
        %gather3A_942 = tpu.dynamic_gather %add3A_865[%gather3A_941] in [0] : vector<16xf32>, vector<16xi32> -> vector<16xf32>
        %add3A_943 = arith.addf %add3A_865, %gather3A_942 : vector<16xf32>
        %iota3A_944 = tpu.iota {dimensions = array<i32: 0>} : vector<16xi32>
        %xor3A_945 = arith.constant 2 : i32
        %xor3A_946 = vector.broadcast %xor3A_945 : i32 to vector<16xi32>
        %xor3A_947 = arith.xori %iota3A_944, %xor3A_946 : vector<16xi32>
        %lt3A_948 = arith.constant 0 : i32
        %lt3A_949 = vector.broadcast %lt3A_948 : i32 to vector<16xi32>
        %lt3A_950 = arith.cmpi slt, %xor3A_947, %lt3A_949 : vector<16xi32>
        %add3A_951 = arith.constant 16 : i32
        %add3A_952 = vector.broadcast %add3A_951 : i32 to vector<16xi32>
        %add3A_953 = arith.addi %xor3A_947, %add3A_952 : vector<16xi32>
        %select_n3A_954 = arith.select %lt3A_950, %add3A_953, %xor3A_947 : vector<16xi1>, vector<16xi32>
        %broadcast_in_dim3A_955 = vector.shape_cast %select_n3A_954 : vector<16xi32> to vector<16x1xi32>
        %gather3A_956 = vector.shape_cast %broadcast_in_dim3A_955 : vector<16x1xi32> to vector<16xi32>
        %gather3A_957 = tpu.dynamic_gather %add3A_943[%gather3A_956] in [0] : vector<16xf32>, vector<16xi32> -> vector<16xf32>
        %add3A_958 = arith.addf %add3A_943, %gather3A_957 : vector<16xf32>
        %iota3A_959 = tpu.iota {dimensions = array<i32: 0>} : vector<16xi32>
        %xor3A_960 = arith.constant 4 : i32
        %xor3A_961 = vector.broadcast %xor3A_960 : i32 to vector<16xi32>
        %xor3A_962 = arith.xori %iota3A_959, %xor3A_961 : vector<16xi32>
        %lt3A_963 = arith.constant 0 : i32
        %lt3A_964 = vector.broadcast %lt3A_963 : i32 to vector<16xi32>
        %lt3A_965 = arith.cmpi slt, %xor3A_962, %lt3A_964 : vector<16xi32>
        %add3A_966 = arith.constant 16 : i32
        %add3A_967 = vector.broadcast %add3A_966 : i32 to vector<16xi32>
        %add3A_968 = arith.addi %xor3A_962, %add3A_967 : vector<16xi32>
        %select_n3A_969 = arith.select %lt3A_965, %add3A_968, %xor3A_962 : vector<16xi1>, vector<16xi32>
        %broadcast_in_dim3A_970 = vector.shape_cast %select_n3A_969 : vector<16xi32> to vector<16x1xi32>
        %gather3A_971 = vector.shape_cast %broadcast_in_dim3A_970 : vector<16x1xi32> to vector<16xi32>
        %gather3A_972 = tpu.dynamic_gather %add3A_958[%gather3A_971] in [0] : vector<16xf32>, vector<16xi32> -> vector<16xf32>
        %add3A_973 = arith.addf %add3A_958, %gather3A_972 : vector<16xf32>
        %iota3A_974 = tpu.iota {dimensions = array<i32: 0>} : vector<16xi32>
        %xor3A_975 = arith.constant 8 : i32
        %xor3A_976 = vector.broadcast %xor3A_975 : i32 to vector<16xi32>
        %xor3A_977 = arith.xori %iota3A_974, %xor3A_976 : vector<16xi32>
        %lt3A_978 = arith.constant 0 : i32
        %lt3A_979 = vector.broadcast %lt3A_978 : i32 to vector<16xi32>
        %lt3A_980 = arith.cmpi slt, %xor3A_977, %lt3A_979 : vector<16xi32>
        %add3A_981 = arith.constant 16 : i32
        %add3A_982 = vector.broadcast %add3A_981 : i32 to vector<16xi32>
        %add3A_983 = arith.addi %xor3A_977, %add3A_982 : vector<16xi32>
        %select_n3A_984 = arith.select %lt3A_980, %add3A_983, %xor3A_977 : vector<16xi1>, vector<16xi32>
        %broadcast_in_dim3A_985 = vector.shape_cast %select_n3A_984 : vector<16xi32> to vector<16x1xi32>
        %gather3A_986 = vector.shape_cast %broadcast_in_dim3A_985 : vector<16x1xi32> to vector<16xi32>
        %gather3A_987 = tpu.dynamic_gather %add3A_973[%gather3A_986] in [0] : vector<16xf32>, vector<16xi32> -> vector<16xf32>
        %add3A_988 = arith.addf %add3A_973, %gather3A_987 : vector<16xf32>
        %mul3A_989 = arith.constant 1.562500e-02 : f32
        %mul3A_990 = vector.broadcast %mul3A_989 : f32 to vector<16xf32>
        %mul3A_991 = arith.mulf %add3A_988, %mul3A_990 : vector<16xf32>
        %mul3A_992 = arith.mulf %mul3A_928, %mul3A_928 : vector<16xf32>
        %sub3A_993 = arith.subf %mul3A_991, %mul3A_992 : vector<16xf32>
        %max3A_994 = arith.constant 0.000000e+00 : f32
        %max3A_995 = vector.broadcast %max3A_994 : f32 to vector<16xf32>
        %max3A_996 = arith.maximumf %sub3A_993, %max3A_995 : vector<16xf32>
        %add3A_997 = arith.constant 9.99999996E-13 : f32
        %add3A_998 = vector.broadcast %add3A_997 : f32 to vector<16xf32>
        %add3A_999 = arith.addf %max3A_996, %add3A_998 : vector<16xf32>
        %bitcast_convert_type3A_1000 = tpu.bitcast %add3A_999 : vector<16xf32> -> vector<16xi32>
        %shift_right_arithmetic3A_1001 = arith.constant 1 : i32
        %shift_right_arithmetic3A_1002 = vector.broadcast %shift_right_arithmetic3A_1001 : i32 to vector<16xi32>
        %shift_right_arithmetic3A_1003 = arith.shrsi %bitcast_convert_type3A_1000, %shift_right_arithmetic3A_1002 : vector<16xi32>
        %sub3A_1004 = arith.constant 1597463007 : i32
        %sub3A_1005 = vector.broadcast %sub3A_1004 : i32 to vector<16xi32>
        %sub3A_1006 = arith.subi %sub3A_1005, %shift_right_arithmetic3A_1003 : vector<16xi32>
        %bitcast_convert_type3A_1007 = tpu.bitcast %sub3A_1006 : vector<16xi32> -> vector<16xf32>
        %mul3A_1008 = arith.constant 5.000000e-01 : f32
        %mul3A_1009 = vector.broadcast %mul3A_1008 : f32 to vector<16xf32>
        %mul3A_1010 = arith.mulf %mul3A_1009, %add3A_999 : vector<16xf32>
        %mul3A_1011 = arith.mulf %mul3A_1010, %bitcast_convert_type3A_1007 : vector<16xf32>
        %mul3A_1012 = arith.mulf %mul3A_1011, %bitcast_convert_type3A_1007 : vector<16xf32>
        %sub3A_1013 = arith.constant 1.500000e+00 : f32
        %sub3A_1014 = vector.broadcast %sub3A_1013 : f32 to vector<16xf32>
        %sub3A_1015 = arith.subf %sub3A_1014, %mul3A_1012 : vector<16xf32>
        %mul3A_1016 = arith.mulf %bitcast_convert_type3A_1007, %sub3A_1015 : vector<16xf32>
        %mul3A_1017 = arith.mulf %mul3A_1010, %mul3A_1016 : vector<16xf32>
        %mul3A_1018 = arith.mulf %mul3A_1017, %mul3A_1016 : vector<16xf32>
        %sub3A_1019 = arith.constant 1.500000e+00 : f32
        %sub3A_1020 = vector.broadcast %sub3A_1019 : f32 to vector<16xf32>
        %sub3A_1021 = arith.subf %sub3A_1020, %mul3A_1018 : vector<16xf32>
        %mul3A_1022 = arith.mulf %mul3A_1016, %sub3A_1021 : vector<16xf32>
        %mul3A_1023 = arith.mulf %mul3A_1022, %get3A_4 : vector<16xf32>
        %mul3A_1024 = arith.mulf %mul3A_1022, %get3A_7 : vector<16xf32>
        %mul3A_1025 = arith.mulf %mul3A_1022, %get3A_10 : vector<16xf32>
        %mul3A_1026 = arith.mulf %mul3A_1022, %get3A_13 : vector<16xf32>
        %mul3A_1027 = arith.mulf %add3A_828, %mul3A_1023 : vector<16xf32>
        %mul3A_1028 = arith.mulf %mul3A_928, %mul3A_1023 : vector<16xf32>
        %sub3A_1029 = arith.subf %mul3A_1028, %get3A_16 : vector<16xf32>
        %sub3A_1030 = arith.subf %mul3A_1027, %sub3A_1029 : vector<16xf32>
        %swap3A_1031 = arith.index_cast %add3A_819 : i32 to index
        %swap3A_1032 = arith.constant 0 : index
        %swap3A_1033 = tpu.vector_load %arg12[%swap3A_1031, %swap3A_1032] {strides = array<i32>} : memref<100x128xf32, #tpu.memory_space<vmem>>, vector<1x16xf32>,
        %swap3A_1034 = vector.shape_cast %swap3A_1033 : vector<1x16xf32> to vector<16xf32>
        %swap3A_1035 = vector.shape_cast %sub3A_1030 : vector<16xf32> to vector<1x16xf32>
        tpu.vector_store %arg12[%swap3A_1031, %swap3A_1032], %swap3A_1035 {strides = array<i32>} : memref<100x128xf32, #tpu.memory_space<vmem>>, vector<1x16xf32>,
        %mul3A_1036 = arith.mulf %add3A_837, %mul3A_1024 : vector<16xf32>
        %mul3A_1037 = arith.mulf %mul3A_928, %mul3A_1024 : vector<16xf32>
        %sub3A_1038 = arith.subf %mul3A_1037, %get3A_19 : vector<16xf32>
        %sub3A_1039 = arith.subf %mul3A_1036, %sub3A_1038 : vector<16xf32>
        %swap3A_1040 = arith.index_cast %add3A_819 : i32 to index
        %swap3A_1041 = arith.constant 16 : index
        %swap3A_1042 = tpu.vector_load %arg12[%swap3A_1040, %swap3A_1041] {strides = array<i32>} : memref<100x128xf32, #tpu.memory_space<vmem>>, vector<1x16xf32>,
        %swap3A_1043 = vector.shape_cast %swap3A_1042 : vector<1x16xf32> to vector<16xf32>
        %swap3A_1044 = vector.shape_cast %sub3A_1039 : vector<16xf32> to vector<1x16xf32>
        tpu.vector_store %arg12[%swap3A_1040, %swap3A_1041], %swap3A_1044 {strides = array<i32>} : memref<100x128xf32, #tpu.memory_space<vmem>>, vector<1x16xf32>,
        %mul3A_1045 = arith.mulf %add3A_846, %mul3A_1025 : vector<16xf32>
        %mul3A_1046 = arith.mulf %mul3A_928, %mul3A_1025 : vector<16xf32>
        %sub3A_1047 = arith.subf %mul3A_1046, %get3A_22 : vector<16xf32>
        %sub3A_1048 = arith.subf %mul3A_1045, %sub3A_1047 : vector<16xf32>
        %swap3A_1049 = arith.index_cast %add3A_819 : i32 to index
        %swap3A_1050 = arith.constant 32 : index
        %swap3A_1051 = tpu.vector_load %arg12[%swap3A_1049, %swap3A_1050] {strides = array<i32>} : memref<100x128xf32, #tpu.memory_space<vmem>>, vector<1x16xf32>,
        %swap3A_1052 = vector.shape_cast %swap3A_1051 : vector<1x16xf32> to vector<16xf32>
        %swap3A_1053 = vector.shape_cast %sub3A_1048 : vector<16xf32> to vector<1x16xf32>
        tpu.vector_store %arg12[%swap3A_1049, %swap3A_1050], %swap3A_1053 {strides = array<i32>} : memref<100x128xf32, #tpu.memory_space<vmem>>, vector<1x16xf32>,
        %mul3A_1054 = arith.mulf %add3A_855, %mul3A_1026 : vector<16xf32>
        %mul3A_1055 = arith.mulf %mul3A_928, %mul3A_1026 : vector<16xf32>
        %sub3A_1056 = arith.subf %mul3A_1055, %get3A_25 : vector<16xf32>
        %sub3A_1057 = arith.subf %mul3A_1054, %sub3A_1056 : vector<16xf32>
        %swap3A_1058 = arith.index_cast %add3A_819 : i32 to index
        %swap3A_1059 = arith.constant 48 : index
        %swap3A_1060 = tpu.vector_load %arg12[%swap3A_1058, %swap3A_1059] {strides = array<i32>} : memref<100x128xf32, #tpu.memory_space<vmem>>, vector<1x16xf32>,
        %swap3A_1061 = vector.shape_cast %swap3A_1060 : vector<1x16xf32> to vector<16xf32>
        %swap3A_1062 = vector.shape_cast %sub3A_1057 : vector<16xf32> to vector<1x16xf32>
        tpu.vector_store %arg12[%swap3A_1058, %swap3A_1059], %swap3A_1062 {strides = array<i32>} : memref<100x128xf32, #tpu.memory_space<vmem>>, vector<1x16xf32>,
        %mul3A_1063 = arith.constant 4 : i32
        %mul3A_1064 = arith.muli %scan3A_317, %mul3A_1063 : i32
        %add3A_1065 = arith.constant 3 : i32
        %add3A_1066 = arith.addi %mul3A_1064, %add3A_1065 : i32
        %mul3A_1067 = arith.constant 2 : i32
        %mul3A_1068 = arith.muli %scan3A_317, %mul3A_1067 : i32
        %add3A_1069 = arith.constant 1 : i32
        %add3A_1070 = arith.addi %mul3A_1068, %add3A_1069 : i32
        %get3A_1071 = arith.index_cast %add3A_1066 : i32 to index
        %get3A_1072 = arith.constant 0 : index
        %get3A_1073 = tpu.vector_load %arg10[%get3A_1071, %get3A_1072] {strides = array<i32>} : memref<200x64xf32, #tpu.memory_space<vmem>>, vector<1x16xf32>,
        %get3A_1074 = vector.shape_cast %get3A_1073 : vector<1x16xf32> to vector<16xf32>
        %get3A_1075 = arith.index_cast %add3A_1066 : i32 to index
        %get3A_1076 = arith.constant 0 : index
        %get3A_1077 = tpu.vector_load %arg13[%get3A_1075, %get3A_1076] {strides = array<i32>} : memref<200x64xf32, #tpu.memory_space<vmem>>, vector<1x16xf32>,
        %get3A_1078 = vector.shape_cast %get3A_1077 : vector<1x16xf32> to vector<16xf32>
        %add3A_1079 = arith.addf %get3A_1074, %get3A_1078 : vector<16xf32>
        %get3A_1080 = arith.index_cast %add3A_1066 : i32 to index
        %get3A_1081 = arith.constant 16 : index
        %get3A_1082 = tpu.vector_load %arg10[%get3A_1080, %get3A_1081] {strides = array<i32>} : memref<200x64xf32, #tpu.memory_space<vmem>>, vector<1x16xf32>,
        %get3A_1083 = vector.shape_cast %get3A_1082 : vector<1x16xf32> to vector<16xf32>
        %get3A_1084 = arith.index_cast %add3A_1066 : i32 to index
        %get3A_1085 = arith.constant 16 : index
        %get3A_1086 = tpu.vector_load %arg13[%get3A_1084, %get3A_1085] {strides = array<i32>} : memref<200x64xf32, #tpu.memory_space<vmem>>, vector<1x16xf32>,
        %get3A_1087 = vector.shape_cast %get3A_1086 : vector<1x16xf32> to vector<16xf32>
        %add3A_1088 = arith.addf %get3A_1083, %get3A_1087 : vector<16xf32>
        %get3A_1089 = arith.index_cast %add3A_1066 : i32 to index
        %get3A_1090 = arith.constant 32 : index
        %get3A_1091 = tpu.vector_load %arg10[%get3A_1089, %get3A_1090] {strides = array<i32>} : memref<200x64xf32, #tpu.memory_space<vmem>>, vector<1x16xf32>,
        %get3A_1092 = vector.shape_cast %get3A_1091 : vector<1x16xf32> to vector<16xf32>
        %get3A_1093 = arith.index_cast %add3A_1066 : i32 to index
        %get3A_1094 = arith.constant 32 : index
        %get3A_1095 = tpu.vector_load %arg13[%get3A_1093, %get3A_1094] {strides = array<i32>} : memref<200x64xf32, #tpu.memory_space<vmem>>, vector<1x16xf32>,
        %get3A_1096 = vector.shape_cast %get3A_1095 : vector<1x16xf32> to vector<16xf32>
        %add3A_1097 = arith.addf %get3A_1092, %get3A_1096 : vector<16xf32>
        %get3A_1098 = arith.index_cast %add3A_1066 : i32 to index
        %get3A_1099 = arith.constant 48 : index
        %get3A_1100 = tpu.vector_load %arg10[%get3A_1098, %get3A_1099] {strides = array<i32>} : memref<200x64xf32, #tpu.memory_space<vmem>>, vector<1x16xf32>,
        %get3A_1101 = vector.shape_cast %get3A_1100 : vector<1x16xf32> to vector<16xf32>
        %get3A_1102 = arith.index_cast %add3A_1066 : i32 to index
        %get3A_1103 = arith.constant 48 : index
        %get3A_1104 = tpu.vector_load %arg13[%get3A_1102, %get3A_1103] {strides = array<i32>} : memref<200x64xf32, #tpu.memory_space<vmem>>, vector<1x16xf32>,
        %get3A_1105 = vector.shape_cast %get3A_1104 : vector<1x16xf32> to vector<16xf32>
        %add3A_1106 = arith.addf %get3A_1101, %get3A_1105 : vector<16xf32>
        %add3A_1107 = arith.addf %add3A_1079, %add3A_1088 : vector<16xf32>
        %add3A_1108 = arith.addf %add3A_1097, %add3A_1106 : vector<16xf32>
        %add3A_1109 = arith.addf %add3A_1107, %add3A_1108 : vector<16xf32>
        %mul3A_1110 = arith.mulf %add3A_1079, %add3A_1079 : vector<16xf32>
        %mul3A_1111 = arith.mulf %add3A_1088, %add3A_1088 : vector<16xf32>
        %add3A_1112 = arith.addf %mul3A_1110, %mul3A_1111 : vector<16xf32>
        %mul3A_1113 = arith.mulf %add3A_1097, %add3A_1097 : vector<16xf32>
        %mul3A_1114 = arith.mulf %add3A_1106, %add3A_1106 : vector<16xf32>
        %add3A_1115 = arith.addf %mul3A_1113, %mul3A_1114 : vector<16xf32>
        %add3A_1116 = arith.addf %add3A_1112, %add3A_1115 : vector<16xf32>
        %iota3A_1117 = tpu.iota {dimensions = array<i32: 0>} : vector<16xi32>
        %xor3A_1118 = arith.constant 1 : i32
        %xor3A_1119 = vector.broadcast %xor3A_1118 : i32 to vector<16xi32>
        %xor3A_1120 = arith.xori %iota3A_1117, %xor3A_1119 : vector<16xi32>
        %lt3A_1121 = arith.constant 0 : i32
        %lt3A_1122 = vector.broadcast %lt3A_1121 : i32 to vector<16xi32>
        %lt3A_1123 = arith.cmpi slt, %xor3A_1120, %lt3A_1122 : vector<16xi32>
        %add3A_1124 = arith.constant 16 : i32
        %add3A_1125 = vector.broadcast %add3A_1124 : i32 to vector<16xi32>
        %add3A_1126 = arith.addi %xor3A_1120, %add3A_1125 : vector<16xi32>
        %select_n3A_1127 = arith.select %lt3A_1123, %add3A_1126, %xor3A_1120 : vector<16xi1>, vector<16xi32>
        %broadcast_in_dim3A_1128 = vector.shape_cast %select_n3A_1127 : vector<16xi32> to vector<16x1xi32>
        %gather3A_1129 = vector.shape_cast %broadcast_in_dim3A_1128 : vector<16x1xi32> to vector<16xi32>
        %gather3A_1130 = tpu.dynamic_gather %add3A_1109[%gather3A_1129] in [0] : vector<16xf32>, vector<16xi32> -> vector<16xf32>
        %add3A_1131 = arith.addf %add3A_1109, %gather3A_1130 : vector<16xf32>
        %iota3A_1132 = tpu.iota {dimensions = array<i32: 0>} : vector<16xi32>
        %xor3A_1133 = arith.constant 2 : i32
        %xor3A_1134 = vector.broadcast %xor3A_1133 : i32 to vector<16xi32>
        %xor3A_1135 = arith.xori %iota3A_1132, %xor3A_1134 : vector<16xi32>
        %lt3A_1136 = arith.constant 0 : i32
        %lt3A_1137 = vector.broadcast %lt3A_1136 : i32 to vector<16xi32>
        %lt3A_1138 = arith.cmpi slt, %xor3A_1135, %lt3A_1137 : vector<16xi32>
        %add3A_1139 = arith.constant 16 : i32
        %add3A_1140 = vector.broadcast %add3A_1139 : i32 to vector<16xi32>
        %add3A_1141 = arith.addi %xor3A_1135, %add3A_1140 : vector<16xi32>
        %select_n3A_1142 = arith.select %lt3A_1138, %add3A_1141, %xor3A_1135 : vector<16xi1>, vector<16xi32>
        %broadcast_in_dim3A_1143 = vector.shape_cast %select_n3A_1142 : vector<16xi32> to vector<16x1xi32>
        %gather3A_1144 = vector.shape_cast %broadcast_in_dim3A_1143 : vector<16x1xi32> to vector<16xi32>
        %gather3A_1145 = tpu.dynamic_gather %add3A_1131[%gather3A_1144] in [0] : vector<16xf32>, vector<16xi32> -> vector<16xf32>
        %add3A_1146 = arith.addf %add3A_1131, %gather3A_1145 : vector<16xf32>
        %iota3A_1147 = tpu.iota {dimensions = array<i32: 0>} : vector<16xi32>
        %xor3A_1148 = arith.constant 4 : i32
        %xor3A_1149 = vector.broadcast %xor3A_1148 : i32 to vector<16xi32>
        %xor3A_1150 = arith.xori %iota3A_1147, %xor3A_1149 : vector<16xi32>
        %lt3A_1151 = arith.constant 0 : i32
        %lt3A_1152 = vector.broadcast %lt3A_1151 : i32 to vector<16xi32>
        %lt3A_1153 = arith.cmpi slt, %xor3A_1150, %lt3A_1152 : vector<16xi32>
        %add3A_1154 = arith.constant 16 : i32
        %add3A_1155 = vector.broadcast %add3A_1154 : i32 to vector<16xi32>
        %add3A_1156 = arith.addi %xor3A_1150, %add3A_1155 : vector<16xi32>
        %select_n3A_1157 = arith.select %lt3A_1153, %add3A_1156, %xor3A_1150 : vector<16xi1>, vector<16xi32>
        %broadcast_in_dim3A_1158 = vector.shape_cast %select_n3A_1157 : vector<16xi32> to vector<16x1xi32>
        %gather3A_1159 = vector.shape_cast %broadcast_in_dim3A_1158 : vector<16x1xi32> to vector<16xi32>
        %gather3A_1160 = tpu.dynamic_gather %add3A_1146[%gather3A_1159] in [0] : vector<16xf32>, vector<16xi32> -> vector<16xf32>
        %add3A_1161 = arith.addf %add3A_1146, %gather3A_1160 : vector<16xf32>
        %iota3A_1162 = tpu.iota {dimensions = array<i32: 0>} : vector<16xi32>
        %xor3A_1163 = arith.constant 8 : i32
        %xor3A_1164 = vector.broadcast %xor3A_1163 : i32 to vector<16xi32>
        %xor3A_1165 = arith.xori %iota3A_1162, %xor3A_1164 : vector<16xi32>
        %lt3A_1166 = arith.constant 0 : i32
        %lt3A_1167 = vector.broadcast %lt3A_1166 : i32 to vector<16xi32>
        %lt3A_1168 = arith.cmpi slt, %xor3A_1165, %lt3A_1167 : vector<16xi32>
        %add3A_1169 = arith.constant 16 : i32
        %add3A_1170 = vector.broadcast %add3A_1169 : i32 to vector<16xi32>
        %add3A_1171 = arith.addi %xor3A_1165, %add3A_1170 : vector<16xi32>
        %select_n3A_1172 = arith.select %lt3A_1168, %add3A_1171, %xor3A_1165 : vector<16xi1>, vector<16xi32>
        %broadcast_in_dim3A_1173 = vector.shape_cast %select_n3A_1172 : vector<16xi32> to vector<16x1xi32>
        %gather3A_1174 = vector.shape_cast %broadcast_in_dim3A_1173 : vector<16x1xi32> to vector<16xi32>
        %gather3A_1175 = tpu.dynamic_gather %add3A_1161[%gather3A_1174] in [0] : vector<16xf32>, vector<16xi32> -> vector<16xf32>
        %add3A_1176 = arith.addf %add3A_1161, %gather3A_1175 : vector<16xf32>
        %mul3A_1177 = arith.constant 1.562500e-02 : f32
        %mul3A_1178 = vector.broadcast %mul3A_1177 : f32 to vector<16xf32>
        %mul3A_1179 = arith.mulf %add3A_1176, %mul3A_1178 : vector<16xf32>
        %iota3A_1180 = tpu.iota {dimensions = array<i32: 0>} : vector<16xi32>
        %xor3A_1181 = arith.constant 1 : i32
        %xor3A_1182 = vector.broadcast %xor3A_1181 : i32 to vector<16xi32>
        %xor3A_1183 = arith.xori %iota3A_1180, %xor3A_1182 : vector<16xi32>
        %lt3A_1184 = arith.constant 0 : i32
        %lt3A_1185 = vector.broadcast %lt3A_1184 : i32 to vector<16xi32>
        %lt3A_1186 = arith.cmpi slt, %xor3A_1183, %lt3A_1185 : vector<16xi32>
        %add3A_1187 = arith.constant 16 : i32
        %add3A_1188 = vector.broadcast %add3A_1187 : i32 to vector<16xi32>
        %add3A_1189 = arith.addi %xor3A_1183, %add3A_1188 : vector<16xi32>
        %select_n3A_1190 = arith.select %lt3A_1186, %add3A_1189, %xor3A_1183 : vector<16xi1>, vector<16xi32>
        %broadcast_in_dim3A_1191 = vector.shape_cast %select_n3A_1190 : vector<16xi32> to vector<16x1xi32>
        %gather3A_1192 = vector.shape_cast %broadcast_in_dim3A_1191 : vector<16x1xi32> to vector<16xi32>
        %gather3A_1193 = tpu.dynamic_gather %add3A_1116[%gather3A_1192] in [0] : vector<16xf32>, vector<16xi32> -> vector<16xf32>
        %add3A_1194 = arith.addf %add3A_1116, %gather3A_1193 : vector<16xf32>
        %iota3A_1195 = tpu.iota {dimensions = array<i32: 0>} : vector<16xi32>
        %xor3A_1196 = arith.constant 2 : i32
        %xor3A_1197 = vector.broadcast %xor3A_1196 : i32 to vector<16xi32>
        %xor3A_1198 = arith.xori %iota3A_1195, %xor3A_1197 : vector<16xi32>
        %lt3A_1199 = arith.constant 0 : i32
        %lt3A_1200 = vector.broadcast %lt3A_1199 : i32 to vector<16xi32>
        %lt3A_1201 = arith.cmpi slt, %xor3A_1198, %lt3A_1200 : vector<16xi32>
        %add3A_1202 = arith.constant 16 : i32
        %add3A_1203 = vector.broadcast %add3A_1202 : i32 to vector<16xi32>
        %add3A_1204 = arith.addi %xor3A_1198, %add3A_1203 : vector<16xi32>
        %select_n3A_1205 = arith.select %lt3A_1201, %add3A_1204, %xor3A_1198 : vector<16xi1>, vector<16xi32>
        %broadcast_in_dim3A_1206 = vector.shape_cast %select_n3A_1205 : vector<16xi32> to vector<16x1xi32>
        %gather3A_1207 = vector.shape_cast %broadcast_in_dim3A_1206 : vector<16x1xi32> to vector<16xi32>
        %gather3A_1208 = tpu.dynamic_gather %add3A_1194[%gather3A_1207] in [0] : vector<16xf32>, vector<16xi32> -> vector<16xf32>
        %add3A_1209 = arith.addf %add3A_1194, %gather3A_1208 : vector<16xf32>
        %iota3A_1210 = tpu.iota {dimensions = array<i32: 0>} : vector<16xi32>
        %xor3A_1211 = arith.constant 4 : i32
        %xor3A_1212 = vector.broadcast %xor3A_1211 : i32 to vector<16xi32>
        %xor3A_1213 = arith.xori %iota3A_1210, %xor3A_1212 : vector<16xi32>
        %lt3A_1214 = arith.constant 0 : i32
        %lt3A_1215 = vector.broadcast %lt3A_1214 : i32 to vector<16xi32>
        %lt3A_1216 = arith.cmpi slt, %xor3A_1213, %lt3A_1215 : vector<16xi32>
        %add3A_1217 = arith.constant 16 : i32
        %add3A_1218 = vector.broadcast %add3A_1217 : i32 to vector<16xi32>
        %add3A_1219 = arith.addi %xor3A_1213, %add3A_1218 : vector<16xi32>
        %select_n3A_1220 = arith.select %lt3A_1216, %add3A_1219, %xor3A_1213 : vector<16xi1>, vector<16xi32>
        %broadcast_in_dim3A_1221 = vector.shape_cast %select_n3A_1220 : vector<16xi32> to vector<16x1xi32>
        %gather3A_1222 = vector.shape_cast %broadcast_in_dim3A_1221 : vector<16x1xi32> to vector<16xi32>
        %gather3A_1223 = tpu.dynamic_gather %add3A_1209[%gather3A_1222] in [0] : vector<16xf32>, vector<16xi32> -> vector<16xf32>
        %add3A_1224 = arith.addf %add3A_1209, %gather3A_1223 : vector<16xf32>
        %iota3A_1225 = tpu.iota {dimensions = array<i32: 0>} : vector<16xi32>
        %xor3A_1226 = arith.constant 8 : i32
        %xor3A_1227 = vector.broadcast %xor3A_1226 : i32 to vector<16xi32>
        %xor3A_1228 = arith.xori %iota3A_1225, %xor3A_1227 : vector<16xi32>
        %lt3A_1229 = arith.constant 0 : i32
        %lt3A_1230 = vector.broadcast %lt3A_1229 : i32 to vector<16xi32>
        %lt3A_1231 = arith.cmpi slt, %xor3A_1228, %lt3A_1230 : vector<16xi32>
        %add3A_1232 = arith.constant 16 : i32
        %add3A_1233 = vector.broadcast %add3A_1232 : i32 to vector<16xi32>
        %add3A_1234 = arith.addi %xor3A_1228, %add3A_1233 : vector<16xi32>
        %select_n3A_1235 = arith.select %lt3A_1231, %add3A_1234, %xor3A_1228 : vector<16xi1>, vector<16xi32>
        %broadcast_in_dim3A_1236 = vector.shape_cast %select_n3A_1235 : vector<16xi32> to vector<16x1xi32>
        %gather3A_1237 = vector.shape_cast %broadcast_in_dim3A_1236 : vector<16x1xi32> to vector<16xi32>
        %gather3A_1238 = tpu.dynamic_gather %add3A_1224[%gather3A_1237] in [0] : vector<16xf32>, vector<16xi32> -> vector<16xf32>
        %add3A_1239 = arith.addf %add3A_1224, %gather3A_1238 : vector<16xf32>
        %mul3A_1240 = arith.constant 1.562500e-02 : f32
        %mul3A_1241 = vector.broadcast %mul3A_1240 : f32 to vector<16xf32>
        %mul3A_1242 = arith.mulf %add3A_1239, %mul3A_1241 : vector<16xf32>
        %mul3A_1243 = arith.mulf %mul3A_1179, %mul3A_1179 : vector<16xf32>
        %sub3A_1244 = arith.subf %mul3A_1242, %mul3A_1243 : vector<16xf32>
        %max3A_1245 = arith.constant 0.000000e+00 : f32
        %max3A_1246 = vector.broadcast %max3A_1245 : f32 to vector<16xf32>
        %max3A_1247 = arith.maximumf %sub3A_1244, %max3A_1246 : vector<16xf32>
        %add3A_1248 = arith.constant 9.99999996E-13 : f32
        %add3A_1249 = vector.broadcast %add3A_1248 : f32 to vector<16xf32>
        %add3A_1250 = arith.addf %max3A_1247, %add3A_1249 : vector<16xf32>
        %bitcast_convert_type3A_1251 = tpu.bitcast %add3A_1250 : vector<16xf32> -> vector<16xi32>
        %shift_right_arithmetic3A_1252 = arith.constant 1 : i32
        %shift_right_arithmetic3A_1253 = vector.broadcast %shift_right_arithmetic3A_1252 : i32 to vector<16xi32>
        %shift_right_arithmetic3A_1254 = arith.shrsi %bitcast_convert_type3A_1251, %shift_right_arithmetic3A_1253 : vector<16xi32>
        %sub3A_1255 = arith.constant 1597463007 : i32
        %sub3A_1256 = vector.broadcast %sub3A_1255 : i32 to vector<16xi32>
        %sub3A_1257 = arith.subi %sub3A_1256, %shift_right_arithmetic3A_1254 : vector<16xi32>
        %bitcast_convert_type3A_1258 = tpu.bitcast %sub3A_1257 : vector<16xi32> -> vector<16xf32>
        %mul3A_1259 = arith.constant 5.000000e-01 : f32
        %mul3A_1260 = vector.broadcast %mul3A_1259 : f32 to vector<16xf32>
        %mul3A_1261 = arith.mulf %mul3A_1260, %add3A_1250 : vector<16xf32>
        %mul3A_1262 = arith.mulf %mul3A_1261, %bitcast_convert_type3A_1258 : vector<16xf32>
        %mul3A_1263 = arith.mulf %mul3A_1262, %bitcast_convert_type3A_1258 : vector<16xf32>
        %sub3A_1264 = arith.constant 1.500000e+00 : f32
        %sub3A_1265 = vector.broadcast %sub3A_1264 : f32 to vector<16xf32>
        %sub3A_1266 = arith.subf %sub3A_1265, %mul3A_1263 : vector<16xf32>
        %mul3A_1267 = arith.mulf %bitcast_convert_type3A_1258, %sub3A_1266 : vector<16xf32>
        %mul3A_1268 = arith.mulf %mul3A_1261, %mul3A_1267 : vector<16xf32>
        %mul3A_1269 = arith.mulf %mul3A_1268, %mul3A_1267 : vector<16xf32>
        %sub3A_1270 = arith.constant 1.500000e+00 : f32
        %sub3A_1271 = vector.broadcast %sub3A_1270 : f32 to vector<16xf32>
        %sub3A_1272 = arith.subf %sub3A_1271, %mul3A_1269 : vector<16xf32>
        %mul3A_1273 = arith.mulf %mul3A_1267, %sub3A_1272 : vector<16xf32>
        %mul3A_1274 = arith.mulf %mul3A_1273, %get3A_4 : vector<16xf32>
        %mul3A_1275 = arith.mulf %mul3A_1273, %get3A_7 : vector<16xf32>
        %mul3A_1276 = arith.mulf %mul3A_1273, %get3A_10 : vector<16xf32>
        %mul3A_1277 = arith.mulf %mul3A_1273, %get3A_13 : vector<16xf32>
        %mul3A_1278 = arith.mulf %add3A_1079, %mul3A_1274 : vector<16xf32>
        %mul3A_1279 = arith.mulf %mul3A_1179, %mul3A_1274 : vector<16xf32>
        %sub3A_1280 = arith.subf %mul3A_1279, %get3A_16 : vector<16xf32>
        %sub3A_1281 = arith.subf %mul3A_1278, %sub3A_1280 : vector<16xf32>
        %swap3A_1282 = arith.index_cast %add3A_1070 : i32 to index
        %swap3A_1283 = arith.constant 64 : index
        %swap3A_1284 = tpu.vector_load %arg12[%swap3A_1282, %swap3A_1283] {strides = array<i32>} : memref<100x128xf32, #tpu.memory_space<vmem>>, vector<1x16xf32>,
        %swap3A_1285 = vector.shape_cast %swap3A_1284 : vector<1x16xf32> to vector<16xf32>
        %swap3A_1286 = vector.shape_cast %sub3A_1281 : vector<16xf32> to vector<1x16xf32>
        tpu.vector_store %arg12[%swap3A_1282, %swap3A_1283], %swap3A_1286 {strides = array<i32>} : memref<100x128xf32, #tpu.memory_space<vmem>>, vector<1x16xf32>,
        %mul3A_1287 = arith.mulf %add3A_1088, %mul3A_1275 : vector<16xf32>
        %mul3A_1288 = arith.mulf %mul3A_1179, %mul3A_1275 : vector<16xf32>
        %sub3A_1289 = arith.subf %mul3A_1288, %get3A_19 : vector<16xf32>
        %sub3A_1290 = arith.subf %mul3A_1287, %sub3A_1289 : vector<16xf32>
        %swap3A_1291 = arith.index_cast %add3A_1070 : i32 to index
        %swap3A_1292 = arith.constant 80 : index
        %swap3A_1293 = tpu.vector_load %arg12[%swap3A_1291, %swap3A_1292] {strides = array<i32>} : memref<100x128xf32, #tpu.memory_space<vmem>>, vector<1x16xf32>,
        %swap3A_1294 = vector.shape_cast %swap3A_1293 : vector<1x16xf32> to vector<16xf32>
        %swap3A_1295 = vector.shape_cast %sub3A_1290 : vector<16xf32> to vector<1x16xf32>
        tpu.vector_store %arg12[%swap3A_1291, %swap3A_1292], %swap3A_1295 {strides = array<i32>} : memref<100x128xf32, #tpu.memory_space<vmem>>, vector<1x16xf32>,
        %mul3A_1296 = arith.mulf %add3A_1097, %mul3A_1276 : vector<16xf32>
        %mul3A_1297 = arith.mulf %mul3A_1179, %mul3A_1276 : vector<16xf32>
        %sub3A_1298 = arith.subf %mul3A_1297, %get3A_22 : vector<16xf32>
        %sub3A_1299 = arith.subf %mul3A_1296, %sub3A_1298 : vector<16xf32>
        %swap3A_1300 = arith.index_cast %add3A_1070 : i32 to index
        %swap3A_1301 = arith.constant 96 : index
        %swap3A_1302 = tpu.vector_load %arg12[%swap3A_1300, %swap3A_1301] {strides = array<i32>} : memref<100x128xf32, #tpu.memory_space<vmem>>, vector<1x16xf32>,
        %swap3A_1303 = vector.shape_cast %swap3A_1302 : vector<1x16xf32> to vector<16xf32>
        %swap3A_1304 = vector.shape_cast %sub3A_1299 : vector<16xf32> to vector<1x16xf32>
        tpu.vector_store %arg12[%swap3A_1300, %swap3A_1301], %swap3A_1304 {strides = array<i32>} : memref<100x128xf32, #tpu.memory_space<vmem>>, vector<1x16xf32>,
        %mul3A_1305 = arith.mulf %add3A_1106, %mul3A_1277 : vector<16xf32>
        %mul3A_1306 = arith.mulf %mul3A_1179, %mul3A_1277 : vector<16xf32>
        %sub3A_1307 = arith.subf %mul3A_1306, %get3A_25 : vector<16xf32>
        %sub3A_1308 = arith.subf %mul3A_1305, %sub3A_1307 : vector<16xf32>
        %swap3A_1309 = arith.index_cast %add3A_1070 : i32 to index
        %swap3A_1310 = arith.constant 112 : index
        %swap3A_1311 = tpu.vector_load %arg12[%swap3A_1309, %swap3A_1310] {strides = array<i32>} : memref<100x128xf32, #tpu.memory_space<vmem>>, vector<1x16xf32>,
        %swap3A_1312 = vector.shape_cast %swap3A_1311 : vector<1x16xf32> to vector<16xf32>
        %swap3A_1313 = vector.shape_cast %sub3A_1308 : vector<16xf32> to vector<1x16xf32>
        tpu.vector_store %arg12[%swap3A_1309, %swap3A_1310], %swap3A_1313 {strides = array<i32>} : memref<100x128xf32, #tpu.memory_space<vmem>>, vector<1x16xf32>,
      }
      %scan3A_285 = arith.constant 50 : i32
      %mul3A_286 = arith.constant 200 : i32
      %mul3A_287 = arith.muli %add3A_117, %mul3A_286 : i32
      %add3A_288 = arith.addi %mul3A_2, %mul3A_287 : i32
      %jit3A_289 = arith.constant 2 : i32
      %div3A_290 = arith.divsi %add3A_288, %jit3A_289 : i32
      %sign3A_291 = arith.constant 0 : i32
      %sign3A_292 = arith.cmpi sgt, %add3A_288, %sign3A_291 : i32
      %sign3A_293 = arith.extui %sign3A_292 : i1 to i32
      %sign3A_294 = arith.constant 0 : i32
      %sign3A_295 = arith.cmpi slt, %add3A_288, %sign3A_294 : i32
      %sign3A_296 = arith.extui %sign3A_295 : i1 to i32
      %sign3A_297 = arith.subi %sign3A_293, %sign3A_296 : i32
      %sign3A_298 = arith.constant 0 : i32
      %sign3A_299 = arith.cmpi sgt, %jit3A_289, %sign3A_298 : i32
      %sign3A_300 = arith.extui %sign3A_299 : i1 to i32
      %sign3A_301 = arith.constant 0 : i32
      %sign3A_302 = arith.cmpi slt, %jit3A_289, %sign3A_301 : i32
      %sign3A_303 = arith.extui %sign3A_302 : i1 to i32
      %sign3A_304 = arith.subi %sign3A_300, %sign3A_303 : i32
      %ne3A_305 = arith.cmpi ne, %sign3A_297, %sign3A_304 : i32
      %rem3A_306 = arith.remsi %add3A_288, %jit3A_289 : i32
      %ne3A_307 = arith.constant 0 : i32
      %ne3A_308 = arith.cmpi ne, %rem3A_306, %ne3A_307 : i32
      %and3A_309 = arith.andi %ne3A_305, %ne3A_308 : i1
      %sub3A_310 = arith.constant 1 : i32
      %sub3A_311 = arith.subi %div3A_290, %sub3A_310 : i32
      %select_n3A_312 = arith.select %and3A_309, %sub3A_311, %div3A_290 : i32
      %dma_start3A_313 = arith.constant 0 : i32
      %dma_start3A_314 = tpu.memref_slice %arg7[%select_n3A_312, %dma_start3A_313] : memref<409600x128xf32, #tpu.memory_space<hbm>> -> memref<100x128xf32, #tpu.memory_space<hbm>>
      %dma_start3A_315 = arith.constant 0 : i32
      %dma_start3A_316 = tpu.memref_slice %arg7[%select_n3A_312, %dma_start3A_315] : memref<409600x128xf32, #tpu.memory_space<hbm>> -> memref<100x128xf32, #tpu.memory_space<hbm>>
      tpu.enqueue_dma source(%arg12 : memref<100x128xf32, #tpu.memory_space<vmem>>) target(%dma_start3A_316 : memref<100x128xf32, #tpu.memory_space<hbm>>) target_semaphore(%arg19 : memref<!tpu.dma_semaphore, #tpu.memory_space<semaphore_mem>>)
    }
    %scan3A_61 = arith.constant 64 : i32
    %add3A_62 = arith.constant 25200 : i32
    %add3A_63 = arith.addi %mul3A_2, %add3A_62 : i32
    %jit3A = arith.constant 2 : i32
    %div3A = arith.divsi %add3A_63, %jit3A : i32
    %sign3A = arith.constant 0 : i32
    %sign3A_64 = arith.cmpi sgt, %add3A_63, %sign3A : i32
    %sign3A_65 = arith.extui %sign3A_64 : i1 to i32
    %sign3A_66 = arith.constant 0 : i32
    %sign3A_67 = arith.cmpi slt, %add3A_63, %sign3A_66 : i32
    %sign3A_68 = arith.extui %sign3A_67 : i1 to i32
    %sign3A_69 = arith.subi %sign3A_65, %sign3A_68 : i32
    %sign3A_70 = arith.constant 0 : i32
    %sign3A_71 = arith.cmpi sgt, %jit3A, %sign3A_70 : i32
    %sign3A_72 = arith.extui %sign3A_71 : i1 to i32
    %sign3A_73 = arith.constant 0 : i32
    %sign3A_74 = arith.cmpi slt, %jit3A, %sign3A_73 : i32
    %sign3A_75 = arith.extui %sign3A_74 : i1 to i32
    %sign3A_76 = arith.subi %sign3A_72, %sign3A_75 : i32
    %ne3A = arith.cmpi ne, %sign3A_69, %sign3A_76 : i32
    %rem3A = arith.remsi %add3A_63, %jit3A : i32
    %ne3A_77 = arith.constant 0 : i32
    %ne3A_78 = arith.cmpi ne, %rem3A, %ne3A_77 : i32
    %and3A = arith.andi %ne3A, %ne3A_78 : i1
    %sub3A = arith.constant 1 : i32
    %sub3A_79 = arith.subi %div3A, %sub3A : i32
    %select_n3A = arith.select %and3A, %sub3A_79, %div3A : i32
    %dma_wait3A = arith.constant 0 : i32
    %dma_wait3A_80 = tpu.memref_slice %arg7[%select_n3A, %dma_wait3A] : memref<409600x128xf32, #tpu.memory_space<hbm>> -> memref<100x128xf32, #tpu.memory_space<hbm>>
    %dma_wait3A_81 = arith.constant 0 : i32
    %dma_wait3A_82 = tpu.memref_slice %arg7[%select_n3A, %dma_wait3A_81] : memref<409600x128xf32, #tpu.memory_space<hbm>> -> memref<100x128xf32, #tpu.memory_space<hbm>>
    tpu.wait_dma2 semaphore(%arg18 : memref<!tpu.dma_semaphore, #tpu.memory_space<semaphore_mem>>) src(%arg11 : memref<100x128xf32, #tpu.memory_space<vmem>>) dst(%dma_wait3A_82 : memref<100x128xf32, #tpu.memory_space<hbm>>)
    %add3A_83 = arith.constant 25400 : i32
    %add3A_84 = arith.addi %mul3A_2, %add3A_83 : i32
    %jit3A_85 = arith.constant 2 : i32
    %div3A_86 = arith.divsi %add3A_84, %jit3A_85 : i32
    %sign3A_87 = arith.constant 0 : i32
    %sign3A_88 = arith.cmpi sgt, %add3A_84, %sign3A_87 : i32
    %sign3A_89 = arith.extui %sign3A_88 : i1 to i32
    %sign3A_90 = arith.constant 0 : i32
    %sign3A_91 = arith.cmpi slt, %add3A_84, %sign3A_90 : i32
    %sign3A_92 = arith.extui %sign3A_91 : i1 to i32
    %sign3A_93 = arith.subi %sign3A_89, %sign3A_92 : i32
    %sign3A_94 = arith.constant 0 : i32
    %sign3A_95 = arith.cmpi sgt, %jit3A_85, %sign3A_94 : i32
    %sign3A_96 = arith.extui %sign3A_95 : i1 to i32
    %sign3A_97 = arith.constant 0 : i32
    %sign3A_98 = arith.cmpi slt, %jit3A_85, %sign3A_97 : i32
    %sign3A_99 = arith.extui %sign3A_98 : i1 to i32
    %sign3A_100 = arith.subi %sign3A_96, %sign3A_99 : i32
    %ne3A_101 = arith.cmpi ne, %sign3A_93, %sign3A_100 : i32
    %rem3A_102 = arith.remsi %add3A_84, %jit3A_85 : i32
    %ne3A_103 = arith.constant 0 : i32
    %ne3A_104 = arith.cmpi ne, %rem3A_102, %ne3A_103 : i32
    %and3A_105 = arith.andi %ne3A_101, %ne3A_104 : i1
    %sub3A_106 = arith.constant 1 : i32
    %sub3A_107 = arith.subi %div3A_86, %sub3A_106 : i32
    %select_n3A_108 = arith.select %and3A_105, %sub3A_107, %div3A_86 : i32
    %dma_wait3A_109 = arith.constant 0 : i32
    %dma_wait3A_110 = tpu.memref_slice %arg7[%select_n3A_108, %dma_wait3A_109] : memref<409600x128xf32, #tpu.memory_space<hbm>> -> memref<100x128xf32, #tpu.memory_space<hbm>>
    %dma_wait3A_111 = arith.constant 0 : i32
    %dma_wait3A_112 = tpu.memref_slice %arg7[%select_n3A_108, %dma_wait3A_111] : memref<409600x128xf32, #tpu.memory_space<hbm>> -> memref<100x128xf32, #tpu.memory_space<hbm>>
    tpu.wait_dma2 semaphore(%arg19 : memref<!tpu.dma_semaphore, #tpu.memory_space<semaphore_mem>>) src(%arg12 : memref<100x128xf32, #tpu.memory_space<vmem>>) dst(%dma_wait3A_112 : memref<100x128xf32, #tpu.memory_space<hbm>>)
    return
  }
}

</mosaic_0001>

<sc_bundles>
// kernel: kernel.3.cloned.1.call-start
scs
__scs_entry_jumppad:
0x0: {  	(pc) =	sbr.rel $0x88, $3  }
0x1: {  	(tag) =	ssettag $0x0;
	lr =	simm.s32 $0x1  }
0x2: {  	[smem:$0x3F9C] =	sst lr;
	_ =	strace $0xD0000000  }
0x3: {  	_ = 	snop  }
0x4: {  	_ = 	snop  }
0x5: {  	_ = 	snop  }
0x6: {  	_ = 	snop  }
0x7: {  	_ = 	snop  }
__scs_overlays_trampoline_lowered:
0x8: {  	[smem:$0x3FAB] =	sst s0  }
0x9: {  	[smem:$0x3FAC] =	sst s1  }
0xa: {  	[smem:$0x3FAD] =	sst s2  }
0xb: {  	[smem:$0x3FAE] =	sst s3  }
0xc: {  	[smem:$0x3FAF] =	sst s4  }
0xd: {  	[smem:$0x3FB0] =	sst s5  }
0xe: {  	[smem:$0x3FB1] =	sst s6  }
0xf: {  	[smem:$0x3FB2] =	sst s7  }
0x10: {  	[smem:$0x3FB3] =	sst s8  }
0x11: {  	[smem:$0x3FB4] =	sst s9;
	s0 =	simm.s32 @!p0 $0x0  }
0x12: {  	s1 =	sld [smem:$0x3F9A];
	s0 =	simm.s32 @p0 $0x1  }
0x13: {  	[smem:$0x3FB5] =	sst s0;
	s0 =	simm.s32 @!p1 $0x0  }
0x14: {  	s2 =	sld [smem:$0x3F99];
	s0 =	simm.s32 @p1 $0x1  }
0x15: {  	[smem:$0x3FB6] =	sst s0;
	s0 =	simm.s32 @!p2 $0x0  }
0x16: {  	s3 =	sld [smem:$0x3FDB];
	s0 =	simm.s32 @p2 $0x1  }
0x17: {  	s4 =	simm.s32 $0x1BF5;
	[smem:$0x3FB8] =	sst s0  }
0x18: {  	s0 =	sld [smem:$0x3F9B];
	_ =	swait.ge [sflag:s4], $0x0  }
0x19: {  	s7 =	sld [smem:$0x3F9C]  }
0x1a: {  	s8 =	sadd.s32 $0xFFFFE003, lr  }
0x1b: {  	s9 =	sadd.s32 $0xFFFFFEF7, lr;
	s5 =	simm.s32 $0xFFFFFFFF;
	p2 =	slt.u32 s8, $0xFFFFF086  }
0x1c: {  	p1 =	slt.u32 s9, $0xF7A;
	s5 =	simm.s32 @!p2 $0x0  }
0x1d: {  	s5 =	simm.s32 @p1 $0x1;
	p0 =	seq.s32 s7, s2  }
0x1e: {  	s7 =	smul.u32 @!p0 $0xF7A, s2;
	p2 =	seq.s32 @!p0 s5, $0x0  }
0x1f: {  	s9 =	smul.u32 $0xF7A, s1;
	s8 =	simm.s32 @!p0 $0x1BF5;
	p2 =	por !p2, p0  }
0x20: {  	[sflag:s8] =	ssyncset.s32 @!p0 $0xFFFFF086;
	s6 =	sadd.s32 @!p0 s3, s7;
	s7 =	simm.s32 @!p0 $0x108  }
0x21: {  	s3 =	sadd.s32 s3, s9;
	s6 =	sadd.s32 @!p0 $0x88, s6;
	s7 =	simm.s32 @p2 $0x1082  }
0x22: {  	[simem:s7], [sflag:s8] =	dma.local @!p0 [hbm:s6], $0xF7A  }
0x23: {  	s9 =	sor.u32 $0xD0000000, s2;
	s6 =	simm.s32 $0x108;
	_ =	swait.ge @!p0 [sflag:s8], $0x0  }
0x24: {  	s3 =	sadd.s32 $0x88, s3;
	s6 =	simm.s32 @!p1 $0x1082;
	[sflag:s4] =	ssyncset.s32 $0xFFFFF086  }
0x25: {  	[simem:s6], [sflag:s4] =	dma.local [hbm:s3], $0xF7A  }
0x26: {  	[smem:$0x3F9C] =	sst s1;
	(tag) =	ssettag s2;
	_ =	strace s9  }
0x27: {  	s1 =	sld [smem:$0x3FAC]  }
0x28: {  	s2 =	sld [smem:$0x3FAD]  }
0x29: {  	s4 =	sld [smem:$0x3FAF]  }
0x2a: {  	p0 =	seq.s32 s5, $0x0;
	s5 =	sld [smem:$0x3FB0]  }
0x2b: {  	s6 =	sld [smem:$0x3FB1]  }
0x2c: {  	s7 =	sld [smem:$0x3FB2]  }
0x2d: {  	s3 =	simm.s32 $0x108;
	s8 =	sld [smem:$0x3FB3]  }
0x2e: {  	s3 =	simm.s32 @!p0 $0x1082;
	s9 =	sld [smem:$0x3FB4]  }
0x2f: {  	lr =	sadd.s32 s0, s3;
	s0 =	sld [smem:$0x3FAB]  }
0x30: {  	s3 =	sld [smem:$0x3FAE]  }
0x31: {  	[smem:$0x3FB7] =	sst s10  }
0x32: {  	s10 =	sld [smem:$0x3FB5];
	_ =	sdelay $0x3  }
0x33: {  	p0 =	seq.s32 s10, $0x1;
	s10 =	sld [smem:$0x3FB7];
	_ =	sdelay $0x3  }
0x34: {  	[smem:$0x3FB7] =	sst s10  }
0x35: {  	s10 =	sld [smem:$0x3FB6];
	_ =	sdelay $0x3  }
0x36: {  	p1 =	seq.s32 s10, $0x1;
	s10 =	sld [smem:$0x3FB7];
	_ =	sdelay $0x3  }
0x37: {  	[smem:$0x3FB7] =	sst s10  }
0x38: {  	s10 =	sld [smem:$0x3FB8]  }
0x39: {  	_ = 	snop;
	(pc) =	sbr.ind lr, $3  }
0x3a: {  	_ = 	snop  }
0x3b: {  	_ = 	snop  }
0x3c: {  	p2 =	seq.s32 s10, $0x1;
	s10 =	sld [smem:$0x3FB7]  }
0x3d: {  	_ =	shalt  }
0x3e: {  	_ =	shalt  }
0x3f: {  	_ =	shalt  }
0x40: {  	_ =	shalt  }
0x41: {  	_ =	shalt  }
0x42: {  	_ =	shalt  }
0x43: {  	_ =	shalt  }
0x44: {  	_ =	shalt  }
0x45: {  	_ =	shalt  }
0x46: {  	_ =	shalt  }
0x47: {  	_ =	shalt  }
0x48: {  	_ =	shalt  }
0x49: {  	_ =	shalt  }
0x4a: {  	_ =	shalt  }
0x4b: {  	_ =	shalt  }
0x4c: {  	_ =	shalt  }
0x4d: {  	_ =	shalt  }
0x4e: {  	_ =	shalt  }
0x4f: {  	_ =	shalt  }
0x50: {  	_ =	shalt  }
0x51: {  	_ =	shalt  }
0x52: {  	_ =	shalt  }
0x53: {  	_ =	shalt  }
0x54: {  	_ =	shalt  }
0x55: {  	_ =	shalt  }
0x56: {  	_ =	shalt  }
0x57: {  	_ =	shalt  }
0x58: {  	_ =	shalt  }
0x59: {  	_ =	shalt  }
0x5a: {  	_ =	shalt  }
0x5b: {  	_ =	shalt  }
0x5c: {  	_ =	shalt  }
0x5d: {  	_ =	shalt  }
0x5e: {  	_ =	shalt  }
0x5f: {  	_ =	shalt  }
0x60: {  	_ =	shalt  }
0x61: {  	_ =	shalt  }
0x62: {  	_ =	shalt  }
0x63: {  	_ =	shalt  }
0x64: {  	_ =	shalt  }
0x65: {  	_ =	shalt  }
0x66: {  	_ =	shalt  }
0x67: {  	_ =	shalt  }
0x68: {  	_ =	shalt  }
0x69: {  	_ =	shalt  }
0x6a: {  	_ =	shalt  }
0x6b: {  	_ =	shalt  }
0x6c: {  	_ =	shalt  }
0x6d: {  	_ =	shalt  }
0x6e: {  	_ =	shalt  }
0x6f: {  	_ =	shalt  }
0x70: {  	_ =	shalt  }
0x71: {  	_ =	shalt  }
0x72: {  	_ =	shalt  }
0x73: {  	_ =	shalt  }
0x74: {  	_ =	shalt  }
0x75: {  	_ =	shalt  }
0x76: {  	_ =	shalt  }
0x77: {  	_ =	shalt  }
0x78: {  	_ =	shalt  }
0x79: {  	_ =	shalt  }
0x7a: {  	_ =	shalt  }
0x7b: {  	_ =	shalt  }
0x7c: {  	_ =	shalt  }
0x7d: {  	_ =	shalt  }
0x7e: {  	_ =	shalt  }
0x7f: {  	_ =	shalt  }
0x80: {  	_ =	shalt  }
0x81: {  	_ =	shalt  }
0x82: {  	_ =	shalt  }
0x83: {  	_ =	shalt  }
0x84: {  	_ =	shalt  }
0x85: {  	_ =	shalt  }
0x86: {  	_ =	shalt  }
0x87: {  	_ =	shalt  }
.Lfunc_end0:
.L_simem_size_0:
called_computation.1_lowered:
.L_overlay_start_0:
0x88: {  	s2 =	sld [smem:$0x3FD9]  }
0x89: {  	s3 =	sld [smem:$0x3FFE];
	_ =	sdelay $0x1  }
0x8a: {  	s1 =	srdreg.scid  }
0x8b: {  	s0 =	sand.u32 $0x1, s1  }
0x8c: {  	s17 =	sshll.u32 s0, $0xA;
	s2 =	sadd.s32 s3, s2  }
0x8d: {  	s2 =	sadd.s32 s2, s17  }
0x8e: {  	[smem:$0x3FC3] =	sst s2  }
0x8f: {  	_ = 	snop  }
0x90: {  	s2 =	sld [smem:$0x3FC6]  }
0x91: {  	s18 =	sld [smem:$0x3FC5]  }
0x92: {  	s4 =	sld [smem:$0x3FD0];
	(tm) =	ssettm $0x1  }
0x93: {  	s5 =	sld [smem:$0x3FFB];
	_ =	sdelay $0x3  }
0x94: {  	_ =	strace s5  }
0x95: {  	s5 =	sld [smem:$0x3FFC];
	_ =	sdelay $0x3  }
0x96: {  	_ =	strace s5  }
0x97: {  	s5 =	sld [smem:$0x3FFD];
	_ =	sdelay $0x3  }
0x98: {  	_ =	strace s5  }
0x99: {  	_ =	strace $0x8FFFFFFF  }
0x9a: {  	s19 =	sld [smem:$0x3FDB];
	_ =	sdelay $0x1  }
0x9b: {  	s6 =	simm.s32 $_scs_section_size  }
0x9c: {  	s7 =	simm.s32 $_size__tile_overlayer_lowered;
	s8 =	simm.s32 $_tile_overlayer_lowered  }
0x9d: {  	s22 =	simm.s32 $0x1BFF;
	s21 =	sshll.u32 s8, $0x1;
	s5 =	sadd.s32 s6, s19  }
0x9e: {  	s9 =	simm.s32 $0x0;
	s20 =	sshll.u32 s7, $0x1;
	s7 =	sadd.s32 s21, s5  }
0x9f: {  	[timem:s9], [sflag:s22] =	dma.local [hbm:s7], s20  }
0xa0: {  	_ =	swait.ge [sflag:s22], s20  }
0xa1: {  	s6 =	ssub.s32 $0x0, s20;
	[sflag:s22] =	ssyncset.done $0x0  }
0xa2: {  	[sflag:s22] =	ssyncadd.s32 s6;
	_ =	sdelay $0x1  }
0xa3: {  	s23 =	simm.s32 $0x1B8B  }
0xa4: {  	_ =	swait.ge [sflag:s23], $0x1  }
0xa5: {  	[sflag:s23] =	ssyncset.done $0x0  }
0xa6: {  	s25 =	simm.s32 $0x1B8E;
	s24 =	sld [smem:$0x3FFE];
	[sflag:s23] =	ssyncadd.s32 $0xFFFFFFFF  }
0xa7: {  	s26 =	simm.s32 $execute0_lowered;
	[smem:$0x3FD2] =	sst s25  }
0xa8: {  	s7 =	sshll.u32 s26, $0x1;
	_ =	strace $0x80000046;
	[dreg:$0x1] =	wrdreg $0xFFFFFFFF  }
0xa9: {  	s28 =	simm.s32 $_size_execute0_lowered;
	s5 =	sadd.s32 s5, s7;
	[dreg:$0x0] =	wrdreg $0x0  }
0xaa: {  	s7 =	sshll.u32 s28, $0x1;
	[dreg:$0x2] =	wrdreg s5  }
0xab: {  	[dreg:$0x3] =	wrdreg s7  }
0xac: {  	[dreg:$0x4] =	wrdreg $0xC0  }
0xad: {  	_ =	task [dreg:s9], $0x5FFFF  }
0xae: {  	[dreg:$0x1] =	wrdreg $0xFFFFFFFF  }
0xaf: {  	[dreg:$0x0] =	wrdreg $0x60  }
0xb0: {  	[dreg:$0x2] =	wrdreg s24  }
0xb1: {  	[dreg:$0x3] =	wrdreg s2  }
0xb2: {  	[dreg:$0x4] =	wrdreg s18  }
0xb3: {  	[dreg:$0x5] =	wrdreg s4  }
0xb4: {  	[dreg:$0x6] =	wrdreg $0x9  }
0xb5: {  	_ =	task.clear_ibuf [dreg:s9], $0x7FFFF;
	_ =	strace $0x90000046  }
0xb6: {  	s29 =	simm.s32 $0x9;
	_ =	strace $0x80000048  }
0xb7: {  	_ =	swait.ge [sflag:s29], $0x1  }
0xb8: {  	[sflag:s29] =	ssyncadd.s32 $0xFFFFFFFF  }
0xb9: {  	_ =	strace $0x90000048  }
0xba: {  	_ =	sfence  }
0xbb: {  	s30 =	sld [smem:$0x0];
	_ =	sdelay $0x2  }
0xbc: {  	s31 =	sshll.u32 s1, $0xD;
	s1 =	sshrl.u32 s1, $0x2  }
0xbd: {  	s3 =	sand.u32 $0x4000, s31;
	s1 =	sadd.s32 s1, s30  }
0xbe: {  	s0 =	sor.u32 s3, s0;
	s1 =	sshll.u32 s1, $0x11  }
0xbf: {  	s0 =	sor.u32 s1, s0  }
0xc0: {  	s0 =	sadd.s32 $0x8F2B, s0  }
0xc1: {  	[sflag:s0] =	ssyncadd.remote.s32 $0x1  }
0xc2: {  	_ =	sfence.sel $0xFFFF  }
0xc3: {  	[dreg:$0x0] =	wrdreg $0xFFFFFFFF;
	(pc) =	sbr.abs _section_cstart, $3  }
0xc4: {  	[dreg:$0x1] =	wrdreg $0xFFFFFFFF  }
0xc5: {  	_ =	task.clear_ibuf [dreg:s9], $0x2FFFF;
	_ =	strace $0x9FFFFFFF  }
0xc6: {  	(tm) =	ssettm $0x7FFFFFFF  }
0xc7: {  	_ =	shalt  }
tec
execute0_lowered:
.L_overlay_start_1:
0x0: {  	(tag) =	ssettag $0x1  }
0x1: {  	s0 =	rddreg [dreg:$0x0];
	s1 =	srdreg.scid  }
0x2: {  	s2 =	stileid.u32;
	s4 =	rddreg [dreg:$0x3];
	v0 =	vimm.s32 $0xEFCDAB89;
	v1 =	vimm.s32 $0x67452301;
	v2 =	vimm.s32 $0xDCFE98BA  }
0x3: {  	s5 =	simm.s32 $0x0;
	v3 =	vimm.s32 $0x54761032;
	s11 =	simm.s32 $0x5;
	v4 =	vimm.s32 $0xBA98FEDC;
	v5 =	vimm.s32 $0x32107654;
	s15 =	simm.s32 $0x30  }
0x4: {  	v6 =	vimm.s32 $0xFEDCBA98;
	s17 =	simm.s32 $0x38;
	s20 =	simm.s32 $0x7E00;
	s21 =	simm.s32 $0x98  }
0x5: {  	v7 =	vimm.s32 $0x76543210;
	s22 =	simm.s32 $0x8A00;
	s23 =	simm.s32 $0x9600;
	s24 =	simm.s32 $0xA200;
	v0 =	vunpack.c.l.s4.s8 v0;
	v1 =	vunpack.c.l.s4.s8 v1  }
0x6: {  	s25 =	simm.s32 $0xB000;
	s28 =	simm.s32 $0x1;
	s29 =	simm.s32 $0xC800;
	v2 =	vunpack.c.l.s4.s8 v2;
	v3 =	vunpack.c.l.s4.s8 v3;
	v4 =	vunpack.c.l.s4.s8 v4  }
0x7: {  	s30 =	simm.s32 $0x2;
	s1 =	sand.u32 $0x1, s1;
	s2 =	sshll.u32 s2, $0x1;
	v5 =	vunpack.c.l.s4.s8 v5;
	v6 =	vunpack.c.l.s4.s8 v6;
	v7 =	vunpack.c.l.s4.s8 v7  }
0x8: {  	s31 =	simm.s32 $0xFA00;
	[smem:$0x7FF] =	sst s5;
	s2 =	sor.u32 s1, s2;
	v0 =	vunpack.c.0.s8.s32 v0;
	v1 =	vunpack.c.0.s8.s32 v1;
	v2 =	vunpack.c.0.s8.s32 v2  }
0x9: {  	s7 =	sadd.s32 $0x1A000, s0;
	s1 =	ssub.s32 $0x2, s1;
	s6 =	smul.u32 $0x6400, s2;
	v3 =	vunpack.c.0.s8.s32 v3;
	v4 =	vunpack.c.0.s8.s32 v4;
	v5 =	vunpack.c.0.s8.s32 v5  }
0xa: {  	s8 =	sadd.s32 $0x800, s0;
	_ =	strace $0x80000047;
	s3 =	sshrl.u32 s1, $0x1;
	v0 =	vcombine.low v1, v0;
	v1 =	vunpack.c.0.s8.s32 v6  }
0xb: {  	s26 =	ssub.s32 s1, s3;
	s1 =	simm.s32 $0x0;
	s2 =	sshrl.u32 s6, $0x3;
	v2 =	vcombine.low v3, v2;
	v3 =	vcombine.low v5, v4;
	v4 =	vunpack.c.0.s8.s32 v7  }
0xc: {  	s10 =	smax.u32 s26, $0x1;
	s26 =	simm.s32 $0xBC00;
	s2 =	sadd.s32 s2, s0;
	v0 =	vand.u32 $0xF, v0;
	v5 =	vand.u32 $0xF, v1  }
0xd: {  	s0 =	simm.s32 $0x4;
	s9 =	sadd.s32 $0x1000, s2;
	v1 =	vand.u32 $0xF, v2;
	v2 =	vand.u32 $0xF, v3;
	s2 =	simm.s32 $0x3;
	v3 =	vcombine.low v5, v4  }
.LBB2_1:
0xe: {  	[tilespmem:s5], [sflag:$0x5] =	stream.linear.gather [hbm4b:s9+s5], $0x6400, $0x38;
	[tilespmem:$0x15E80] =	vst v63  }
0xf: {  	_ =	swait.ge [sflag:s11], $0x6400  }
0x10: {  	[sflag:s11] =	ssyncset.done $0x0  }
0x11: {  	s3 =	simm.s32 $0x12C00;
	[sflag:s11] =	ssyncadd.s32 $0xFFFF9C00  }
0x12: {  	[tilespmem:s3], [sflag:$0x5] =	stream.linear.gather [hbm4b:s8+s5], $0x3200, $0x38;
	[tilespmem:$0x15E80] =	vst v63  }
0x13: {  	_ =	swait.ge [sflag:s11], $0x3200  }
0x14: {  	[sflag:s11] =	ssyncset.done $0x0  }
0x15: {  	[sflag:s11] =	ssyncadd.s32 $0xFFFFCE00  }
0x16: {  	s12 =	simm.s32 $0x15E00;
	s19 =	rddreg [dreg:$0x1]  }
0x17: {  	[tilespmem:s12], [sflag:$0x5] =	stream.linear.gather [hbm4b:s19+s5], $0x40, $0x38;
	[tilespmem:$0x15E80] =	vst v63  }
0x18: {  	_ =	swait.ge [sflag:s11], $0x40  }
0x19: {  	[sflag:s11] =	ssyncset.done $0x0  }
0x1a: {  	[sflag:s11] =	ssyncadd.s32 $0xFFFFFFC0  }
0x1b: {  	s14 =	simm.s32 $0x15E40;
	s13 =	rddreg [dreg:$0x2]  }
0x1c: {  	[tilespmem:s14], [sflag:$0x5] =	stream.linear.gather [hbm4b:s13+s5], $0x40, $0x38;
	[tilespmem:$0x15E80] =	vst v63  }
0x1d: {  	_ =	swait.ge [sflag:s11], $0x40  }
0x1e: {  	[sflag:s11] =	ssyncset.done $0x0  }
0x1f: {  	[sflag:s11] =	ssyncadd.s32 $0xFFFFFFC0  }
0x20: {  	v4 =	vld [tilespmem:$0x15E00];
	_ =	sdelay $0x4  }
0x21: {  	[tilespmem:$0x1FF80] =	vst v4;
	v4 =	vld [tilespmem:$0x15E10];
	_ =	sdelay $0x4  }
0x22: {  	[tilespmem:$0x1FF90] =	vst v4;
	v4 =	vld [tilespmem:$0x15E20];
	_ =	sdelay $0x4  }
0x23: {  	[tilespmem:$0x1FFA0] =	vst v4;
	v4 =	vld [tilespmem:$0x15E30];
	_ =	sdelay $0x4  }
0x24: {  	[tilespmem:$0x1FFB0] =	vst v4;
	v4 =	vld [tilespmem:$0x15E40];
	_ =	sdelay $0x4  }
0x25: {  	[tilespmem:$0x1FFC0] =	vst v4;
	v4 =	vld [tilespmem:$0x15E50];
	_ =	sdelay $0x4  }
0x26: {  	[tilespmem:$0x1FFD0] =	vst v4;
	v4 =	vld [tilespmem:$0x15E60];
	_ =	sdelay $0x3  }
0x27: {  	s16 =	simm.s32 $0x6400  }
0x28: {  	[tilespmem:$0x1FFE0] =	vst v4;
	v4 =	vld [tilespmem:$0x15E70];
	[tilespmem:s16], [sflag:$0x1] =	stream.indirect.gather [hbm4b:s7+s15], $0x40, s5, s15, $0xb8  }
0x29: {  	s18 =	simm.s32 $0x7000  }
0x2a: {  	[tilespmem:s18], [sflag:$0x1] =	stream.indirect.gather [hbm4b:s7+s17], $0x40, s15, s17, $0xb8;
	[tilespmem:$0x15E80] =	vst v63  }
0x2b: {  	s19 =	simm.s32 $0x68  }
0x2c: {  	[tilespmem:s20], [sflag:$0x1] =	stream.indirect.gather [hbm4b:s7+s15], $0x40, s19, s15, $0xb8;
	[tilespmem:$0x15E80] =	vst v63  }
0x2d: {  	s3 =	simm.s32 $0x0;
	[tilespmem:$0x1FFF0] =	vst v4  }
0x2e: {  	[tilespmem:s22], [sflag:$0x1] =	stream.indirect.gather [hbm4b:s7+s15], $0x40, s21, s15, $0xb8;
	[tilespmem:$0x15E80] =	vst v63  }
.LBB2_2:
0x2f: {  	s13 =	smul.u32 $0x190, s3;
	_ =	sdelay $0x1  }
0x30: {  	s12 =	sadd.s32 $0xC8, s13  }
0x31: {  	[tilespmem:s23], [sflag:$0x2] =	stream.indirect.gather [hbm4b:s7+s15], $0x40, s12, s15, $0xb8;
	[tilespmem:$0x15E80] =	vst v63  }
0x32: {  	s14 =	sadd.s32 $0xF8, s13  }
0x33: {  	[tilespmem:s24], [sflag:$0x2] =	stream.indirect.gather [hbm4b:s7+s17], $0x40, s14, s17, $0xb8;
	[tilespmem:$0x15E80] =	vst v63  }
0x34: {  	s18 =	sadd.s32 $0x130, s13  }
0x35: {  	[tilespmem:s25], [sflag:$0x2] =	stream.indirect.gather [hbm4b:s7+s15], $0x40, s18, s15, $0xb8;
	[tilespmem:$0x15E80] =	vst v63  }
0x36: {  	s19 =	sadd.s32 $0x160, s13  }
0x37: {  	[tilespmem:s26], [sflag:$0x2] =	stream.indirect.gather [hbm4b:s7+s15], $0x40, s19, s15, $0xb8;
	[tilespmem:$0x15E80] =	vst v63  }
0x38: {  	_ =	swait.ge [sflag:s28], $0xC00  }
0x39: {  	[sflag:s28] =	ssyncset.done $0x0  }
0x3a: {  	[sflag:s28] =	ssyncadd.s32 $0xFFFFF400  }
0x3b: {  	_ =	swait.ge [sflag:s28], $0xE00  }
0x3c: {  	[sflag:s28] =	ssyncset.done $0x0  }
0x3d: {  	[sflag:s28] =	ssyncadd.s32 $0xFFFFF200  }
0x3e: {  	_ =	swait.ge [sflag:s28], $0xC00  }
0x3f: {  	[sflag:s28] =	ssyncset.done $0x0  }
0x40: {  	[sflag:s28] =	ssyncadd.s32 $0xFFFFF400  }
0x41: {  	_ =	swait.ge [sflag:s28], $0xC00  }
0x42: {  	p0 =	seq.s32 s3, $0x0;
	[sflag:s28] =	ssyncset.done $0x0  }
0x43: {  	s14 =	simm.s32 @!p0 $0x3;
	[sflag:s28] =	ssyncadd.s32 $0xFFFFF400  }
0x44: {  	_ =	swait.ge @!p0 [sflag:s14], $0x3200  }
0x45: {  	[sflag:s14] =	ssyncset.done @!p0 $0x0  }
0x46: {  	[sflag:s14] =	ssyncadd.s32 @!p0 $0xFFFFCE00;
	s14 =	simm.s32 $0x0  }
0x47: {  	v12 =	vld [tilespmem:s14+$0x64C0]  }
0x48: {  	v13 =	vld [tilespmem:s14+$0x12CC0]  }
0x49: {  	v14 =	vld [tilespmem:s14+$0x64D0]  }
0x4a: {  	v15 =	vld [tilespmem:s14+$0x12CD0]  }
0x4b: {  	v16 =	vld [tilespmem:s14+$0x64E0]  }
0x4c: {  	v17 =	vld [tilespmem:s14+$0x12CE0]  }
0x4d: {  	v18 =	vld [tilespmem:s14+$0x64F0]  }
0x4e: {  	v19 =	vld [tilespmem:s14+$0x12CF0]  }
0x4f: {  	v20 =	vld [tilespmem:s14+$0x6400]  }
0x50: {  	v21 =	vld [tilespmem:s14+$0x12C00]  }
0x51: {  	v22 =	vld [tilespmem:s14+$0x6410]  }
0x52: {  	v23 =	vld [tilespmem:s14+$0x12C10]  }
0x53: {  	v58 =	vld [tilespmem:s14+$0x64A0]  }
0x54: {  	v39 =	vld [tilespmem:s14+$0x12CA0]  }
0x55: {  	v26 =	vadd.f32 v13, v12;
	v12 =	vld [tilespmem:s14+$0x6420]  }
0x56: {  	v25 =	vadd.f32 v15, v14;
	v13 =	vld [tilespmem:s14+$0x12C20]  }
0x57: {  	v24 =	vadd.f32 v17, v16;
	v27 =	vadd.f32 v19, v18;
	v15 =	vld [tilespmem:s14+$0x6430]  }
0x58: {  	v20 =	vadd.f32 v21, v20;
	v19 =	vld [tilespmem:s14+$0x12C30];
	v14 =	vadd.f32 v25, v26  }
0x59: {  	v16 =	vadd.f32 v27, v24;
	v17 =	vmul.f32 v26, v26;
	v18 =	vmul.f32 v25, v25  }
0x5a: {  	v30 =	vld [tilespmem:s14+$0x6440];
	v21 =	vadd.f32 v23, v22;
	v28 =	vmul.f32 v24, v24;
	v29 =	vmul.f32 v27, v27  }
0x5b: {  	v4 =	vadd.f32 v39, v58;
	v14 =	vadd.f32 v16, v14;
	v16 =	vld [tilespmem:s14+$0x12C40]  }
0x5c: {  	v17 =	vadd.f32 v18, v17;
	v18 =	vadd.f32 v29, v28;
	v28 =	vmul.f32 v20, v20;
	v29 =	vld [tilespmem:s14+$0x12C50]  }
0x5d: {  	v22 =	vadd.f32 v13, v12;
	v12 =	vld [tilespmem:s14+$0x6450];
	v13 =	vmul.f32 v21, v21;
	v23 =	vadd.f32 v19, v15  }
0x5e: {  	v31 =	vadd.f32 v21, v20;
	v15 =	vld [tilespmem:s14+$0x6460];
	v17 =	vadd.f32 v18, v17;
	v18 =	vperm.xlane v14, v0  }
0x5f: {  	v46 =	vmul.f32 v4, v4;
	v13 =	vadd.f32 v13, v28;
	v28 =	vld [tilespmem:s14+$0x12C60];
	v33 =	vadd.f32 v23, v22  }
0x60: {  	v34 =	vld [tilespmem:s14+$0x12C70];
	v32 =	vmul.f32 v22, v22;
	v14 =	vadd.f32 v14, v18;
	v19 =	vperm.xlane v17, v0  }
0x61: {  	v54 =	vld [tilespmem:s14+$0x12C80];
	v18 =	vadd.f32 v16, v30;
	v30 =	vmul.f32 v23, v23;
	v31 =	vadd.f32 v33, v31  }
0x62: {  	v16 =	vld [tilespmem:s14+$0x6470];
	v35 =	vperm.xlane v14, v1;
	v36 =	vadd.f32 v19, v17;
	v19 =	vadd.f32 v29, v12  }
0x63: {  	v29 =	vld [tilespmem:s14+$0x6480];
	v12 =	vmul.f32 v18, v18;
	v30 =	vadd.f32 v30, v32;
	v59 =	vperm.xlane v31, v0  }
0x64: {  	v14 =	vadd.f32 v14, v35;
	v55 =	vperm.xlane v36, v1;
	v17 =	vadd.f32 v28, v15  }
0x65: {  	v28 =	vadd.f32 v19, v18;
	v56 =	vmul.f32 v19, v19;
	v30 =	vadd.f32 v30, v13  }
0x66: {  	v37 =	vld [tilespmem:s14+$0x6490];
	v31 =	vadd.f32 v31, v59;
	v38 =	vperm.xlane v14, v2;
	v33 =	vadd.f32 v55, v36  }
0x67: {  	v13 =	vld [tilespmem:s14+$0x12C90];
	v15 =	vadd.f32 v34, v16;
	v57 =	vadd.f32 v56, v12;
	v12 =	vmul.f32 v17, v17  }
0x68: {  	v16 =	vadd.f32 v54, v29;
	v50 =	vperm.xlane v30, v0;
	v42 =	vperm.xlane v31, v1  }
0x69: {  	v14 =	vadd.f32 v14, v38;
	v60 =	vperm.xlane v33, v2;
	v40 =	vadd.f32 v15, v17  }
0x6a: {  	v61 =	vld [tilespmem:s14+$0x12CB0];
	v41 =	vmul.f32 v15, v15;
	v30 =	vadd.f32 v50, v30;
	v31 =	vadd.f32 v31, v42  }
0x6b: {  	v29 =	vld [tilespmem:s14+$0x64B0];
	v62 =	vperm.xlane v14, v3;
	v33 =	vadd.f32 v60, v33;
	v28 =	vadd.f32 v40, v28  }
0x6c: {  	v9 =	vmul.f32 v16, v16;
	v5 =	vadd.f32 v13, v37;
	v63 =	vadd.f32 v41, v12  }
0x6d: {  	v56 =	vperm.xlane v30, v1;
	v14 =	vadd.f32 v14, v62;
	v8 =	vperm.xlane v33, v3  }
0x6e: {  	v10 =	vadd.f32 v5, v16;
	v11 =	vmul.f32 v5, v5;
	v34 =	vadd.f32 v63, v57  }
0x6f: {  	v47 =	vperm.xlane v28, v0;
	v30 =	vadd.f32 v56, v30;
	v40 =	vmul.f32 $1.562500000e-02, v14  }
0x70: {  	v33 =	vadd.f32 v8, v33;
	v14 =	vadd.f32 v61, v29;
	v51 =	vperm.xlane v34, v0  }
0x71: {  	v29 =	vadd.f32 v11, v9;
	v61 =	vperm.xlane v31, v2;
	v8 =	vperm.xlane v30, v2  }
0x72: {  	v28 =	vadd.f32 v28, v47;
	v44 =	vmul.f32 $1.562500000e-02, v33;
	v45 =	vmul.f32 v40, v40  }
0x73: {  	v48 =	vadd.f32 v14, v4;
	v49 =	vmul.f32 v14, v14;
	v33 =	vadd.f32 v51, v34  }
0x74: {  	v53 =	vperm.xlane v28, v1;
	v31 =	vadd.f32 v31, v61;
	v30 =	vadd.f32 v8, v30  }
0x75: {  	v32 =	vsub.f32 v44, v45;
	v35 =	vadd.f32 v48, v10  }
0x76: {  	v36 =	vadd.f32 v49, v46;
	v28 =	vadd.f32 v28, v53;
	v60 =	vperm.xlane v33, v1  }
0x77: {  	v10 =	vperm.xlane v31, v3;
	v44 =	vperm.xlane v30, v3;
	v32 =	vmax.f32 v32, $0.0e+00  }
0x78: {  	v52 =	vperm.xlane v35, v0;
	v29 =	vadd.f32 v36, v29;
	v33 =	vadd.f32 v60, v33  }
0x79: {  	v63 =	vperm.xlane v28, v2;
	v31 =	vadd.f32 v31, v10;
	v32 =	vadd.f32 $9.999999960e-13, v32  }
0x7a: {  	v30 =	vadd.f32 v44, v30;
	v54 =	vadd.f32 v35, v52  }
0x7b: {  	v57 =	vperm.xlane v29, v0;
	v28 =	vadd.f32 v28, v63;
	v9 =	vperm.xlane v33, v2  }
0x7c: {  	v31 =	vmul.f32 $1.562500000e-02, v31;
	v55 =	vmul.f32 $5.000000000e-01, v32;
	v32 =	vshra.s32 v32, $0x1  }
0x7d: {  	v30 =	vmul.f32 $1.562500000e-02, v30;
	v32 =	vsub.s32 $0x5F3759DF, v32;
	v58 =	vperm.xlane v54, v1  }
0x7e: {  	v29 =	vadd.f32 v57, v29;
	v33 =	vadd.f32 v9, v33;
	v47 =	vmul.f32 v31, v31  }
0x7f: {  	v42 =	vperm.xlane v28, v3;
	v59 =	vmul.f32 v32, v55;
	v34 =	vadd.f32 v54, v58  }
0x80: {  	v6 =	vperm.xlane v29, v1;
	v45 =	vperm.xlane v33, v3;
	v30 =	vsub.f32 v30, v47  }
0x81: {  	v28 =	vadd.f32 v28, v42;
	v62 =	vmul.f32 v32, v59;
	v7 =	vperm.xlane v34, v2  }
0x82: {  	v29 =	vadd.f32 v6, v29;
	v33 =	vadd.f32 v45, v33;
	v30 =	vmax.f32 v30, $0.0e+00  }
0x83: {  	v28 =	vmul.f32 $1.562500000e-02, v28;
	v36 =	vsub.f32 $1.500000000e+00, v62;
	v30 =	vadd.f32 $9.999999960e-13, v30  }
0x84: {  	v34 =	vadd.f32 v34, v7;
	v11 =	vperm.xlane v29, v2;
	v33 =	vmul.f32 $1.562500000e-02, v33  }
0x85: {  	v48 =	vmul.f32 v28, v28;
	v32 =	vmul.f32 v32, v36  }
0x86: {  	v51 =	vshra.s32 v30, $0x1;
	v30 =	vmul.f32 $5.000000000e-01, v30;
	v43 =	vperm.xlane v34, v3  }
0x87: {  	v29 =	vadd.f32 v11, v29;
	v33 =	vsub.f32 v33, v48;
	v36 =	vsub.s32 $0x5F3759DF, v51  }
0x88: {  	v35 =	vmul.f32 v32, v55;
	v54 =	vmul.f32 v36, v30  }
0x89: {  	v34 =	vadd.f32 v34, v43;
	v46 =	vperm.xlane v29, v3;
	v33 =	vmax.f32 v33, $0.0e+00  }
0x8a: {  	[tilespmem:$0x1FF70] =	vst v4;
	v4 =	vld [tilespmem:$0x1FF80];
	v35 =	vmul.f32 v35, v32;
	v33 =	vadd.f32 $9.999999960e-13, v33  }
0x8b: {  	v7 =	vld [tilespmem:$0x1FFB0];
	v39 =	vmul.f32 v36, v54;
	v41 =	vmul.f32 $1.562500000e-02, v34;
	v29 =	vadd.f32 v46, v29  }
0x8c: {  	[tilespmem:$0x1FF60] =	vst v5;
	v5 =	vld [tilespmem:$0x1FF90];
	v35 =	vsub.f32 $1.500000000e+00, v35;
	v52 =	vshra.s32 v33, $0x1;
	v33 =	vmul.f32 $5.000000000e-01, v33  }
0x8d: {  	v6 =	vld [tilespmem:$0x1FFA0];
	v56 =	vsub.f32 $1.500000000e+00, v39;
	v29 =	vmul.f32 $1.562500000e-02, v29;
	v49 =	vmul.f32 v41, v41  }
0x8e: {  	v37 =	vsub.s32 $0x5F3759DF, v52;
	v32 =	vmul.f32 v35, v32  }
0x8f: {  	v55 =	vmul.f32 v37, v33;
	v34 =	vmul.f32 v36, v56;
	v29 =	vsub.f32 v29, v49  }
0x90: {  	v50 =	vmul.f32 v32, v7;
	v35 =	vmul.f32 v32, v4  }
0x91: {  	v42 =	vmul.f32 v37, v55;
	v45 =	vmul.f32 v32, v5;
	v29 =	vmax.f32 v29, $0.0e+00  }
0x92: {  	v32 =	vmul.f32 v32, v6;
	v30 =	vmul.f32 v34, v30;
	v29 =	vadd.f32 $9.999999960e-13, v29  }
0x93: {  	v11 =	vld [tilespmem:$0x1FFF0];
	v44 =	vmul.f32 v50, v40;
	v27 =	vmul.f32 v50, v27;
	v57 =	vsub.f32 $1.500000000e+00, v42  }
0x94: {  	v8 =	vld [tilespmem:$0x1FFC0];
	v59 =	vmul.f32 v35, v40;
	v53 =	vshra.s32 v29, $0x1;
	v29 =	vmul.f32 $5.000000000e-01, v29  }
0x95: {  	v9 =	vld [tilespmem:$0x1FFD0];
	v63 =	vmul.f32 v45, v40;
	v30 =	vmul.f32 v30, v34;
	v38 =	vsub.s32 $0x5F3759DF, v53  }
0x96: {  	v26 =	vmul.f32 v35, v26;
	v43 =	vmul.f32 v38, v29  }
0x97: {  	v25 =	vmul.f32 v45, v25;
	v60 =	vmul.f32 v37, v57  }
0x98: {  	v24 =	vmul.f32 v32, v24;
	v62 =	vsub.f32 v44, v11;
	v43 =	vmul.f32 v38, v43  }
0x99: {  	v10 =	vld [tilespmem:$0x1FFE0];
	v46 =	vsub.f32 v59, v8;
	v30 =	vsub.f32 $1.500000000e+00, v30;
	v33 =	vmul.f32 v60, v33  }
0x9a: {  	v44 =	vmul.f32 v32, v40;
	v39 =	vsub.f32 v63, v9;
	v58 =	vsub.f32 $1.500000000e+00, v43  }
0x9b: {  	v27 =	vsub.f32 v27, v62;
	v30 =	vmul.f32 v30, v34;
	v33 =	vmul.f32 v33, v60  }
0x9c: {  	v26 =	vsub.f32 v26, v46;
	v25 =	vsub.f32 v25, v39;
	v61 =	vmul.f32 v38, v58  }
0x9d: {  	v39 =	vmul.f32 v30, v4;
	v35 =	vmul.f32 v30, v5;
	v33 =	vsub.f32 $1.500000000e+00, v33  }
0x9e: {  	v34 =	vmul.f32 v30, v6;
	v38 =	vsub.f32 v44, v10;
	v29 =	vmul.f32 v61, v29  }
0x9f: {  	[tilespmem:s14+$0xC8F0] =	vst v27;
	v27 =	vmul.f32 v39, v31;
	v47 =	vmul.f32 v33, v60  }
0xa0: {  	[tilespmem:s14+$0xC8C0] =	vst v26;
	v50 =	vmul.f32 v34, v31;
	v24 =	vsub.f32 v24, v38;
	v29 =	vmul.f32 v29, v61  }
0xa1: {  	[tilespmem:s14+$0xC8D0] =	vst v25;
	v58 =	vmul.f32 v30, v7;
	v53 =	vmul.f32 v47, v4  }
0xa2: {  	s16 =	simm.s32 $0x100;
	v52 =	vmul.f32 v47, v5;
	v49 =	vmul.f32 v47, v6;
	[tilespmem:s14+$0xC8E0] =	vst v24;
	v29 =	vsub.f32 $1.500000000e+00, v29  }
0xa3: {  	v32 =	vmul.f32 v47, v7;
	v51 =	vmul.f32 v58, v31;
	v33 =	vld [tilespmem:s16+$0x64C0]  }
0xa4: {  	v46 =	vmul.f32 v53, v28;
	v47 =	vld [tilespmem:s16+$0x12CC0];
	v29 =	vmul.f32 v29, v61  }
0xa5: {  	v45 =	vmul.f32 v52, v28;
	v44 =	vmul.f32 v49, v28;
	v48 =	vld [tilespmem:s16+$0x64D0]  }
0xa6: {  	v37 =	vmul.f32 v32, v28;
	v56 =	vld [tilespmem:s16+$0x12CD0];
	v30 =	vmul.f32 v29, v4  }
0xa7: {  	v28 =	vsub.f32 v50, v10;
	v57 =	vld [tilespmem:s16+$0x64E0];
	v26 =	vmul.f32 v29, v5;
	v25 =	vmul.f32 v29, v6  }
0xa8: {  	v59 =	vld [tilespmem:s16+$0x12CE0];
	v24 =	vmul.f32 v29, v7;
	v29 =	vmul.f32 v35, v31;
	v31 =	vsub.f32 v27, v8  }
0xa9: {  	v55 =	vld [tilespmem:s16+$0x64F0];
	v27 =	vsub.f32 v51, v11;
	v38 =	vmul.f32 v30, v41;
	v36 =	vmul.f32 v26, v41  }
0xaa: {  	s18 =	simm.s32 $0x800;
	v60 =	vld [tilespmem:s16+$0x12CF0];
	v29 =	vsub.f32 v29, v9;
	v40 =	vmul.f32 v25, v41;
	v41 =	vmul.f32 v24, v41  }
.LBB2_3:
0xab: {  	v61 =	vld [tilespmem:s16+$0x6400]  }
0xac: {  	v10 =	vld [tilespmem:$0x1FFC0]  }
0xad: {  	v11 =	vld [tilespmem:$0x1FFD0]  }
0xae: {  	v54 =	vmul.f32 v39, v20;
	v20 =	vld [tilespmem:s16+$0x12C00]  }
0xaf: {  	v12 =	vld [tilespmem:$0x1FFE0]  }
0xb0: {  	v50 =	vmul.f32 v35, v21;
	v21 =	vld [tilespmem:s16+$0x6410]  }
0xb1: {  	v51 =	vmul.f32 v34, v22;
	v22 =	vld [tilespmem:s16+$0x12C10];
	v32 =	vmul.f32 v32, v15;
	v34 =	vadd.f32 v56, v48  }
0xb2: {  	v30 =	vmul.f32 v30, v16;
	v48 =	vadd.f32 v60, v55;
	v56 =	vld [tilespmem:s16+$0x12C30];
	v43 =	vsub.f32 v46, v10  }
0xb3: {  	v42 =	vsub.f32 v45, v11;
	v35 =	vsub.f32 v36, v11;
	v45 =	vmul.f32 v58, v23;
	v23 =	vld [tilespmem:s16+$0x6420]  }
0xb4: {  	v36 =	vadd.f32 v47, v33;
	v33 =	vadd.f32 v59, v57;
	v47 =	vmul.f32 v53, v18;
	v18 =	vld [tilespmem:s16+$0x12C20]  }
0xb5: {  	v39 =	vsub.f32 v44, v12;
	v46 =	vmul.f32 v52, v19;
	v19 =	vld [tilespmem:s16+$0x6430];
	v63 =	vmul.f32 v34, v34  }
0xb6: {  	v8 =	vld [tilespmem:s16+$0x12C50];
	v6 =	vmul.f32 v48, v48;
	v9 =	vadd.f32 v34, v36;
	v60 =	vadd.f32 v48, v33  }
0xb7: {  	v20 =	vadd.f32 v20, v61;
	v59 =	vld [tilespmem:s16+$0x6440];
	v62 =	vmul.f32 v36, v36;
	v57 =	vmul.f32 v33, v33  }
0xb8: {  	v21 =	vadd.f32 v22, v21;
	v44 =	vmul.f32 v49, v17;
	v49 =	vld [tilespmem:s16+$0x12C40];
	v52 =	vadd.f32 v60, v9  }
0xb9: {  	v17 =	vmul.f32 v20, v20;
	v53 =	vadd.f32 v63, v62;
	v7 =	vadd.f32 v6, v57;
	v6 =	vld [tilespmem:s16+$0x6460]  }
0xba: {  	v62 =	vld [tilespmem:s16+$0x12C60];
	v22 =	vadd.f32 v18, v23;
	v18 =	vmul.f32 v21, v21;
	v23 =	vadd.f32 v56, v19  }
0xbb: {  	v58 =	vld [tilespmem:s16+$0x6450];
	v57 =	vadd.f32 v21, v20;
	v53 =	vadd.f32 v7, v53;
	v9 =	vperm.xlane v52, v0  }
0xbc: {  	v56 =	vadd.f32 v18, v17;
	v17 =	vmul.f32 v22, v22;
	v15 =	vadd.f32 v23, v22  }
0xbd: {  	v7 =	vmul.f32 v23, v23;
	v18 =	vadd.f32 v49, v59;
	v49 =	vld [tilespmem:s16+$0x6470];
	v52 =	vadd.f32 v52, v9  }
0xbe: {  	v31 =	vsub.f32 v54, v31;
	v59 =	vld [tilespmem:s16+$0x12C70];
	v19 =	vperm.xlane v53, v0;
	v57 =	vadd.f32 v15, v57  }
0xbf: {  	v55 =	vld [tilespmem:s16+$0x12C80];
	v15 =	vadd.f32 v7, v17;
	v17 =	vadd.f32 v62, v6;
	v63 =	vperm.xlane v52, v1  }
0xc0: {  	v16 =	vmul.f32 v18, v18;
	v53 =	vadd.f32 v19, v53;
	v19 =	vadd.f32 v8, v58;
	v58 =	vld [tilespmem:s16+$0x6480]  }
0xc1: {  	v60 =	vld [tilespmem:s16+$0x64A0];
	v4 =	vadd.f32 v15, v56;
	v62 =	vperm.xlane v57, v0;
	v52 =	vadd.f32 v52, v63  }
0xc2: {  	v6 =	vld [tilespmem:s16+$0x12CA0];
	v8 =	vperm.xlane v53, v1;
	v61 =	vadd.f32 v19, v18;
	v9 =	vmul.f32 v19, v19  }
0xc3: {  	v56 =	vld [tilespmem:s16+$0x12C90];
	v15 =	vadd.f32 v59, v49;
	v57 =	vadd.f32 v57, v62  }
0xc4: {  	v63 =	vld [tilespmem:s16+$0x6490];
	v59 =	vmul.f32 v17, v17;
	v53 =	vadd.f32 v8, v53;
	v49 =	vadd.f32 v9, v16  }
0xc5: {  	v5 =	vperm.xlane v52, v2;
	v7 =	vadd.f32 v15, v17;
	v16 =	vadd.f32 v55, v58;
	v55 =	vld [tilespmem:s16+$0x64B0]  }
0xc6: {  	v28 =	vsub.f32 v51, v28;
	v8 =	vmul.f32 v15, v15;
	v58 =	vld [tilespmem:s16+$0x12CB0];
	[tilespmem:s14+$0xC800] =	vst v31;
	v31 =	vperm.xlane v57, v1  }
0xc7: {  	v5 =	vadd.f32 v52, v5;
	v52 =	vperm.xlane v53, v2;
	v7 =	vadd.f32 v7, v61  }
0xc8: {  	v8 =	vadd.f32 v8, v59;
	v61 =	vmul.f32 v16, v16;
	v31 =	vadd.f32 v57, v31  }
0xc9: {  	v62 =	vperm.xlane v5, v3;
	v9 =	vadd.f32 v52, v53;
	v53 =	vadd.f32 v56, v63  }
0xca: {  	v52 =	vadd.f32 v6, v60;
	v8 =	vadd.f32 v8, v49;
	v54 =	vperm.xlane v7, v0  }
0xcb: {  	v5 =	vadd.f32 v5, v62;
	v59 =	vperm.xlane v9, v3;
	v60 =	vmul.f32 v53, v53  }
0xcc: {  	v6 =	vadd.f32 v53, v16;
	v49 =	vadd.f32 v58, v55;
	v55 =	vmul.f32 v52, v52  }
0xcd: {  	v56 =	vmul.f32 $1.562500000e-02, v5;
	v5 =	vadd.f32 v59, v9;
	v9 =	vadd.f32 v60, v61  }
0xce: {  	v59 =	vadd.f32 v49, v52;
	v60 =	vmul.f32 v49, v49;
	v61 =	vperm.xlane v4, v0  }
0xcf: {  	v7 =	vadd.f32 v7, v54;
	v5 =	vmul.f32 $1.562500000e-02, v5;
	v58 =	vmul.f32 v56, v56  }
0xd0: {  	v62 =	vperm.xlane v8, v0;
	v6 =	vadd.f32 v59, v6;
	v55 =	vadd.f32 v60, v55  }
0xd1: {  	v4 =	vadd.f32 v61, v4;
	v5 =	vsub.f32 v5, v58  }
0xd2: {  	v8 =	vadd.f32 v62, v8;
	v61 =	vperm.xlane v7, v1;
	v9 =	vadd.f32 v55, v9  }
0xd3: {  	v13 =	vld [tilespmem:$0x1FFF0];
	v60 =	vperm.xlane v6, v0;
	v57 =	vperm.xlane v4, v1;
	v5 =	vmax.f32 v5, $0.0e+00  }
0xd4: {  	v7 =	vadd.f32 v7, v61;
	v61 =	vperm.xlane v8, v1;
	v5 =	vadd.f32 $9.999999960e-13, v5  }
0xd5: {  	v6 =	vadd.f32 v6, v60;
	v58 =	vperm.xlane v9, v0;
	v60 =	vperm.xlane v31, v2  }
0xd6: {  	v4 =	vadd.f32 v57, v4;
	v62 =	vshra.s32 v5, $0x1;
	v5 =	vmul.f32 $5.000000000e-01, v5  }
0xd7: {  	v57 =	vperm.xlane v7, v2;
	v9 =	vadd.f32 v58, v9;
	v54 =	vsub.s32 $0x5F3759DF, v62  }
0xd8: {  	v37 =	vsub.f32 v37, v13;
	v55 =	vperm.xlane v6, v1;
	v59 =	vmul.f32 v54, v5  }
0xd9: {  	v8 =	vadd.f32 v61, v8;
	v31 =	vadd.f32 v31, v60;
	v58 =	vperm.xlane v9, v1  }
0xda: {  	v60 =	vperm.xlane v4, v2;
	v6 =	vadd.f32 v6, v55;
	v63 =	vmul.f32 v54, v59  }
0xdb: {  	v7 =	vadd.f32 v7, v57;
	v57 =	vperm.xlane v8, v2;
	v9 =	vadd.f32 v58, v9  }
0xdc: {  	v61 =	vperm.xlane v31, v3;
	v59 =	vperm.xlane v6, v2;
	v55 =	vsub.f32 $1.500000000e+00, v63  }
0xdd: {  	v4 =	vadd.f32 v60, v4;
	v8 =	vadd.f32 v57, v8;
	v62 =	vperm.xlane v9, v2  }
0xde: {  	v6 =	vadd.f32 v6, v59;
	v63 =	vperm.xlane v7, v3;
	v58 =	vmul.f32 v54, v55  }
0xdf: {  	v31 =	vadd.f32 v31, v61;
	v57 =	vperm.xlane v8, v3;
	v9 =	vadd.f32 v62, v9  }
0xe0: {  	v60 =	vperm.xlane v6, v3;
	v7 =	vadd.f32 v7, v63;
	v5 =	vmul.f32 v58, v5  }
0xe1: {  	v61 =	vperm.xlane v4, v3;
	v63 =	vadd.f32 v57, v8;
	v62 =	vperm.xlane v9, v3  }
0xe2: {  	v6 =	vadd.f32 v6, v60;
	v55 =	vmul.f32 $1.562500000e-02, v7;
	v5 =	vmul.f32 v5, v58  }
0xe3: {  	v59 =	vsub.f32 v50, v29;
	v7 =	vmul.f32 $1.562500000e-02, v63;
	v57 =	vadd.f32 v62, v9;
	v62 =	vld [tilespmem:$0x1FFB0]  }
0xe4: {  	v54 =	vmul.f32 $1.562500000e-02, v6;
	v29 =	vmul.f32 v55, v55;
	v5 =	vsub.f32 $1.500000000e+00, v5  }
0xe5: {  	v31 =	vmul.f32 $1.562500000e-02, v31;
	v4 =	vadd.f32 v61, v4;
	[tilespmem:s14+$0xC810] =	vst v59;
	v59 =	vld [tilespmem:$0x1FF80];
	v6 =	vmul.f32 $1.562500000e-02, v57  }
0xe6: {  	v60 =	vld [tilespmem:$0x1FF90];
	v51 =	vmul.f32 v54, v54;
	v7 =	vsub.f32 v7, v29;
	v5 =	vmul.f32 v5, v58  }
0xe7: {  	v38 =	vsub.f32 v38, v10;
	v4 =	vmul.f32 $1.562500000e-02, v4;
	v58 =	vmul.f32 v31, v31  }
0xe8: {  	v6 =	vsub.f32 v6, v51;
	v7 =	vmax.f32 v7, $0.0e+00;
	v50 =	vmul.f32 v5, v62  }
0xe9: {  	v24 =	vmul.f32 v24, v14;
	v27 =	vsub.f32 v45, v27;
	v7 =	vadd.f32 $9.999999960e-13, v7  }
0xea: {  	v4 =	vsub.f32 v4, v58;
	v6 =	vmax.f32 v6, $0.0e+00;
	v29 =	vmul.f32 v50, v56  }
0xeb: {  	v9 =	vmul.f32 v5, v59;
	v8 =	vmul.f32 v5, v60;
	v6 =	vadd.f32 $9.999999960e-13, v6  }
0xec: {  	[tilespmem:s14+$0xC820] =	vst v28;
	v4 =	vmax.f32 v4, $0.0e+00;
	v28 =	vmul.f32 v50, v48;
	v29 =	vsub.f32 v29, v13  }
0xed: {  	v57 =	vshra.s32 v7, $0x1;
	v7 =	vmul.f32 $5.000000000e-01, v7;
	v4 =	vadd.f32 $9.999999960e-13, v4  }
0xee: {  	v58 =	vshra.s32 v6, $0x1;
	v6 =	vmul.f32 $5.000000000e-01, v6;
	v28 =	vsub.f32 v28, v29  }
0xef: {  	v61 =	vld [tilespmem:$0x1FFA0];
	v48 =	vsub.s32 $0x5F3759DF, v58;
	v29 =	vshra.s32 v4, $0x1;
	v4 =	vmul.f32 $5.000000000e-01, v4  }
0xf0: {  	v45 =	vmul.f32 v48, v6;
	[tilespmem:s16+$0xC8F0] =	vst v28;
	v28 =	vsub.s32 $0x5F3759DF, v29;
	v29 =	vsub.s32 $0x5F3759DF, v57  }
0xf1: {  	v40 =	vsub.f32 v40, v12;
	v50 =	vmul.f32 v28, v4;
	v63 =	vmul.f32 v29, v7  }
0xf2: {  	v57 =	vmul.f32 v9, v56;
	[tilespmem:s14+$0xC830] =	vst v27;
	v27 =	vsub.f32 v46, v42;
	v42 =	vmul.f32 v48, v45  }
0xf3: {  	v43 =	vsub.f32 v47, v43;
	v58 =	vmul.f32 v28, v50;
	v63 =	vmul.f32 v29, v63  }
0xf4: {  	v5 =	vmul.f32 v5, v61;
	v45 =	vsub.f32 v57, v10;
	[tilespmem:s14+$0xC850] =	vst v27;
	v27 =	vsub.f32 $1.500000000e+00, v42  }
0xf5: {  	[tilespmem:s14+$0xC840] =	vst v43;
	v57 =	vmul.f32 v8, v56;
	v43 =	vsub.f32 $1.500000000e+00, v58;
	v58 =	vsub.f32 $1.500000000e+00, v63  }
0xf6: {  	v41 =	vsub.f32 v41, v13;
	v63 =	vmul.f32 v5, v56;
	v27 =	vmul.f32 v48, v27  }
0xf7: {  	v39 =	vsub.f32 v44, v39;
	v56 =	vld [tilespmem:$0x1FF60];
	v28 =	vmul.f32 v28, v43;
	v29 =	vmul.f32 v29, v58  }
0xf8: {  	v9 =	vmul.f32 v9, v36;
	v58 =	vsub.f32 v63, v12;
	v63 =	vld [tilespmem:$0x1FF70];
	v6 =	vmul.f32 v27, v6  }
0xf9: {  	v32 =	vsub.f32 v32, v37;
	v4 =	vmul.f32 v28, v4;
	v7 =	vmul.f32 v29, v7  }
0xfa: {  	v30 =	vsub.f32 v30, v38;
	v8 =	vmul.f32 v8, v34;
	v6 =	vmul.f32 v6, v27  }
0xfb: {  	v24 =	vsub.f32 v24, v41;
	v4 =	vmul.f32 v4, v28;
	v7 =	vmul.f32 v7, v29  }
0xfc: {  	[tilespmem:s14+$0xC860] =	vst v39;
	v51 =	vsub.f32 v57, v11;
	v26 =	vmul.f32 v26, v56;
	v6 =	vsub.f32 $1.500000000e+00, v6  }
0xfd: {  	[tilespmem:s14+$0xC870] =	vst v32;
	v25 =	vmul.f32 v25, v63;
	v4 =	vsub.f32 $1.500000000e+00, v4;
	v7 =	vsub.f32 $1.500000000e+00, v7  }
0xfe: {  	[tilespmem:s14+$0xC880] =	vst v30;
	v5 =	vmul.f32 v5, v33;
	v26 =	vsub.f32 v26, v35;
	v6 =	vmul.f32 v6, v27  }
0xff: {  	[tilespmem:s14+$0xC8B0] =	vst v24;
	v25 =	vsub.f32 v25, v40;
	v4 =	vmul.f32 v4, v28;
	v7 =	vmul.f32 v7, v29  }
0x100: {  	v9 =	vsub.f32 v9, v45;
	[tilespmem:s14+$0xC890] =	vst v26;
	v30 =	vmul.f32 v6, v59;
	v26 =	vmul.f32 v6, v60  }
0x101: {  	v8 =	vsub.f32 v8, v51;
	v24 =	vmul.f32 v6, v62;
	[tilespmem:s14+$0xC8A0] =	vst v25;
	s14 =	smov.u32 s16;
	v25 =	vmul.f32 v6, v61  }
0x102: {  	v5 =	vsub.f32 v5, v58;
	v39 =	vmul.f32 v4, v59;
	v35 =	vmul.f32 v4, v60;
	[tilespmem:s14+$0xC8C0] =	vst v9  }
0x103: {  	v34 =	vmul.f32 v4, v61;
	v58 =	vmul.f32 v4, v62;
	[tilespmem:s14+$0xC8D0] =	vst v8  }
0x104: {  	v48 =	vmovc v52;
	v57 =	vmov v53;
	s16 =	sshra.s32 s18, $0x2;
	v53 =	vmul.f32 v7, v59;
	v52 =	vmul.f32 v7, v60;
	[tilespmem:s14+$0xC8E0] =	vst v5  }
0x105: {  	v14 =	vmov v49;
	v49 =	vmul.f32 v7, v61;
	v32 =	vmul.f32 v7, v62;
	v33 =	vld [tilespmem:s16+$0x64C0]  }
0x106: {  	v38 =	vmul.f32 v30, v54;
	v36 =	vmul.f32 v26, v54;
	v47 =	vld [tilespmem:s16+$0x12CC0]  }
0x107: {  	p1 =	sne.s32 s18, $0xC400;
	[tilespmem:$0x1FF70] =	vst v48;
	v41 =	vmul.f32 v24, v54;
	v48 =	vld [tilespmem:s16+$0x64D0];
	v40 =	vmul.f32 v25, v54  }
.Ltmp0:
0x108: {  	v56 =	vld [tilespmem:s16+$0x12CD0];
	v4 =	vmul.f32 v39, v31;
	v5 =	vmul.f32 v35, v31;
	(pc) =	sbr.rel @p1 .LBB2_3-.Ltmp0, $4  }
0x109: {  	[tilespmem:$0x1FF60] =	vst v57;
	v57 =	vld [tilespmem:s16+$0x64E0];
	v50 =	vmul.f32 v34, v31;
	v51 =	vmul.f32 v58, v31  }
0x10a: {  	v59 =	vld [tilespmem:s16+$0x12CE0];
	v46 =	vmul.f32 v53, v55;
	v45 =	vmul.f32 v52, v55  }
0x10b: {  	v60 =	vld [tilespmem:s16+$0x12CF0];
	v44 =	vmul.f32 v49, v55;
	v31 =	vsub.f32 v4, v10;
	v29 =	vsub.f32 v5, v11  }
0x10c: {  	s18 =	sadd.s32 $0x400, s18;
	v37 =	vmul.f32 v32, v55;
	v55 =	vld [tilespmem:s16+$0x64F0];
	v28 =	vsub.f32 v50, v12;
	v27 =	vsub.f32 v51, v13  }
0x10d: {  	v4 =	vld [tilespmem:s16+$0x6400]  }
0x10e: {  	v5 =	vld [tilespmem:s16+$0x12C00]  }
0x10f: {  	v6 =	vld [tilespmem:s16+$0x6410]  }
0x110: {  	v7 =	vld [tilespmem:s16+$0x12C10]  }
0x111: {  	v8 =	vld [tilespmem:s16+$0x6420]  }
0x112: {  	v50 =	vadd.f32 v47, v33;
	v48 =	vadd.f32 v56, v48;
	v9 =	vld [tilespmem:s16+$0x12C20]  }
0x113: {  	v43 =	vld [tilespmem:s16+$0x6430];
	v11 =	vmul.f32 v35, v21;
	v47 =	vadd.f32 v59, v57  }
0x114: {  	v35 =	vld [tilespmem:s16+$0x12C40];
	v42 =	vadd.f32 v48, v50;
	v59 =	vmul.f32 v48, v48;
	v51 =	vadd.f32 v60, v55  }
0x115: {  	v55 =	vmul.f32 v50, v50;
	v10 =	vadd.f32 v5, v4;
	v4 =	vld [tilespmem:s16+$0x12C30];
	v5 =	vmul.f32 v47, v47  }
0x116: {  	v57 =	vadd.f32 v7, v6;
	v6 =	vld [tilespmem:s16+$0x6440];
	v54 =	vadd.f32 v51, v47;
	v60 =	vmul.f32 v51, v51  }
0x117: {  	v56 =	vadd.f32 v9, v8;
	v8 =	vld [tilespmem:s16+$0x6450];
	v63 =	vadd.f32 v59, v55  }
0x118: {  	v7 =	vadd.f32 v54, v42;
	v5 =	vadd.f32 v60, v5;
	v42 =	vld [tilespmem:s16+$0x12C50]  }
0x119: {  	v12 =	vmul.f32 v58, v23;
	v61 =	vmul.f32 v10, v10;
	v60 =	vld [tilespmem:s16+$0x12C70]  }
0x11a: {  	v62 =	vmul.f32 v57, v57;
	v5 =	vadd.f32 v5, v63;
	v55 =	vadd.f32 v4, v43;
	v4 =	vld [tilespmem:s16+$0x6460]  }
0x11b: {  	[tilespmem:$0x1FF30] =	vst v11;
	v11 =	vmul.f32 v34, v22;
	v58 =	vadd.f32 v57, v10;
	v63 =	vperm.xlane v7, v0;
	v43 =	vld [tilespmem:s16+$0x12C60]  }
0x11c: {  	v9 =	vadd.f32 v62, v61;
	v54 =	vadd.f32 v35, v6;
	v6 =	vld [tilespmem:s16+$0x6470];
	v34 =	vperm.xlane v5, v0  }
0x11d: {  	v13 =	vmul.f32 v39, v20;
	[tilespmem:$0x1FF40] =	vst v10;
	v62 =	vld [tilespmem:s16+$0x6490];
	v7 =	vadd.f32 v7, v63;
	v10 =	vadd.f32 v55, v56  }
0x11e: {  	v39 =	vmul.f32 v56, v56;
	v35 =	vmul.f32 v55, v55;
	v63 =	vld [tilespmem:s16+$0x12C90];
	v5 =	vadd.f32 v34, v5  }
0x11f: {  	v61 =	vperm.xlane v7, v1;
	v58 =	vadd.f32 v10, v58;
	v34 =	vadd.f32 v42, v8  }
0x120: {  	v59 =	vld [tilespmem:s16+$0x12C80];
	v39 =	vadd.f32 v35, v39;
	v35 =	vadd.f32 v43, v4  }
0x121: {  	v8 =	vmul.f32 v54, v54;
	v42 =	vld [tilespmem:s16+$0x6480];
	v33 =	vadd.f32 v60, v6;
	v7 =	vadd.f32 v7, v61  }
0x122: {  	v61 =	vperm.xlane v5, v1;
	v21 =	vadd.f32 v34, v54;
	v10 =	vmul.f32 v34, v34  }
0x123: {  	v43 =	vld [tilespmem:s16+$0x64A0];
	v20 =	vadd.f32 v39, v9;
	v60 =	vperm.xlane v58, v0;
	v23 =	vadd.f32 v63, v62  }
0x124: {  	v9 =	vld [tilespmem:s16+$0x12CA0];
	v39 =	vperm.xlane v7, v2;
	v61 =	vadd.f32 v61, v5;
	v22 =	vadd.f32 v10, v8  }
0x125: {  	v6 =	vmul.f32 v33, v33;
	v5 =	vadd.f32 v33, v35;
	v60 =	vadd.f32 v58, v60  }
0x126: {  	v8 =	vmul.f32 v35, v35;
	v58 =	vld [tilespmem:s16+$0x12CB0];
	v42 =	vadd.f32 v59, v42;
	v7 =	vadd.f32 v7, v39  }
0x127: {  	v59 =	vld [tilespmem:s16+$0x64B0];
	v10 =	vperm.xlane v61, v2;
	v39 =	vmul.f32 v53, v18;
	v5 =	vadd.f32 v5, v21  }
0x128: {  	v6 =	vadd.f32 v6, v8;
	v21 =	vmul.f32 v23, v23;
	v63 =	vmul.f32 v42, v42  }
0x129: {  	v18 =	vadd.f32 v9, v43;
	v61 =	vadd.f32 v10, v61;
	v4 =	vperm.xlane v7, v3  }
0x12a: {  	v43 =	vadd.f32 v23, v42;
	v6 =	vadd.f32 v6, v22  }
0x12b: {  	v8 =	vadd.f32 v21, v63;
	v4 =	vadd.f32 v7, v4;
	v62 =	vperm.xlane v61, v3  }
0x12c: {  	v22 =	vmul.f32 v18, v18;
	v7 =	vmul.f32 v52, v19;
	v19 =	vadd.f32 v58, v59  }
0x12d: {  	v63 =	vperm.xlane v6, v0;
	v53 =	vmul.f32 $1.562500000e-02, v4;
	v4 =	vadd.f32 v62, v61  }
0x12e: {  	v61 =	vadd.f32 v19, v18;
	v58 =	vmul.f32 v19, v19;
	v62 =	vperm.xlane v5, v0  }
0x12f: {  	v6 =	vadd.f32 v63, v6;
	v4 =	vmul.f32 $1.562500000e-02, v4;
	v21 =	vmul.f32 v53, v53  }
0x130: {  	v9 =	vadd.f32 v61, v43;
	v22 =	vadd.f32 v58, v22  }
0x131: {  	v5 =	vadd.f32 v5, v62;
	v4 =	vsub.f32 v4, v21;
	v21 =	vperm.xlane v20, v0  }
0x132: {  	v63 =	vperm.xlane v6, v1;
	v8 =	vadd.f32 v22, v8;
	v22 =	vperm.xlane v9, v0  }
0x133: {  	v20 =	vadd.f32 v21, v20;
	v21 =	vperm.xlane v60, v1;
	v4 =	vmax.f32 v4, $0.0e+00  }
0x134: {  	v49 =	vmul.f32 v49, v17;
	v6 =	vadd.f32 v63, v6;
	v4 =	vadd.f32 $9.999999960e-13, v4  }
0x135: {  	v9 =	vadd.f32 v9, v22;
	v17 =	vadd.f32 v60, v21;
	v21 =	vperm.xlane v5, v1  }
0x136: {  	v43 =	vperm.xlane v8, v0;
	v22 =	vshra.s32 v4, $0x1;
	v4 =	vmul.f32 $5.000000000e-01, v4  }
0x137: {  	v60 =	vperm.xlane v20, v1;
	v22 =	vsub.s32 $0x5F3759DF, v22;
	v5 =	vadd.f32 v5, v21  }
0x138: {  	v8 =	vadd.f32 v43, v8;
	v21 =	vperm.xlane v9, v1;
	v61 =	vmul.f32 v22, v4  }
0x139: {  	v62 =	vperm.xlane v17, v2;
	v20 =	vadd.f32 v60, v20;
	v43 =	vperm.xlane v5, v2  }
0x13a: {  	v60 =	vperm.xlane v8, v1;
	v9 =	vadd.f32 v9, v21;
	v21 =	vmul.f32 v22, v61  }
0x13b: {  	v17 =	vadd.f32 v17, v62;
	v62 =	vperm.xlane v20, v2;
	v5 =	vadd.f32 v5, v43  }
0x13c: {  	v63 =	vperm.xlane v6, v2;
	v8 =	vadd.f32 v60, v8;
	v21 =	vsub.f32 $1.500000000e+00, v21  }
0x13d: {  	v61 =	vperm.xlane v9, v2;
	v20 =	vadd.f32 v62, v20;
	v60 =	vperm.xlane v5, v3  }
0x13e: {  	v6 =	vadd.f32 v63, v6;
	v21 =	vmul.f32 v22, v21;
	v22 =	vperm.xlane v17, v3  }
0x13f: {  	v43 =	vperm.xlane v8, v2;
	v9 =	vadd.f32 v9, v61;
	v61 =	vperm.xlane v20, v3  }
0x140: {  	v62 =	vperm.xlane v6, v3;
	v5 =	vadd.f32 v5, v60;
	v17 =	vadd.f32 v17, v22  }
0x141: {  	v20 =	vadd.f32 v61, v20;
	v4 =	vmul.f32 v21, v4;
	v22 =	vperm.xlane v9, v3  }
0x142: {  	v8 =	vadd.f32 v43, v8;
	v52 =	vmul.f32 $1.562500000e-02, v5;
	v59 =	vmul.f32 $1.562500000e-02, v17  }
0x143: {  	v5 =	vadd.f32 v62, v6;
	v63 =	vmul.f32 $1.562500000e-02, v20;
	v4 =	vmul.f32 v4, v21  }
0x144: {  	v62 =	vld [tilespmem:$0x1FFB0];
	v9 =	vadd.f32 v9, v22;
	v22 =	vperm.xlane v8, v3;
	v43 =	vmul.f32 v59, v59  }
0x145: {  	v5 =	vmul.f32 $1.562500000e-02, v5;
	v20 =	vmul.f32 v52, v52;
	v4 =	vsub.f32 $1.500000000e+00, v4  }
0x146: {  	v17 =	vmul.f32 $1.562500000e-02, v9;
	v8 =	vadd.f32 v22, v8;
	v6 =	vsub.f32 v63, v43;
	v43 =	vld [tilespmem:$0x1FF30]  }
0x147: {  	v5 =	vsub.f32 v5, v20;
	v4 =	vmul.f32 v4, v21  }
0x148: {  	v8 =	vmul.f32 $1.562500000e-02, v8;
	v58 =	vmul.f32 v17, v17  }
0x149: {  	v21 =	vsub.f32 v13, v31;
	v63 =	vld [tilespmem:$0x1FFC0];
	v5 =	vmax.f32 v5, $0.0e+00;
	v22 =	vmul.f32 v4, v62  }
0x14a: {  	v6 =	vmax.f32 v6, $0.0e+00;
	v8 =	vsub.f32 v8, v58;
	v5 =	vadd.f32 $9.999999960e-13, v5  }
0x14b: {  	v6 =	vadd.f32 $9.999999960e-13, v6;
	v58 =	vmul.f32 v22, v53;
	v20 =	vsub.f32 v43, v29;
	v43 =	vld [tilespmem:$0x1FFF0]  }
0x14c: {  	v22 =	vmul.f32 v22, v51;
	v8 =	vmax.f32 v8, $0.0e+00;
	v31 =	vshra.s32 v5, $0x1  }
0x14d: {  	v5 =	vmul.f32 $5.000000000e-01, v5;
	v8 =	vadd.f32 $9.999999960e-13, v8;
	v29 =	vshra.s32 v6, $0x1  }
0x14e: {  	v6 =	vmul.f32 $5.000000000e-01, v6;
	v31 =	vsub.s32 $0x5F3759DF, v31;
	v46 =	vsub.f32 v46, v63  }
0x14f: {  	v29 =	vsub.s32 $0x5F3759DF, v29;
	v60 =	vshra.s32 v8, $0x1;
	v8 =	vmul.f32 $5.000000000e-01, v8  }
0x150: {  	v10 =	vld [tilespmem:$0x1FFD0];
	v51 =	vsub.s32 $0x5F3759DF, v60;
	v9 =	vsub.f32 v58, v43;
	v58 =	vmul.f32 v29, v6  }
0x151: {  	v39 =	vsub.f32 v39, v46;
	v46 =	vld [tilespmem:$0x1FF60];
	v60 =	vmul.f32 v31, v5;
	v61 =	vmul.f32 v51, v8  }
0x152: {  	v9 =	vsub.f32 v22, v9;
	v22 =	vsub.f32 v12, v27;
	v27 =	vmul.f32 v29, v58  }
0x153: {  	v28 =	vsub.f32 v11, v28;
	v11 =	vld [tilespmem:$0x1FFE0];
	v58 =	vmul.f32 v31, v60;
	v60 =	vmul.f32 v51, v61  }
0x154: {  	v15 =	vmul.f32 v32, v15;
	v16 =	vmul.f32 v30, v16;
	v12 =	vld [tilespmem:$0x1FF70]  }
0x155: {  	v14 =	vmul.f32 v24, v14;
	v27 =	vsub.f32 $1.500000000e+00, v27;
	v61 =	vsub.f32 $1.500000000e+00, v60  }
0x156: {  	v32 =	vsub.f32 v45, v10;
	v13 =	vmul.f32 v26, v46;
	v30 =	vsub.f32 $1.500000000e+00, v58;
	v58 =	vld [tilespmem:$0x1FF90]  }
0x157: {  	v36 =	vsub.f32 v36, v10;
	v26 =	vmul.f32 v29, v27;
	v29 =	vmul.f32 v51, v61;
	v51 =	vld [tilespmem:$0x1FF80]  }
0x158: {  	v7 =	vsub.f32 v7, v32;
	v32 =	vsub.f32 v38, v63;
	v27 =	vmul.f32 v31, v30  }
0x159: {  	v38 =	vsub.f32 v40, v11;
	v40 =	vsub.f32 v41, v43;
	v60 =	vld [tilespmem:$0x1FFA0];
	v12 =	vmul.f32 v25, v12  }
0x15a: {  	v13 =	vsub.f32 v13, v36;
	v6 =	vmul.f32 v26, v6;
	v5 =	vmul.f32 v27, v5  }
0x15b: {  	v30 =	vsub.f32 v44, v11;
	v8 =	vmul.f32 v29, v8;
	v24 =	vmul.f32 v4, v58  }
0x15c: {  	v31 =	vsub.f32 v37, v43;
	v6 =	vmul.f32 v6, v26;
	v25 =	vmul.f32 v4, v51  }
0x15d: {  	[tilespmem:s14+$0xC810] =	vst v20;
	v20 =	vsub.f32 v49, v30;
	v5 =	vmul.f32 v5, v27;
	v8 =	vmul.f32 v8, v29  }
0x15e: {  	v4 =	vmul.f32 v4, v60;
	v6 =	vsub.f32 $1.500000000e+00, v6;
	v37 =	vmul.f32 v25, v50  }
0x15f: {  	v5 =	vsub.f32 $1.500000000e+00, v5;
	v25 =	vmul.f32 v25, v53;
	v50 =	vmul.f32 v24, v48  }
0x160: {  	v8 =	vsub.f32 $1.500000000e+00, v8;
	v24 =	vmul.f32 v24, v53;
	v61 =	vmul.f32 v4, v53  }
0x161: {  	[tilespmem:s14+$0xC820] =	vst v28;
	v15 =	vsub.f32 v15, v31;
	v4 =	vmul.f32 v4, v47;
	v6 =	vmul.f32 v6, v26  }
0x162: {  	[tilespmem:s14+$0xC800] =	vst v21;
	v12 =	vsub.f32 v12, v38;
	v5 =	vmul.f32 v5, v27;
	v8 =	vmul.f32 v8, v29  }
0x163: {  	[tilespmem:s16+$0xC8F0] =	vst v9;
	v47 =	vsub.f32 v16, v32;
	v26 =	vmul.f32 v6, v51;
	v27 =	vmul.f32 v6, v58  }
0x164: {  	[tilespmem:s14+$0xC830] =	vst v22;
	v48 =	vsub.f32 v14, v40;
	v16 =	vmul.f32 v6, v60;
	v6 =	vmul.f32 v6, v62  }
0x165: {  	[tilespmem:s14+$0xC840] =	vst v39;
	v25 =	vsub.f32 v25, v63;
	v22 =	vmul.f32 v5, v51;
	v28 =	vmul.f32 v5, v58  }
0x166: {  	[tilespmem:s14+$0xC850] =	vst v7;
	v21 =	vsub.f32 v24, v10;
	v29 =	vmul.f32 v5, v60;
	v5 =	vmul.f32 v5, v62  }
0x167: {  	[tilespmem:s14+$0xC890] =	vst v13;
	v24 =	vsub.f32 v61, v11;
	v14 =	vmul.f32 v8, v51;
	v30 =	vmul.f32 v8, v58  }
0x168: {  	[tilespmem:s14+$0xC860] =	vst v20;
	v20 =	vsub.f32 v37, v25;
	v25 =	vmul.f32 v8, v60;
	v8 =	vmul.f32 v8, v62  }
0x169: {  	[tilespmem:s14+$0xC870] =	vst v15;
	v61 =	vld [tilespmem:$0x1FF40];
	v15 =	vsub.f32 v50, v21;
	v21 =	vmul.f32 v26, v59;
	v31 =	vmul.f32 v27, v59  }
0x16a: {  	[tilespmem:s14+$0xC8A0] =	vst v12;
	v4 =	vsub.f32 v4, v24;
	v49 =	vmul.f32 v16, v59;
	v24 =	vmul.f32 v6, v59  }
0x16b: {  	[tilespmem:s14+$0xC880] =	vst v47;
	v50 =	vmul.f32 v28, v52;
	v59 =	vmul.f32 v14, v17  }
0x16c: {  	[tilespmem:s14+$0xC8B0] =	vst v48;
	v27 =	vmul.f32 v27, v57;
	v16 =	vmul.f32 v16, v56  }
0x16d: {  	v6 =	vmul.f32 v6, v55;
	[tilespmem:s16+$0xC8C0] =	vst v20;
	v20 =	vmul.f32 v30, v17  }
0x16e: {  	[tilespmem:s16+$0xC8D0] =	vst v15;
	v15 =	vmul.f32 v25, v17;
	v13 =	vsub.f32 v21, v63;
	v26 =	vmul.f32 v26, v61  }
0x16f: {  	[tilespmem:s16+$0xC8E0] =	vst v4;
	v4 =	vmul.f32 v8, v17;
	v8 =	vmul.f32 v8, v19;
	v12 =	vsub.f32 v31, v10  }
0x170: {  	v21 =	vmul.f32 v22, v52;
	v53 =	vsub.f32 v49, v11;
	v13 =	vsub.f32 v26, v13  }
0x171: {  	v31 =	vmul.f32 v29, v52;
	v24 =	vsub.f32 v24, v43;
	v12 =	vsub.f32 v27, v12  }
0x172: {  	v52 =	vmul.f32 v5, v52;
	v4 =	vsub.f32 v4, v43;
	v7 =	vsub.f32 v16, v53;
	[tilespmem:s16+$0xC800] =	vst v13  }
0x173: {  	v17 =	vsub.f32 v21, v63;
	v21 =	vmul.f32 v22, v54;
	v6 =	vsub.f32 v6, v24;
	[tilespmem:s16+$0xC810] =	vst v12  }
0x174: {  	v16 =	vmul.f32 v28, v34;
	v4 =	vsub.f32 v8, v4;
	v13 =	vsub.f32 v50, v10;
	[tilespmem:s16+$0xC820] =	vst v7  }
0x175: {  	v22 =	vmul.f32 v29, v35;
	v12 =	vsub.f32 v31, v11;
	v32 =	vsub.f32 v21, v17;
	[tilespmem:s16+$0xC830] =	vst v6  }
0x176: {  	v5 =	vmul.f32 v5, v33;
	v17 =	vsub.f32 v52, v43;
	[tilespmem:s16+$0xC8B0] =	vst v4;
	v33 =	vsub.f32 v16, v13  }
0x177: {  	v9 =	vsub.f32 v59, v63;
	v13 =	vmul.f32 v14, v42;
	[tilespmem:s16+$0xC840] =	vst v32;
	v34 =	vsub.f32 v22, v12  }
0x178: {  	v35 =	vmul.f32 v30, v23;
	v12 =	vsub.f32 v20, v10;
	v5 =	vsub.f32 v5, v17;
	[tilespmem:s16+$0xC850] =	vst v33  }
0x179: {  	v14 =	vsub.f32 v15, v11;
	v15 =	vmul.f32 v25, v18;
	[tilespmem:s16+$0xC860] =	vst v34;
	v36 =	vsub.f32 v13, v9  }
0x17a: {  	[tilespmem:s16+$0xC870] =	vst v5;
	v5 =	vsub.f32 v35, v12  }
0x17b: {  	s19 =	sadd.s32 s6, s13;
	v37 =	vsub.f32 v15, v14;
	[tilespmem:s16+$0xC880] =	vst v36  }
0x17c: {  	s14 =	sshll.u32 s19, $0x3;
	[tilespmem:s16+$0xC890] =	vst v5  }
0x17d: {  	p1 =	seq.s32 s3, $0x3F;
	s14 =	sadd.s32 s4, s14;
	[tilespmem:s16+$0xC8A0] =	vst v37  }
0x17e: {  	[hbm4b:s14+s5] =	stream.linear.scatter [tilespmem:s29], [sflag:$0x3], $0x3200, $0x38;
	[tilespmem:$0x15E80] =	vst v63  }
0x17f: {  	s18 =	simm.s32 @!p1 $0x6400;
	s16 =	simm.s32 @!p1 $0x30;
	s14 =	sadd.s32 @!p1 $0x190, s13  }
0x180: {  	[tilespmem:s18], [sflag:$0x1] =	stream.indirect.gather @!p1 [hbm4b:s7+s16], $0x40, s14, s16, $0xb8;
	[tilespmem:$0x15E80] =	vst v63  }
0x181: {  	s19 =	simm.s32 @!p1 $0x7000;
	s14 =	sadd.s32 @!p1 $0x1C0, s13;
	s18 =	simm.s32 @!p1 $0x38  }
0x182: {  	[tilespmem:s19], [sflag:$0x1] =	stream.indirect.gather @!p1 [hbm4b:s7+s18], $0x40, s14, s18, $0xb8;
	[tilespmem:$0x15E80] =	vst v63  }
0x183: {  	s14 =	sadd.s32 @!p1 $0x1F8, s13;
	s18 =	simm.s32 @!p1 $0x7E00  }
0x184: {  	[tilespmem:s18], [sflag:$0x1] =	stream.indirect.gather @!p1 [hbm4b:s7+s16], $0x40, s14, s16, $0xb8;
	[tilespmem:$0x15E80] =	vst v63  }
0x185: {  	s13 =	sadd.s32 @!p1 $0x228, s13;
	s14 =	simm.s32 @!p1 $0x8A00  }
0x186: {  	[tilespmem:s14], [sflag:$0x1] =	stream.indirect.gather @!p1 [hbm4b:s7+s16], $0x40, s13, s16, $0xb8;
	[tilespmem:$0x15E80] =	vst v63  }
0x187: {  	_ =	swait.ge [sflag:s30], $0xC00  }
0x188: {  	[sflag:s30] =	ssyncset.done $0x0  }
0x189: {  	[sflag:s30] =	ssyncadd.s32 $0xFFFFF400  }
0x18a: {  	_ =	swait.ge [sflag:s30], $0xE00  }
0x18b: {  	[sflag:s30] =	ssyncset.done $0x0  }
0x18c: {  	[sflag:s30] =	ssyncadd.s32 $0xFFFFF200  }
0x18d: {  	_ =	swait.ge [sflag:s30], $0xC00  }
0x18e: {  	[sflag:s30] =	ssyncset.done $0x0  }
0x18f: {  	[sflag:s30] =	ssyncadd.s32 $0xFFFFF400  }
0x190: {  	_ =	swait.ge [sflag:s30], $0xC00  }
0x191: {  	[sflag:s30] =	ssyncset.done $0x0  }
0x192: {  	s13 =	simm.s32 @!p0 $0x4;
	[sflag:s30] =	ssyncadd.s32 $0xFFFFF400  }
0x193: {  	_ =	swait.ge @!p0 [sflag:s13], $0x3200  }
0x194: {  	[sflag:s13] =	ssyncset.done @!p0 $0x0  }
0x195: {  	[sflag:s13] =	ssyncadd.s32 @!p0 $0xFFFFCE00;
	s13 =	simm.s32 $0x0  }
0x196: {  	v4 =	vld [tilespmem:s13+$0x96C0]  }
0x197: {  	v5 =	vld [tilespmem:s13+$0x12CC0]  }
0x198: {  	v38 =	vld [tilespmem:s13+$0x96D0]  }
0x199: {  	v39 =	vld [tilespmem:s13+$0x12CD0]  }
0x19a: {  	v40 =	vld [tilespmem:s13+$0x96E0]  }
0x19b: {  	v41 =	vld [tilespmem:s13+$0x12CE0]  }
0x19c: {  	v12 =	vld [tilespmem:s13+$0x96F0]  }
0x19d: {  	v13 =	vld [tilespmem:s13+$0x12CF0]  }
0x19e: {  	v14 =	vld [tilespmem:s13+$0x9600]  }
0x19f: {  	v15 =	vld [tilespmem:s13+$0x12C00]  }
0x1a0: {  	v16 =	vld [tilespmem:s13+$0x9610]  }
0x1a1: {  	v17 =	vld [tilespmem:s13+$0x12C10]  }
0x1a2: {  	v42 =	vld [tilespmem:s13+$0x9630]  }
0x1a3: {  	v45 =	vld [tilespmem:s13+$0x12C40];
	v26 =	vadd.f32 v5, v4;
	v25 =	vadd.f32 v39, v38  }
0x1a4: {  	v4 =	vld [tilespmem:s13+$0x9620];
	v24 =	vadd.f32 v41, v40;
	v27 =	vadd.f32 v13, v12  }
0x1a5: {  	v5 =	vld [tilespmem:s13+$0x12C20];
	v20 =	vadd.f32 v15, v14;
	v6 =	vadd.f32 v25, v26  }
0x1a6: {  	v13 =	vld [tilespmem:s13+$0x12C30];
	v8 =	vadd.f32 v27, v24;
	v44 =	vmul.f32 v26, v26;
	v12 =	vmul.f32 v25, v25  }
0x1a7: {  	v21 =	vadd.f32 v17, v16;
	v16 =	vld [tilespmem:s13+$0x9640];
	v14 =	vmul.f32 v24, v24;
	v15 =	vmul.f32 v27, v27  }
0x1a8: {  	v6 =	vadd.f32 v8, v6  }
0x1a9: {  	v46 =	vld [tilespmem:s13+$0x9660];
	v9 =	vadd.f32 v12, v44;
	v12 =	vadd.f32 v15, v14  }
0x1aa: {  	v14 =	vmul.f32 v20, v20;
	v15 =	vld [tilespmem:s13+$0x12C50];
	v22 =	vadd.f32 v5, v4;
	v5 =	vmul.f32 v21, v21  }
0x1ab: {  	v4 =	vld [tilespmem:s13+$0x9650];
	v23 =	vadd.f32 v13, v42;
	v9 =	vadd.f32 v12, v9;
	v12 =	vperm.xlane v6, v0  }
0x1ac: {  	v47 =	vld [tilespmem:s13+$0x9670];
	v18 =	vadd.f32 v45, v16;
	v5 =	vadd.f32 v5, v14;
	v14 =	vmul.f32 v22, v22  }
0x1ad: {  	v13 =	vld [tilespmem:s13+$0x12C60];
	v16 =	vmul.f32 v23, v23;
	v6 =	vadd.f32 v6, v12;
	v12 =	vperm.xlane v9, v0  }
0x1ae: {  	v28 =	vld [tilespmem:s13+$0x12C70];
	v17 =	vadd.f32 v21, v20;
	v19 =	vadd.f32 v23, v22  }
0x1af: {  	v30 =	vld [tilespmem:s13+$0x12C80];
	v14 =	vadd.f32 v16, v14;
	v9 =	vadd.f32 v12, v9  }
0x1b0: {  	v29 =	vperm.xlane v6, v1;
	v12 =	vadd.f32 v19, v17;
	v19 =	vadd.f32 v15, v4;
	v15 =	vld [tilespmem:s13+$0x9680]  }
0x1b1: {  	v4 =	vmul.f32 v18, v18;
	v5 =	vadd.f32 v14, v5;
	v14 =	vld [tilespmem:s13+$0x12C90];
	v16 =	vperm.xlane v9, v1  }
0x1b2: {  	v17 =	vadd.f32 v13, v46;
	v6 =	vadd.f32 v6, v29;
	v13 =	vmul.f32 v19, v19;
	v29 =	vld [tilespmem:s13+$0x9690]  }
0x1b3: {  	v48 =	vadd.f32 v19, v18;
	v59 =	vperm.xlane v5, v0;
	v9 =	vadd.f32 v16, v9  }
0x1b4: {  	v31 =	vperm.xlane v6, v2;
	v16 =	vadd.f32 v28, v47;
	v4 =	vadd.f32 v13, v4  }
0x1b5: {  	v50 =	vld [tilespmem:s13+$0x12CA0];
	v13 =	vperm.xlane v12, v0;
	v15 =	vadd.f32 v30, v15;
	v5 =	vadd.f32 v59, v5  }
0x1b6: {  	v28 =	vld [tilespmem:s13+$0x96A0];
	v6 =	vadd.f32 v6, v31;
	v31 =	vperm.xlane v9, v2;
	v52 =	vadd.f32 v16, v17  }
0x1b7: {  	v55 =	vld [tilespmem:s13+$0x12CB0];
	v49 =	vmul.f32 v17, v17;
	v54 =	vadd.f32 v12, v13;
	v13 =	vadd.f32 v14, v29  }
0x1b8: {  	v30 =	vld [tilespmem:s13+$0x96B0];
	v53 =	vmul.f32 v16, v16;
	v12 =	vperm.xlane v6, v3;
	v9 =	vadd.f32 v31, v9  }
0x1b9: {  	v29 =	vmul.f32 v15, v15;
	v7 =	vadd.f32 v52, v48;
	v31 =	vmul.f32 v13, v13  }
0x1ba: {  	v8 =	vadd.f32 v53, v49;
	v6 =	vadd.f32 v6, v12;
	v14 =	vperm.xlane v9, v3  }
0x1bb: {  	v12 =	vadd.f32 v50, v28;
	v56 =	vadd.f32 v31, v29  }
0x1bc: {  	v31 =	vperm.xlane v7, v0;
	v6 =	vmul.f32 $1.562500000e-02, v6;
	v9 =	vadd.f32 v14, v9  }
0x1bd: {  	v28 =	vadd.f32 v13, v15;
	v14 =	vadd.f32 v55, v30  }
0x1be: {  	v7 =	vadd.f32 v7, v31;
	v9 =	vmul.f32 $1.562500000e-02, v9;
	v29 =	vmul.f32 v6, v6  }
0x1bf: {  	v30 =	vmul.f32 v12, v12;
	v32 =	vadd.f32 v14, v12;
	v57 =	vmul.f32 v14, v14  }
0x1c0: {  	v4 =	vadd.f32 v8, v4;
	v38 =	vperm.xlane v7, v1;
	v9 =	vsub.f32 v9, v29  }
0x1c1: {  	v61 =	vperm.xlane v54, v1;
	v28 =	vadd.f32 v32, v28;
	v30 =	vadd.f32 v57, v30  }
0x1c2: {  	v29 =	vperm.xlane v4, v0;
	v7 =	vadd.f32 v7, v38;
	v9 =	vmax.f32 v9, $0.0e+00  }
0x1c3: {  	v31 =	vperm.xlane v28, v0;
	v8 =	vadd.f32 v30, v56;
	v30 =	vadd.f32 v54, v61  }
0x1c4: {  	v4 =	vadd.f32 v29, v4;
	v9 =	vadd.f32 $9.999999960e-13, v9  }
0x1c5: {  	v45 =	vperm.xlane v7, v2;
	v28 =	vadd.f32 v28, v31;
	v31 =	vperm.xlane v5, v1  }
0x1c6: {  	v39 =	vperm.xlane v8, v0;
	v42 =	vperm.xlane v4, v1  }
0x1c7: {  	v44 =	vperm.xlane v30, v2;
	v29 =	vmul.f32 $5.000000000e-01, v9;
	v9 =	vshra.s32 v9, $0x1  }
0x1c8: {  	v7 =	vadd.f32 v7, v45;
	v9 =	vsub.s32 $0x5F3759DF, v9;
	v8 =	vadd.f32 v39, v8  }
0x1c9: {  	v40 =	vperm.xlane v28, v1;
	v5 =	vadd.f32 v31, v5;
	v4 =	vadd.f32 v42, v4  }
0x1ca: {  	v30 =	vadd.f32 v30, v44;
	v41 =	vmul.f32 v9, v29;
	v46 =	vperm.xlane v8, v1  }
0x1cb: {  	v28 =	vadd.f32 v28, v40;
	v48 =	vperm.xlane v5, v2;
	v49 =	vperm.xlane v4, v2  }
0x1cc: {  	v52 =	vperm.xlane v7, v3;
	v31 =	vmul.f32 v9, v41;
	v8 =	vadd.f32 v46, v8  }
0x1cd: {  	v47 =	vperm.xlane v28, v2;
	v5 =	vadd.f32 v48, v5;
	v4 =	vadd.f32 v49, v4  }
0x1ce: {  	v7 =	vadd.f32 v7, v52;
	v31 =	vsub.f32 $1.500000000e+00, v31;
	v50 =	vperm.xlane v8, v2  }
0x1cf: {  	v28 =	vadd.f32 v28, v47;
	v53 =	vperm.xlane v5, v3;
	v54 =	vperm.xlane v4, v3  }
0x1d0: {  	v9 =	vmul.f32 v9, v31;
	v31 =	vperm.xlane v30, v3;
	v8 =	vadd.f32 v50, v8  }
0x1d1: {  	v7 =	vmul.f32 $1.562500000e-02, v7;
	v5 =	vadd.f32 v53, v5;
	v4 =	vadd.f32 v54, v4  }
0x1d2: {  	v29 =	vmul.f32 v9, v29;
	v30 =	vadd.f32 v30, v31;
	v31 =	vperm.xlane v28, v3  }
0x1d3: {  	v5 =	vmul.f32 $1.562500000e-02, v5;
	v4 =	vmul.f32 $1.562500000e-02, v4  }
0x1d4: {  	v28 =	vadd.f32 v28, v31;
	v31 =	vperm.xlane v8, v3;
	v35 =	vmul.f32 $1.562500000e-02, v30  }
0x1d5: {  	v29 =	vmul.f32 v29, v9;
	v30 =	vmul.f32 v7, v7  }
0x1d6: {  	v38 =	vmul.f32 $1.562500000e-02, v28;
	v8 =	vadd.f32 v31, v8;
	v28 =	vmul.f32 v35, v35  }
0x1d7: {  	v29 =	vsub.f32 $1.500000000e+00, v29;
	v4 =	vsub.f32 v4, v30  }
0x1d8: {  	v5 =	vsub.f32 v5, v28;
	v8 =	vmul.f32 $1.562500000e-02, v8;
	v28 =	vmul.f32 v38, v38  }
0x1d9: {  	v9 =	vmul.f32 v29, v9;
	v4 =	vmax.f32 v4, $0.0e+00  }
0x1da: {  	v4 =	vadd.f32 $9.999999960e-13, v4;
	v5 =	vmax.f32 v5, $0.0e+00;
	v8 =	vsub.f32 v8, v28  }
0x1db: {  	v28 =	vmul.f32 v9, v62;
	v5 =	vadd.f32 $9.999999960e-13, v5  }
0x1dc: {  	v29 =	vmul.f32 v9, v51;
	v31 =	vshra.s32 v4, $0x1;
	v8 =	vmax.f32 v8, $0.0e+00  }
0x1dd: {  	v8 =	vadd.f32 $9.999999960e-13, v8;
	v30 =	vshra.s32 v5, $0x1;
	v5 =	vmul.f32 $5.000000000e-01, v5  }
0x1de: {  	v4 =	vmul.f32 $5.000000000e-01, v4;
	v31 =	vsub.s32 $0x5F3759DF, v31;
	v30 =	vsub.s32 $0x5F3759DF, v30  }
0x1df: {  	v55 =	vshra.s32 v8, $0x1;
	v8 =	vmul.f32 $5.000000000e-01, v8;
	v56 =	vmul.f32 v30, v5  }
0x1e0: {  	v42 =	vmul.f32 v9, v58;
	v57 =	vmul.f32 v31, v4;
	v32 =	vsub.s32 $0x5F3759DF, v55  }
0x1e1: {  	v59 =	vmul.f32 v32, v8;
	v33 =	vmul.f32 v30, v56  }
0x1e2: {  	v61 =	vmul.f32 v28, v6;
	v34 =	vmul.f32 v31, v57  }
0x1e3: {  	v27 =	vmul.f32 v28, v27;
	v36 =	vmul.f32 v32, v59;
	v28 =	vsub.f32 $1.500000000e+00, v33  }
0x1e4: {  	v9 =	vmul.f32 v9, v60;
	v46 =	vmul.f32 v29, v6;
	v44 =	vsub.f32 $1.500000000e+00, v34  }
0x1e5: {  	v48 =	vmul.f32 v42, v6;
	v45 =	vsub.f32 $1.500000000e+00, v36;
	v28 =	vmul.f32 v30, v28  }
0x1e6: {  	v6 =	vmul.f32 v9, v6;
	v30 =	vmul.f32 v31, v44  }
0x1e7: {  	v31 =	vmul.f32 v32, v45;
	v5 =	vmul.f32 v28, v5  }
0x1e8: {  	v26 =	vmul.f32 v29, v26;
	v4 =	vmul.f32 v30, v4  }
0x1e9: {  	v8 =	vmul.f32 v31, v8;
	v5 =	vmul.f32 v5, v28  }
0x1ea: {  	v25 =	vmul.f32 v42, v25;
	v4 =	vmul.f32 v4, v30  }
0x1eb: {  	v47 =	vsub.f32 v61, v43;
	v8 =	vmul.f32 v8, v31;
	v5 =	vsub.f32 $1.500000000e+00, v5  }
0x1ec: {  	v9 =	vmul.f32 v9, v24;
	v49 =	vsub.f32 v46, v63;
	v4 =	vsub.f32 $1.500000000e+00, v4  }
0x1ed: {  	v6 =	vsub.f32 v6, v11;
	v8 =	vsub.f32 $1.500000000e+00, v8;
	v5 =	vmul.f32 v5, v28  }
0x1ee: {  	v27 =	vsub.f32 v27, v47;
	v24 =	vsub.f32 v26, v49;
	v4 =	vmul.f32 v4, v30  }
0x1ef: {  	v33 =	vsub.f32 v48, v10;
	v8 =	vmul.f32 v8, v31;
	v42 =	vmul.f32 v5, v51  }
0x1f0: {  	v6 =	vsub.f32 v9, v6;
	[tilespmem:s13+$0xFAF0] =	vst v27;
	v40 =	vmul.f32 v5, v58;
	v53 =	vmul.f32 v5, v60  }
0x1f1: {  	[tilespmem:s13+$0xFAC0] =	vst v24;
	v25 =	vsub.f32 v25, v33;
	v45 =	vmul.f32 v5, v62;
	v46 =	vmul.f32 v4, v51  }
0x1f2: {  	[tilespmem:s13+$0xFAE0] =	vst v6;
	v52 =	vmul.f32 v4, v58;
	v49 =	vmul.f32 v4, v60  }
0x1f3: {  	s14 =	simm.s32 $0x100;
	[tilespmem:s13+$0xFAD0] =	vst v25;
	v34 =	vmul.f32 v4, v62;
	v30 =	vmul.f32 v8, v51  }
0x1f4: {  	v47 =	vld [tilespmem:s14+$0x96C0];
	v26 =	vmul.f32 v8, v58;
	v25 =	vmul.f32 v8, v60  }
0x1f5: {  	v48 =	vld [tilespmem:s14+$0x12CC0];
	v24 =	vmul.f32 v8, v62;
	v4 =	vmul.f32 v42, v35  }
0x1f6: {  	v56 =	vld [tilespmem:s14+$0x96D0];
	v5 =	vmul.f32 v40, v35;
	v50 =	vmul.f32 v53, v35  }
0x1f7: {  	v57 =	vld [tilespmem:s14+$0x12CD0];
	v51 =	vmul.f32 v45, v35;
	v44 =	vmul.f32 v46, v7  }
0x1f8: {  	v59 =	vld [tilespmem:s14+$0x12CE0];
	v39 =	vmul.f32 v52, v7;
	v37 =	vmul.f32 v49, v7  }
0x1f9: {  	v55 =	vld [tilespmem:s14+$0x96F0];
	v36 =	vmul.f32 v34, v7;
	v31 =	vsub.f32 v4, v63;
	v29 =	vsub.f32 v5, v10  }
0x1fa: {  	[tilespmem:$0x1FF50] =	vst v13;
	v58 =	vld [tilespmem:s14+$0x96E0];
	v28 =	vsub.f32 v50, v11;
	v33 =	vmul.f32 v30, v38;
	v32 =	vmul.f32 v26, v38  }
0x1fb: {  	s16 =	simm.s32 $0x800;
	v13 =	vmovc v12;
	v60 =	vld [tilespmem:s14+$0x12CF0];
	v27 =	vsub.f32 v51, v43;
	v41 =	vmul.f32 v25, v38;
	v35 =	vmul.f32 v24, v38  }
.LBB2_5:
0x1fc: {  	v11 =	vld [tilespmem:$0x1FFD0]  }
0x1fd: {  	v63 =	vld [tilespmem:$0x1FFE0]  }
0x1fe: {  	v12 =	vld [tilespmem:$0x1FFF0]  }
0x1ff: {  	v10 =	vld [tilespmem:$0x1FFC0]  }
0x200: {  	v54 =	vmul.f32 v42, v20  }
0x201: {  	v4 =	vld [tilespmem:s14+$0x9600]  }
0x202: {  	v5 =	vld [tilespmem:s14+$0x12C00];
	v31 =	vsub.f32 v54, v31;
	v42 =	vsub.f32 v39, v11  }
0x203: {  	v50 =	vmul.f32 v40, v21;
	v6 =	vld [tilespmem:s14+$0x9610];
	v40 =	vsub.f32 v37, v63;
	v38 =	vsub.f32 v36, v12  }
0x204: {  	v51 =	vmul.f32 v53, v22;
	v7 =	vld [tilespmem:s14+$0x12C10];
	v39 =	vsub.f32 v33, v10;
	v36 =	vsub.f32 v32, v11  }
0x205: {  	v45 =	vmul.f32 v45, v23;
	v8 =	vld [tilespmem:s14+$0x9620];
	v37 =	vadd.f32 v48, v47;
	v33 =	vadd.f32 v57, v56  }
0x206: {  	v9 =	vld [tilespmem:s14+$0x12C20];
	v32 =	vadd.f32 v59, v58;
	v48 =	vadd.f32 v60, v55;
	v47 =	vmul.f32 v46, v18  }
0x207: {  	v46 =	vmul.f32 v52, v19;
	v19 =	vld [tilespmem:s14+$0x9630];
	v20 =	vadd.f32 v5, v4;
	v18 =	vadd.f32 v33, v37  }
0x208: {  	v4 =	vld [tilespmem:s14+$0x12C30];
	v22 =	vadd.f32 v48, v32;
	v23 =	vmul.f32 v37, v37;
	v56 =	vmul.f32 v33, v33  }
0x209: {  	v43 =	vsub.f32 v44, v10;
	v58 =	vld [tilespmem:s14+$0x9640];
	v5 =	vmul.f32 v32, v32;
	v57 =	vmul.f32 v48, v48  }
0x20a: {  	v21 =	vadd.f32 v7, v6;
	v44 =	vmul.f32 v49, v17;
	v49 =	vld [tilespmem:s14+$0x9650];
	v59 =	vadd.f32 v22, v18  }
0x20b: {  	v34 =	vmul.f32 v34, v16;
	v18 =	vld [tilespmem:s14+$0x12C40];
	v23 =	vadd.f32 v56, v23;
	v5 =	vadd.f32 v57, v5  }
0x20c: {  	v52 =	vld [tilespmem:s14+$0x12C50];
	v17 =	vmul.f32 v20, v20;
	v60 =	vmul.f32 v21, v21;
	v22 =	vadd.f32 v9, v8  }
0x20d: {  	v55 =	vld [tilespmem:s14+$0x12C60];
	v5 =	vadd.f32 v5, v23;
	v61 =	vperm.xlane v59, v0;
	v23 =	vadd.f32 v4, v19  }
0x20e: {  	v30 =	vmul.f32 v30, v15;
	v8 =	vadd.f32 v21, v20;
	v4 =	vadd.f32 v60, v17;
	v17 =	vld [tilespmem:s14+$0x9660]  }
0x20f: {  	v6 =	vld [tilespmem:s14+$0x9670];
	v7 =	vadd.f32 v59, v61;
	v19 =	vperm.xlane v5, v0;
	v16 =	vadd.f32 v23, v22  }
0x210: {  	v57 =	vld [tilespmem:s14+$0x9690];
	v9 =	vmul.f32 v22, v22;
	v62 =	vmul.f32 v23, v23;
	v18 =	vadd.f32 v18, v58  }
0x211: {  	v60 =	vld [tilespmem:s14+$0x12C70];
	v61 =	vperm.xlane v7, v1;
	v5 =	vadd.f32 v19, v5;
	v8 =	vadd.f32 v16, v8  }
0x212: {  	v19 =	vadd.f32 v52, v49;
	v49 =	vld [tilespmem:s14+$0x9680];
	v9 =	vadd.f32 v62, v9;
	v15 =	vmul.f32 v18, v18  }
0x213: {  	v52 =	vld [tilespmem:s14+$0x12C80];
	v17 =	vadd.f32 v55, v17;
	v7 =	vadd.f32 v7, v61;
	v16 =	vperm.xlane v5, v1  }
0x214: {  	v56 =	vld [tilespmem:s14+$0x96A0];
	v53 =	vadd.f32 v19, v18;
	v62 =	vmul.f32 v19, v19;
	v4 =	vadd.f32 v9, v4  }
0x215: {  	v9 =	vld [tilespmem:s14+$0x12C90];
	v59 =	vperm.xlane v8, v0;
	v58 =	vperm.xlane v7, v2;
	v5 =	vadd.f32 v16, v5  }
0x216: {  	v16 =	vadd.f32 v60, v6;
	v6 =	vadd.f32 v62, v15;
	v60 =	vld [tilespmem:s14+$0x12CA0]  }
0x217: {  	v8 =	vadd.f32 v8, v59;
	v59 =	vld [tilespmem:s14+$0x12CB0];
	v7 =	vadd.f32 v7, v58;
	v58 =	vperm.xlane v5, v2  }
0x218: {  	v55 =	vmul.f32 v17, v17;
	v15 =	vadd.f32 v52, v49;
	v49 =	vld [tilespmem:s14+$0x96B0];
	v61 =	vadd.f32 v16, v17  }
0x219: {  	[tilespmem:s13+$0xFA00] =	vst v31;
	v62 =	vmul.f32 v16, v16;
	v31 =	vperm.xlane v8, v1;
	v5 =	vadd.f32 v58, v5  }
0x21a: {  	v52 =	vperm.xlane v7, v3;
	v58 =	vadd.f32 v61, v53;
	v53 =	vadd.f32 v9, v57  }
0x21b: {  	v25 =	vmul.f32 v25, v13;
	v55 =	vadd.f32 v62, v55;
	v8 =	vadd.f32 v8, v31  }
0x21c: {  	v9 =	vmul.f32 v15, v15;
	v7 =	vadd.f32 v7, v52;
	v52 =	vadd.f32 v60, v56  }
0x21d: {  	v57 =	vperm.xlane v5, v3;
	v60 =	vadd.f32 v53, v15;
	v49 =	vadd.f32 v59, v49  }
0x21e: {  	v61 =	vmul.f32 v53, v53;
	v6 =	vadd.f32 v55, v6;
	v54 =	vperm.xlane v58, v0  }
0x21f: {  	v56 =	vmul.f32 $1.562500000e-02, v7;
	v5 =	vadd.f32 v57, v5;
	v57 =	vadd.f32 v49, v52  }
0x220: {  	v7 =	vadd.f32 v61, v9;
	v9 =	vmul.f32 v52, v52;
	v59 =	vmul.f32 v49, v49  }
0x221: {  	v5 =	vmul.f32 $1.562500000e-02, v5;
	v55 =	vmul.f32 v56, v56;
	v57 =	vadd.f32 v57, v60  }
0x222: {  	v61 =	vperm.xlane v4, v0;
	v54 =	vadd.f32 v58, v54;
	v9 =	vadd.f32 v59, v9  }
0x223: {  	v62 =	vperm.xlane v6, v0;
	v5 =	vsub.f32 v5, v55;
	v60 =	vperm.xlane v57, v0  }
0x224: {  	v4 =	vadd.f32 v61, v4;
	v31 =	vperm.xlane v54, v1;
	v7 =	vadd.f32 v9, v7  }
0x225: {  	v6 =	vadd.f32 v62, v6;
	v5 =	vmax.f32 v5, $0.0e+00;
	v9 =	vadd.f32 v57, v60  }
0x226: {  	v57 =	vperm.xlane v4, v1;
	v58 =	vperm.xlane v7, v0;
	v5 =	vadd.f32 $9.999999960e-13, v5  }
0x227: {  	v31 =	vadd.f32 v54, v31;
	v60 =	vperm.xlane v8, v2;
	v54 =	vperm.xlane v9, v1  }
0x228: {  	v7 =	vadd.f32 v58, v7;
	v61 =	vshra.s32 v5, $0x1;
	v5 =	vmul.f32 $5.000000000e-01, v5  }
0x229: {  	v4 =	vadd.f32 v57, v4;
	v57 =	vperm.xlane v31, v2;
	v55 =	vsub.s32 $0x5F3759DF, v61  }
0x22a: {  	v61 =	vperm.xlane v6, v1;
	v59 =	vmul.f32 v55, v5  }
0x22b: {  	v8 =	vadd.f32 v8, v60;
	v9 =	vadd.f32 v9, v54;
	v58 =	vperm.xlane v7, v1  }
0x22c: {  	v60 =	vperm.xlane v4, v2;
	v6 =	vadd.f32 v61, v6;
	v62 =	vmul.f32 v55, v59  }
0x22d: {  	v31 =	vadd.f32 v31, v57;
	v7 =	vadd.f32 v58, v7;
	v59 =	vperm.xlane v9, v2  }
0x22e: {  	v4 =	vadd.f32 v60, v4;
	v57 =	vperm.xlane v6, v2;
	v54 =	vsub.f32 $1.500000000e+00, v62  }
0x22f: {  	v60 =	vperm.xlane v7, v2;
	v9 =	vadd.f32 v9, v59;
	v62 =	vperm.xlane v8, v3  }
0x230: {  	v61 =	vperm.xlane v31, v3;
	v6 =	vadd.f32 v57, v6;
	v58 =	vmul.f32 v55, v54  }
0x231: {  	v7 =	vadd.f32 v60, v7;
	v8 =	vadd.f32 v8, v62;
	v62 =	vperm.xlane v9, v3  }
0x232: {  	v57 =	vadd.f32 v31, v61;
	v55 =	vperm.xlane v4, v3;
	v5 =	vmul.f32 v58, v5  }
0x233: {  	v59 =	vperm.xlane v6, v3;
	v60 =	vperm.xlane v7, v3;
	v9 =	vadd.f32 v9, v62  }
0x234: {  	v31 =	vmul.f32 $1.562500000e-02, v8;
	v4 =	vadd.f32 v55, v4;
	v5 =	vmul.f32 v5, v58  }
0x235: {  	v61 =	vld [tilespmem:$0x1FFB0];
	v55 =	vmul.f32 $1.562500000e-02, v57;
	v6 =	vadd.f32 v59, v6;
	v7 =	vadd.f32 v60, v7  }
0x236: {  	v54 =	vmul.f32 $1.562500000e-02, v9;
	v4 =	vmul.f32 $1.562500000e-02, v4;
	v5 =	vsub.f32 $1.500000000e+00, v5  }
0x237: {  	v59 =	vsub.f32 v50, v29;
	v8 =	vmul.f32 v31, v31;
	v29 =	vmul.f32 v55, v55  }
0x238: {  	v6 =	vmul.f32 $1.562500000e-02, v6;
	v5 =	vmul.f32 v5, v58  }
0x239: {  	v28 =	vsub.f32 v51, v28;
	v7 =	vmul.f32 $1.562500000e-02, v7;
	v60 =	vmul.f32 v54, v54  }
0x23a: {  	v27 =	vsub.f32 v45, v27;
	v6 =	vsub.f32 v6, v29;
	v62 =	vmul.f32 v5, v61  }
0x23b: {  	v24 =	vmul.f32 v24, v14;
	v4 =	vsub.f32 v4, v8;
	v7 =	vsub.f32 v7, v60  }
0x23c: {  	v41 =	vsub.f32 v41, v63;
	v6 =	vmax.f32 v6, $0.0e+00;
	v29 =	vmul.f32 v62, v56  }
0x23d: {  	v4 =	vmax.f32 v4, $0.0e+00;
	v6 =	vadd.f32 $9.999999960e-13, v6;
	v7 =	vmax.f32 v7, $0.0e+00  }
0x23e: {  	[tilespmem:s13+$0xFA20] =	vst v28;
	v7 =	vadd.f32 $9.999999960e-13, v7;
	v28 =	vmul.f32 v62, v48;
	v29 =	vsub.f32 v29, v12  }
0x23f: {  	v58 =	vld [tilespmem:$0x1FF80];
	v4 =	vadd.f32 $9.999999960e-13, v4;
	v62 =	vshra.s32 v6, $0x1;
	v6 =	vmul.f32 $5.000000000e-01, v6  }
0x240: {  	[tilespmem:s13+$0xFA10] =	vst v59;
	v59 =	vld [tilespmem:$0x1FF90];
	v57 =	vshra.s32 v7, $0x1;
	v7 =	vmul.f32 $5.000000000e-01, v7;
	v28 =	vsub.f32 v28, v29  }
0x241: {  	v60 =	vld [tilespmem:$0x1FFA0];
	v48 =	vsub.s32 $0x5F3759DF, v57;
	v29 =	vshra.s32 v4, $0x1;
	v4 =	vmul.f32 $5.000000000e-01, v4  }
0x242: {  	v45 =	vmul.f32 v48, v7;
	[tilespmem:s14+$0xFAF0] =	vst v28;
	v28 =	vsub.s32 $0x5F3759DF, v29;
	v29 =	vsub.s32 $0x5F3759DF, v62  }
0x243: {  	v35 =	vsub.f32 v35, v12;
	v50 =	vmul.f32 v28, v4;
	v51 =	vmul.f32 v29, v6  }
0x244: {  	v9 =	vmul.f32 v5, v58;
	[tilespmem:s13+$0xFA30] =	vst v27;
	v27 =	vsub.f32 v46, v42;
	v42 =	vmul.f32 v48, v45  }
0x245: {  	v43 =	vsub.f32 v47, v43;
	v57 =	vld [tilespmem:$0x1FF50];
	v47 =	vmul.f32 v28, v50;
	v50 =	vmul.f32 v29, v51  }
0x246: {  	v8 =	vmul.f32 v5, v59;
	v5 =	vmul.f32 v5, v60;
	[tilespmem:s13+$0xFA50] =	vst v27;
	v27 =	vsub.f32 $1.500000000e+00, v42  }
0x247: {  	v62 =	vmul.f32 v9, v56;
	[tilespmem:s13+$0xFA40] =	vst v43;
	v43 =	vsub.f32 $1.500000000e+00, v47;
	v47 =	vsub.f32 $1.500000000e+00, v50  }
0x248: {  	v40 =	vsub.f32 v44, v40;
	v9 =	vmul.f32 v9, v37;
	v27 =	vmul.f32 v48, v27  }
0x249: {  	v34 =	vsub.f32 v34, v38;
	v28 =	vmul.f32 v28, v43;
	v29 =	vmul.f32 v29, v47  }
0x24a: {  	v30 =	vsub.f32 v30, v39;
	v26 =	vmul.f32 v26, v57;
	v7 =	vmul.f32 v27, v7  }
0x24b: {  	v25 =	vsub.f32 v25, v41;
	v4 =	vmul.f32 v28, v4;
	v6 =	vmul.f32 v29, v6  }
0x24c: {  	v45 =	vsub.f32 v62, v10;
	v62 =	vmul.f32 v8, v56;
	v7 =	vmul.f32 v7, v27  }
0x24d: {  	v24 =	vsub.f32 v24, v35;
	v4 =	vmul.f32 v4, v28;
	v6 =	vmul.f32 v6, v29  }
0x24e: {  	[tilespmem:s13+$0xFA60] =	vst v40;
	v8 =	vmul.f32 v8, v33;
	v26 =	vsub.f32 v26, v36;
	v7 =	vsub.f32 $1.500000000e+00, v7  }
0x24f: {  	[tilespmem:s13+$0xFA70] =	vst v34;
	v50 =	vmul.f32 v5, v56;
	v4 =	vsub.f32 $1.500000000e+00, v4;
	v6 =	vsub.f32 $1.500000000e+00, v6  }
0x250: {  	[tilespmem:s13+$0xFA80] =	vst v30;
	v9 =	vsub.f32 v9, v45;
	v5 =	vmul.f32 v5, v32;
	v7 =	vmul.f32 v7, v27  }
0x251: {  	[tilespmem:s13+$0xFAA0] =	vst v25;
	v56 =	vsub.f32 v62, v11;
	v4 =	vmul.f32 v4, v28;
	v6 =	vmul.f32 v6, v29  }
0x252: {  	[tilespmem:s13+$0xFA90] =	vst v26;
	v47 =	vsub.f32 v50, v63;
	v30 =	vmul.f32 v7, v58;
	v26 =	vmul.f32 v7, v59  }
0x253: {  	[tilespmem:s13+$0xFAB0] =	vst v24;
	s13 =	smov.u32 s14;
	v8 =	vsub.f32 v8, v56;
	v25 =	vmul.f32 v7, v60;
	v24 =	vmul.f32 v7, v61  }
0x254: {  	[tilespmem:s13+$0xFAC0] =	vst v9;
	v5 =	vsub.f32 v5, v47;
	v42 =	vmul.f32 v4, v58;
	v40 =	vmul.f32 v4, v59  }
0x255: {  	v62 =	vmov v53;
	[tilespmem:s13+$0xFAD0] =	vst v8;
	v53 =	vmul.f32 v4, v60;
	v45 =	vmul.f32 v4, v61  }
0x256: {  	v13 =	vmov v52;
	s14 =	sshra.s32 s16, $0x2;
	[tilespmem:s13+$0xFAE0] =	vst v5;
	v46 =	vmul.f32 v6, v58;
	v52 =	vmul.f32 v6, v59  }
0x257: {  	v14 =	vmov v49;
	v47 =	vld [tilespmem:s14+$0x96C0];
	v49 =	vmul.f32 v6, v60;
	v34 =	vmul.f32 v6, v61  }
0x258: {  	v48 =	vld [tilespmem:s14+$0x12CC0];
	v33 =	vmul.f32 v30, v54;
	v32 =	vmul.f32 v26, v54  }
0x259: {  	p0 =	sne.s32 s16, $0xC400;
	v56 =	vld [tilespmem:s14+$0x96D0];
	v41 =	vmul.f32 v25, v54;
	v35 =	vmul.f32 v24, v54  }
.Ltmp1:
0x25a: {  	v57 =	vld [tilespmem:s14+$0x12CD0];
	v4 =	vmul.f32 v42, v31;
	v5 =	vmul.f32 v40, v31;
	(pc) =	sbr.rel @p0 .LBB2_5-.Ltmp1, $4  }
0x25b: {  	v58 =	vld [tilespmem:s14+$0x96E0];
	v50 =	vmul.f32 v53, v31;
	v51 =	vmul.f32 v45, v31  }
0x25c: {  	v59 =	vld [tilespmem:s14+$0x12CE0];
	v44 =	vmul.f32 v46, v55;
	v39 =	vmul.f32 v52, v55  }
0x25d: {  	v60 =	vld [tilespmem:s14+$0x12CF0];
	v37 =	vmul.f32 v49, v55;
	v31 =	vsub.f32 v4, v10;
	v29 =	vsub.f32 v5, v11  }
0x25e: {  	s16 =	sadd.s32 $0x400, s16;
	[tilespmem:$0x1FF50] =	vst v62;
	v36 =	vmul.f32 v34, v55;
	v55 =	vld [tilespmem:s14+$0x96F0];
	v28 =	vsub.f32 v50, v63;
	v27 =	vsub.f32 v51, v12  }
0x25f: {  	v4 =	vld [tilespmem:s14+$0x9600]  }
0x260: {  	v5 =	vld [tilespmem:s14+$0x12C00]  }
0x261: {  	v6 =	vld [tilespmem:s14+$0x9610]  }
0x262: {  	v7 =	vld [tilespmem:s14+$0x12C10]  }
0x263: {  	v8 =	vld [tilespmem:s14+$0x9620]  }
0x264: {  	v50 =	vadd.f32 v48, v47;
	v48 =	vadd.f32 v57, v56;
	v9 =	vld [tilespmem:s14+$0x12C20]  }
0x265: {  	v12 =	vmul.f32 v42, v20;
	v47 =	vadd.f32 v59, v58  }
0x266: {  	v57 =	vld [tilespmem:s14+$0x9630];
	v43 =	vadd.f32 v48, v50;
	v58 =	vmul.f32 v50, v50;
	v51 =	vadd.f32 v60, v55  }
0x267: {  	v38 =	vmul.f32 v48, v48;
	v56 =	vadd.f32 v5, v4;
	v4 =	vld [tilespmem:s14+$0x12C30];
	v5 =	vmul.f32 v47, v47  }
0x268: {  	v55 =	vadd.f32 v7, v6;
	v6 =	vld [tilespmem:s14+$0x9640];
	v54 =	vadd.f32 v51, v47;
	v60 =	vmul.f32 v51, v51  }
0x269: {  	v10 =	vmul.f32 v40, v21;
	v59 =	vadd.f32 v38, v58;
	v38 =	vadd.f32 v9, v8;
	v8 =	vld [tilespmem:s14+$0x9650]  }
0x26a: {  	v11 =	vmul.f32 v45, v23;
	v7 =	vadd.f32 v54, v43;
	v54 =	vld [tilespmem:s14+$0x12C40];
	v5 =	vadd.f32 v60, v5  }
0x26b: {  	v61 =	vmul.f32 v56, v56;
	v62 =	vmul.f32 v55, v55;
	v43 =	vld [tilespmem:s14+$0x12C50]  }
0x26c: {  	v5 =	vadd.f32 v5, v59;
	v63 =	vperm.xlane v7, v0;
	v23 =	vadd.f32 v4, v57;
	v4 =	vld [tilespmem:s14+$0x9660]  }
0x26d: {  	[tilespmem:$0x1FF20] =	vst v10;
	v10 =	vmul.f32 v53, v22;
	v45 =	vadd.f32 v55, v56;
	v20 =	vmul.f32 v38, v38;
	v57 =	vld [tilespmem:s14+$0x12C60]  }
0x26e: {  	v9 =	vadd.f32 v62, v61;
	v61 =	vld [tilespmem:s14+$0x12C70];
	v7 =	vadd.f32 v7, v63;
	v42 =	vperm.xlane v5, v0  }
0x26f: {  	v21 =	vadd.f32 v23, v38;
	v22 =	vmul.f32 v23, v23;
	v53 =	vadd.f32 v54, v6;
	v6 =	vld [tilespmem:s14+$0x9670]  }
0x270: {  	v40 =	vadd.f32 v43, v8;
	v62 =	vperm.xlane v7, v1;
	v5 =	vadd.f32 v42, v5  }
0x271: {  	v58 =	vld [tilespmem:s14+$0x12C80];
	v59 =	vadd.f32 v21, v45;
	v54 =	vadd.f32 v22, v20;
	v8 =	vmul.f32 v53, v53  }
0x272: {  	v43 =	vld [tilespmem:s14+$0x9680];
	v42 =	vadd.f32 v57, v4;
	v7 =	vadd.f32 v7, v62;
	v60 =	vperm.xlane v5, v1  }
0x273: {  	v63 =	vld [tilespmem:s14+$0x12C90];
	v20 =	vadd.f32 v40, v53;
	v57 =	vmul.f32 v40, v40;
	v9 =	vadd.f32 v54, v9  }
0x274: {  	v62 =	vld [tilespmem:s14+$0x9690];
	v54 =	vperm.xlane v7, v2;
	v60 =	vadd.f32 v60, v5;
	v22 =	vadd.f32 v61, v6  }
0x275: {  	v21 =	vadd.f32 v57, v8;
	v8 =	vmul.f32 v42, v42;
	v57 =	vld [tilespmem:s14+$0x96A0];
	v61 =	vperm.xlane v59, v0  }
0x276: {  	v6 =	vld [tilespmem:s14+$0x12CA0];
	v7 =	vadd.f32 v7, v54;
	v54 =	vperm.xlane v60, v2;
	v4 =	vadd.f32 v22, v42  }
0x277: {  	v43 =	vadd.f32 v58, v43;
	v58 =	vld [tilespmem:s14+$0x96B0];
	v5 =	vmul.f32 v22, v22;
	v59 =	vadd.f32 v59, v61  }
0x278: {  	v61 =	vld [tilespmem:s14+$0x12CB0];
	v45 =	vadd.f32 v54, v60;
	v60 =	vperm.xlane v7, v3;
	v4 =	vadd.f32 v4, v20  }
0x279: {  	v54 =	vmul.f32 v46, v18;
	v46 =	vadd.f32 v63, v62;
	v5 =	vadd.f32 v5, v8  }
0x27a: {  	v20 =	vmul.f32 v43, v43;
	v63 =	vperm.xlane v9, v0;
	v7 =	vadd.f32 v7, v60  }
0x27b: {  	v18 =	vadd.f32 v6, v57;
	v8 =	vperm.xlane v45, v3;
	v6 =	vadd.f32 v46, v43  }
0x27c: {  	v60 =	vmul.f32 v46, v46;
	v5 =	vadd.f32 v5, v21;
	v57 =	vmul.f32 $1.562500000e-02, v7  }
0x27d: {  	v62 =	vadd.f32 v8, v45;
	v8 =	vmul.f32 v52, v19;
	v19 =	vadd.f32 v61, v58  }
0x27e: {  	v20 =	vadd.f32 v60, v20;
	v45 =	vmul.f32 v18, v18;
	v60 =	vperm.xlane v4, v0  }
0x27f: {  	v9 =	vadd.f32 v63, v9;
	v61 =	vperm.xlane v5, v0;
	v7 =	vmul.f32 $1.562500000e-02, v62  }
0x280: {  	v21 =	vmul.f32 v57, v57;
	v52 =	vadd.f32 v19, v18;
	v58 =	vmul.f32 v19, v19  }
0x281: {  	v62 =	vperm.xlane v59, v1;
	v4 =	vadd.f32 v4, v60;
	v5 =	vadd.f32 v61, v5  }
0x282: {  	v7 =	vsub.f32 v7, v21;
	v6 =	vadd.f32 v52, v6  }
0x283: {  	v45 =	vadd.f32 v58, v45;
	v58 =	vmul.f32 v49, v17;
	v17 =	vadd.f32 v59, v62  }
0x284: {  	v60 =	vperm.xlane v4, v1;
	v7 =	vmax.f32 v7, $0.0e+00;
	v63 =	vperm.xlane v6, v0  }
0x285: {  	v20 =	vadd.f32 v45, v20;
	v7 =	vadd.f32 $9.999999960e-13, v7  }
0x286: {  	v4 =	vadd.f32 v4, v60;
	v6 =	vadd.f32 v6, v63  }
0x287: {  	v62 =	vperm.xlane v20, v0;
	v61 =	vshra.s32 v7, $0x1;
	v7 =	vmul.f32 $5.000000000e-01, v7  }
0x288: {  	v63 =	vperm.xlane v9, v1;
	v45 =	vsub.s32 $0x5F3759DF, v61;
	v60 =	vperm.xlane v6, v1  }
0x289: {  	v20 =	vadd.f32 v62, v20;
	v62 =	vperm.xlane v5, v1;
	v61 =	vmul.f32 v45, v7  }
0x28a: {  	v49 =	vperm.xlane v17, v2;
	v9 =	vadd.f32 v63, v9;
	v6 =	vadd.f32 v6, v60  }
0x28b: {  	v60 =	vperm.xlane v4, v2;
	v5 =	vadd.f32 v62, v5;
	v63 =	vmul.f32 v45, v61  }
0x28c: {  	v17 =	vadd.f32 v17, v49;
	v61 =	vperm.xlane v20, v1;
	v62 =	vperm.xlane v6, v2  }
0x28d: {  	v4 =	vadd.f32 v4, v60;
	v60 =	vperm.xlane v5, v2;
	v21 =	vsub.f32 $1.500000000e+00, v63  }
0x28e: {  	v63 =	vperm.xlane v9, v2;
	v20 =	vadd.f32 v61, v20;
	v61 =	vperm.xlane v17, v3  }
0x28f: {  	v6 =	vadd.f32 v6, v62;
	v5 =	vadd.f32 v60, v5;
	v21 =	vmul.f32 v45, v21  }
0x290: {  	v9 =	vadd.f32 v63, v9;
	v62 =	vperm.xlane v20, v2;
	v63 =	vperm.xlane v4, v3  }
0x291: {  	v17 =	vadd.f32 v17, v61;
	v60 =	vperm.xlane v6, v3;
	v7 =	vmul.f32 v21, v7  }
0x292: {  	v20 =	vadd.f32 v62, v20;
	v61 =	vperm.xlane v9, v3;
	v4 =	vadd.f32 v4, v63  }
0x293: {  	v62 =	vperm.xlane v5, v3;
	v59 =	vmul.f32 $1.562500000e-02, v17;
	v6 =	vadd.f32 v6, v60  }
0x294: {  	v7 =	vmul.f32 v7, v21;
	v9 =	vadd.f32 v61, v9;
	v63 =	vperm.xlane v20, v3  }
0x295: {  	v49 =	vmul.f32 $1.562500000e-02, v4;
	v4 =	vadd.f32 v62, v5;
	v17 =	vmul.f32 $1.562500000e-02, v6  }
0x296: {  	v60 =	vld [tilespmem:$0x1FFB0];
	v7 =	vsub.f32 $1.500000000e+00, v7;
	v5 =	vmul.f32 $1.562500000e-02, v9;
	v9 =	vmul.f32 v59, v59  }
0x297: {  	v45 =	vadd.f32 v63, v20;
	v4 =	vmul.f32 $1.562500000e-02, v4;
	v20 =	vmul.f32 v49, v49;
	v63 =	vld [tilespmem:$0x1FF20]  }
0x298: {  	v27 =	vsub.f32 v11, v27;
	v52 =	vmul.f32 v17, v17;
	v7 =	vmul.f32 v7, v21  }
0x299: {  	v21 =	vsub.f32 v12, v31;
	v6 =	vmul.f32 $1.562500000e-02, v45;
	v5 =	vsub.f32 v5, v9  }
0x29a: {  	v61 =	vld [tilespmem:$0x1FFF0];
	v9 =	vmul.f32 v34, v16;
	v4 =	vsub.f32 v4, v20;
	v16 =	vsub.f32 v10, v28  }
0x29b: {  	v10 =	vld [tilespmem:$0x1FFC0];
	v12 =	vmul.f32 v7, v60;
	v6 =	vsub.f32 v6, v52;
	v5 =	vmax.f32 v5, $0.0e+00  }
0x29c: {  	v4 =	vmax.f32 v4, $0.0e+00;
	v29 =	vsub.f32 v63, v29;
	v5 =	vadd.f32 $9.999999960e-13, v5  }
0x29d: {  	v4 =	vadd.f32 $9.999999960e-13, v4;
	v34 =	vmul.f32 v12, v57;
	v6 =	vmax.f32 v6, $0.0e+00  }
0x29e: {  	v28 =	vmul.f32 v12, v51;
	v6 =	vadd.f32 $9.999999960e-13, v6;
	v51 =	vshra.s32 v5, $0x1  }
0x29f: {  	v5 =	vmul.f32 $5.000000000e-01, v5;
	v52 =	vshra.s32 v4, $0x1;
	v4 =	vmul.f32 $5.000000000e-01, v4  }
0x2a0: {  	v44 =	vsub.f32 v44, v10;
	v20 =	vsub.f32 v34, v61;
	v31 =	vsub.s32 $0x5F3759DF, v51  }
0x2a1: {  	v34 =	vsub.s32 $0x5F3759DF, v52;
	v62 =	vshra.s32 v6, $0x1;
	v6 =	vmul.f32 $5.000000000e-01, v6  }
0x2a2: {  	v11 =	vld [tilespmem:$0x1FFD0];
	v63 =	vmul.f32 v31, v5;
	v12 =	vmul.f32 v34, v4;
	v45 =	vsub.s32 $0x5F3759DF, v62  }
0x2a3: {  	v62 =	vmul.f32 v45, v6  }
0x2a4: {  	v44 =	vsub.f32 v54, v44;
	v54 =	vld [tilespmem:$0x1FF50];
	v51 =	vmul.f32 v31, v63;
	v52 =	vmul.f32 v34, v12  }
0x2a5: {  	v20 =	vsub.f32 v28, v20;
	v28 =	vmul.f32 v45, v62  }
0x2a6: {  	v15 =	vmul.f32 v30, v15;
	v30 =	vsub.f32 $1.500000000e+00, v51;
	v63 =	vsub.f32 $1.500000000e+00, v52;
	v51 =	vld [tilespmem:$0x1FFE0]  }
0x2a7: {  	v39 =	vsub.f32 v39, v11;
	v62 =	vsub.f32 $1.500000000e+00, v28  }
0x2a8: {  	v28 =	vmul.f32 v31, v30;
	v30 =	vmul.f32 v34, v63;
	v34 =	vsub.f32 v36, v61;
	v36 =	vld [tilespmem:$0x1FF80]  }
0x2a9: {  	v14 =	vmul.f32 v24, v14;
	v52 =	vmul.f32 v26, v54  }
0x2aa: {  	v8 =	vsub.f32 v8, v39;
	v39 =	vld [tilespmem:$0x1FFA0];
	v26 =	vmul.f32 v45, v62;
	v5 =	vmul.f32 v28, v5  }
0x2ab: {  	v12 =	vmul.f32 v25, v13;
	v4 =	vmul.f32 v30, v4;
	v63 =	vsub.f32 v37, v51;
	v37 =	vld [tilespmem:$0x1FF90]  }
0x2ac: {  	v6 =	vmul.f32 v26, v6;
	v5 =	vmul.f32 v5, v28  }
0x2ad: {  	v4 =	vmul.f32 v4, v30;
	v45 =	vmul.f32 v7, v36  }
0x2ae: {  	v31 =	vsub.f32 v58, v63;
	v6 =	vmul.f32 v6, v26;
	v5 =	vsub.f32 $1.500000000e+00, v5  }
0x2af: {  	v4 =	vsub.f32 $1.500000000e+00, v4;
	v58 =	vmul.f32 v45, v50;
	v24 =	vmul.f32 v45, v57  }
0x2b0: {  	v32 =	vsub.f32 v32, v11;
	v54 =	vmul.f32 v7, v37;
	v7 =	vmul.f32 v7, v39  }
0x2b1: {  	v33 =	vsub.f32 v33, v10;
	v5 =	vmul.f32 v5, v28;
	v4 =	vmul.f32 v4, v30  }
0x2b2: {  	v6 =	vsub.f32 $1.500000000e+00, v6;
	v62 =	vmul.f32 v54, v48;
	v25 =	vmul.f32 v54, v57  }
0x2b3: {  	v15 =	vsub.f32 v15, v33;
	v63 =	vmul.f32 v7, v57;
	v7 =	vmul.f32 v7, v47  }
0x2b4: {  	[tilespmem:s13+$0xFA00] =	vst v21;
	v13 =	vsub.f32 v52, v32;
	v6 =	vmul.f32 v6, v26;
	v50 =	vmul.f32 v5, v36  }
0x2b5: {  	[tilespmem:s13+$0xFA20] =	vst v16;
	v41 =	vsub.f32 v41, v51;
	v52 =	vmul.f32 v5, v37;
	v54 =	vmul.f32 v5, v39  }
0x2b6: {  	[tilespmem:s13+$0xFA10] =	vst v29;
	v24 =	vsub.f32 v24, v10;
	v5 =	vmul.f32 v5, v60;
	v57 =	vmul.f32 v4, v36  }
0x2b7: {  	[tilespmem:s14+$0xFAF0] =	vst v20;
	v45 =	vsub.f32 v35, v61;
	v33 =	vmul.f32 v4, v37;
	v35 =	vmul.f32 v4, v39  }
0x2b8: {  	[tilespmem:s13+$0xFA30] =	vst v27;
	v4 =	vmul.f32 v4, v60;
	v24 =	vsub.f32 v58, v24;
	v58 =	vmul.f32 v50, v56  }
0x2b9: {  	[tilespmem:s13+$0xFA40] =	vst v44;
	v48 =	vsub.f32 v63, v51;
	v63 =	vmul.f32 v50, v59;
	v29 =	vmul.f32 v52, v55  }
0x2ba: {  	[tilespmem:s13+$0xFA50] =	vst v8;
	v9 =	vsub.f32 v9, v34;
	v21 =	vmul.f32 v52, v59;
	v30 =	vmul.f32 v54, v38  }
0x2bb: {  	v12 =	vsub.f32 v12, v41;
	[tilespmem:s13+$0xFA60] =	vst v31;
	v31 =	vmul.f32 v54, v59;
	v32 =	vmul.f32 v5, v59  }
0x2bc: {  	[tilespmem:s13+$0xFA80] =	vst v15;
	v14 =	vsub.f32 v14, v45;
	v5 =	vmul.f32 v5, v23;
	v41 =	vmul.f32 v57, v53  }
0x2bd: {  	[tilespmem:s13+$0xFA90] =	vst v13;
	v47 =	vsub.f32 v25, v11;
	v44 =	vmul.f32 v57, v49;
	v45 =	vmul.f32 v33, v40  }
0x2be: {  	[tilespmem:s13+$0xFA70] =	vst v9;
	v15 =	vmul.f32 v33, v49;
	v50 =	vmul.f32 v35, v49  }
0x2bf: {  	[tilespmem:s13+$0xFAA0] =	vst v12;
	v52 =	vmul.f32 v4, v49;
	v4 =	vmul.f32 v4, v22;
	v62 =	vsub.f32 v62, v47  }
0x2c0: {  	[tilespmem:s13+$0xFAB0] =	vst v14;
	v54 =	vmul.f32 v6, v36;
	v7 =	vsub.f32 v7, v48;
	v16 =	vsub.f32 v63, v10  }
0x2c1: {  	v55 =	vmul.f32 v6, v37;
	[tilespmem:s14+$0xFAC0] =	vst v24;
	v21 =	vsub.f32 v21, v11;
	v9 =	vsub.f32 v31, v51  }
0x2c2: {  	v56 =	vmul.f32 v6, v39;
	v47 =	vsub.f32 v32, v61;
	v34 =	vsub.f32 v58, v16;
	[tilespmem:s14+$0xFAD0] =	vst v62  }
0x2c3: {  	v6 =	vmul.f32 v6, v60;
	v14 =	vsub.f32 v44, v10;
	v38 =	vsub.f32 v29, v21;
	[tilespmem:s14+$0xFAE0] =	vst v7  }
0x2c4: {  	v48 =	vmul.f32 v35, v42;
	v53 =	vsub.f32 v15, v11;
	v9 =	vsub.f32 v30, v9;
	[tilespmem:s14+$0xFA00] =	vst v34  }
0x2c5: {  	v57 =	vmul.f32 v54, v43;
	v13 =	vmul.f32 v54, v17;
	v5 =	vsub.f32 v5, v47;
	[tilespmem:s14+$0xFA10] =	vst v38  }
0x2c6: {  	v8 =	vsub.f32 v50, v51;
	v15 =	vmul.f32 v55, v17;
	v14 =	vsub.f32 v41, v14;
	[tilespmem:s14+$0xFA20] =	vst v9  }
0x2c7: {  	v59 =	vmul.f32 v6, v17;
	v7 =	vsub.f32 v45, v53;
	v16 =	vsub.f32 v52, v61;
	[tilespmem:s14+$0xFA30] =	vst v5  }
0x2c8: {  	v8 =	vsub.f32 v48, v8;
	v58 =	vmul.f32 v56, v17;
	v13 =	vsub.f32 v13, v10;
	[tilespmem:s14+$0xFA40] =	vst v14  }
0x2c9: {  	v15 =	vsub.f32 v15, v11;
	v5 =	vmul.f32 v55, v46;
	[tilespmem:s14+$0xFA50] =	vst v7;
	v4 =	vsub.f32 v4, v16  }
0x2ca: {  	s3 =	sadd.s32 $0x1, s3;
	v12 =	vmul.f32 v56, v18;
	[tilespmem:s14+$0xFA60] =	vst v8;
	v60 =	vsub.f32 v57, v13;
	v62 =	vsub.f32 v58, v51  }
0x2cb: {  	p0 =	sne.s32 s3, $0x40;
	v6 =	vmul.f32 v6, v19;
	[tilespmem:s14+$0xFA70] =	vst v4;
	v4 =	vsub.f32 v5, v15;
	v5 =	vsub.f32 v59, v61  }
.Ltmp2:
0x2cc: {  	s12 =	sadd.s32 s6, s12;
	[tilespmem:s14+$0xFA80] =	vst v60;
	v63 =	vsub.f32 v12, v62;
	(pc) =	sbr.rel @p0 .LBB2_2-.Ltmp2, $4  }
0x2cd: {  	s12 =	sshll.u32 s12, $0x3;
	[tilespmem:s14+$0xFA90] =	vst v4;
	v4 =	vsub.f32 v6, v5  }
0x2ce: {  	s12 =	sand.u32 $0x1FFFFFC0, s12;
	[tilespmem:s14+$0xFAA0] =	vst v63  }
0x2cf: {  	s12 =	sadd.s32 s4, s12;
	[tilespmem:s14+$0xFAB0] =	vst v4  }
0x2d0: {  	[hbm4b:s12+s5] =	stream.linear.scatter [tilespmem:s31], [sflag:$0x4], $0x3200, $0x38;
	[tilespmem:$0x15E80] =	vst v63  }
0x2d1: {  	s1 =	sadd.s32 $0x1, s1  }
0x2d2: {  	_ =	swait.ge [sflag:s2], $0x3200;
	p0 =	sne.s32 s1, s10  }
.Ltmp3:
0x2d3: {  	[sflag:s2] =	ssyncset.done $0x0;
	(pc) =	sbr.rel @p0 .LBB2_1-.Ltmp3, $4  }
0x2d4: {  	[sflag:s2] =	ssyncadd.s32 $0xFFFFCE00  }
0x2d5: {  	_ =	swait.ge [sflag:s0], $0x3200  }
0x2d6: {  	[sflag:s0] =	ssyncset.done $0x0  }
0x2d7: {  	[sflag:s0] =	ssyncadd.s32 $0xFFFFCE00  }
0x2d8: {  	_ =	sfence.sel $0x180000  }
0x2d9: {  	[bflag:$0x0] =	sbarrier.arrive $0xFFFF  }
0x2da: {  	_ =	strace $0x90000047  }
0x2db: {  	s0 =	stileid.u32;
	[bflag:$0x2] =	sbarrier.arrive $0xFFFF  }
0x2dc: {  	p0 =	sne.s32 s0, $0x0;
	s0 =	rddreg [dreg:$0x4]  }
0x2dd: {  	s0 =	sadd.s32 @!p0 $0x100000, s0  }
0x2de: {  	[sflag:s0] =	ssyncadd.tile.s32 @!p0 $0x1;
	_ =	shalt  }
.Lfunc_end2:
_tile_overlayer_lowered:
.L_overlay_start_2:
0x2df: {  	(tag) =	ssettag $0x2  }
0x2e0: {  	s0 =	rddreg [dreg:$0x0];
	s2 =	stileid.u32  }
0x2e1: {  	s1 =	rddreg [dreg:$0x1];
	p0 =	sne.s32 s2, $0x0  }
0x2e2: {  	s3 =	rddreg [dreg:$0x2];
	[bflag:$0x3] =	sbarrier.arrive $0xFFFF;
	s2 =	simm.s32 @!p0 $0x1C05  }
0x2e3: {  	[timem:s3], [sflag:s2] =	dma.local @!p0 [hbm:s0], s1  }
0x2e4: {  	s0 =	simm.s32 @!p0 $0x5  }
0x2e5: {  	_ =	swait.ge @!p0 [sflag:s0], s1  }
0x2e6: {  	s1 =	ssub.s32 @!p0 $0x0, s1;
	[sflag:s0] =	ssyncset.done @!p0 $0x0  }
0x2e7: {  	[sflag:s0] =	ssyncadd.s32 @!p0 s1  }
0x2e8: {  	[bflag:$0x3] =	sbarrier.arrive $0xFFFF  }
0x2e9: {  	_ =	shalt  }

// kernel: sparse-core-data-format-call.cloned.1.call-start
scs
called_computation_lowered:
.L_overlay_start_0:
0x0: {  	s2 =	sld [smem:$0x3FD9]  }
0x1: {  	s3 =	sld [smem:$0x3FFE];
	_ =	sdelay $0x1  }
0x2: {  	s1 =	srdreg.scid  }
0x3: {  	s0 =	sand.u32 $0x1, s1  }
0x4: {  	s18 =	sshll.u32 s0, $0xA;
	s2 =	sadd.s32 s3, s2  }
0x5: {  	s2 =	sadd.s32 s2, s18  }
0x6: {  	[smem:$0x3FC3] =	sst s2  }
0x7: {  	_ = 	snop  }
0x8: {  	s2 =	sld [smem:$0x3FD0];
	(tm) =	ssettm $0x1  }
0x9: {  	s19 =	sld [smem:$0x3FFB];
	_ =	sdelay $0x3  }
0xa: {  	_ =	strace s19  }
0xb: {  	s3 =	sld [smem:$0x3FFC];
	_ =	sdelay $0x3  }
0xc: {  	_ =	strace s3  }
0xd: {  	s3 =	sld [smem:$0x3FFD];
	_ =	sdelay $0x3  }
0xe: {  	_ =	strace s3  }
0xf: {  	_ =	strace $0x8FFFFFFF  }
0x10: {  	s20 =	sld [smem:$0x3FDB];
	_ =	sdelay $0x1  }
0x11: {  	s4 =	simm.s32 $_scs_section_size  }
0x12: {  	s5 =	simm.s32 $_size__tile_overlayer_lowered;
	s6 =	simm.s32 $_tile_overlayer_lowered  }
0x13: {  	s23 =	simm.s32 $0x1BFF;
	s22 =	sshll.u32 s6, $0x1;
	s3 =	sadd.s32 s4, s20  }
0x14: {  	s7 =	simm.s32 $0x0;
	s21 =	sshll.u32 s5, $0x1;
	s5 =	sadd.s32 s22, s3  }
0x15: {  	[timem:s7], [sflag:s23] =	dma.local [hbm:s5], s21  }
0x16: {  	_ =	swait.ge [sflag:s23], s21  }
0x17: {  	s4 =	ssub.s32 $0x0, s21;
	[sflag:s23] =	ssyncset.done $0x0  }
0x18: {  	[sflag:s23] =	ssyncadd.s32 s4;
	_ =	sdelay $0x1  }
0x19: {  	s24 =	simm.s32 $0x1B8B  }
0x1a: {  	_ =	swait.ge [sflag:s24], $0x1  }
0x1b: {  	[sflag:s24] =	ssyncset.done $0x0  }
0x1c: {  	s26 =	simm.s32 $0x1B8E;
	s25 =	sld [smem:$0x3FFE];
	[sflag:s24] =	ssyncadd.s32 $0xFFFFFFFF  }
0x1d: {  	s27 =	simm.s32 $execute0_lowered;
	[smem:$0x3FD2] =	sst s26  }
0x1e: {  	s5 =	sshll.u32 s27, $0x1;
	_ =	strace $0x80000049;
	[dreg:$0x1] =	wrdreg $0xFFFFFFFF  }
0x1f: {  	s28 =	simm.s32 $_size_execute0_lowered;
	s3 =	sadd.s32 s3, s5;
	[dreg:$0x0] =	wrdreg $0x0  }
0x20: {  	s5 =	sshll.u32 s28, $0x1;
	[dreg:$0x2] =	wrdreg s3  }
0x21: {  	[dreg:$0x3] =	wrdreg s5  }
0x22: {  	[dreg:$0x4] =	wrdreg $0xC0  }
0x23: {  	_ =	task [dreg:s7], $0x5FFFF  }
0x24: {  	[dreg:$0x1] =	wrdreg $0xFFFFFFFF  }
0x25: {  	[dreg:$0x0] =	wrdreg $0x60  }
0x26: {  	[dreg:$0x2] =	wrdreg s25  }
0x27: {  	[dreg:$0x3] =	wrdreg s2  }
0x28: {  	[dreg:$0x4] =	wrdreg $0x9  }
0x29: {  	_ =	task.clear_ibuf [dreg:s7], $0x5FFFF;
	_ =	strace $0x90000049  }
0x2a: {  	s29 =	simm.s32 $0x9;
	_ =	strace $0x8000004B  }
0x2b: {  	_ =	swait.ge [sflag:s29], $0x1  }
0x2c: {  	[sflag:s29] =	ssyncadd.s32 $0xFFFFFFFF  }
0x2d: {  	_ =	strace $0x9000004B  }
0x2e: {  	_ =	sfence  }
0x2f: {  	s30 =	sld [smem:$0x0];
	_ =	sdelay $0x2  }
0x30: {  	s31 =	sshll.u32 s1, $0xD;
	s1 =	sshrl.u32 s1, $0x2  }
0x31: {  	s3 =	sand.u32 $0x4000, s31;
	s1 =	sadd.s32 s1, s30  }
0x32: {  	s0 =	sor.u32 s3, s0;
	s1 =	sshll.u32 s1, $0x11  }
0x33: {  	s0 =	sor.u32 s1, s0  }
0x34: {  	s0 =	sadd.s32 $0x8F2B, s0  }
0x35: {  	[sflag:s0] =	ssyncadd.remote.s32 $0x1  }
0x36: {  	_ =	sfence.sel $0xFFFF  }
0x37: {  	[dreg:$0x0] =	wrdreg $0xFFFFFFFF;
	(pc) =	sbr.abs _section_cstart, $3  }
0x38: {  	[dreg:$0x1] =	wrdreg $0xFFFFFFFF  }
0x39: {  	_ =	task.clear_ibuf [dreg:s7], $0x2FFFF;
	_ =	strace $0x9FFFFFFF  }
0x3a: {  	(tm) =	ssettm $0x7FFFFFFF  }
0x3b: {  	_ =	shalt  }
tec
execute0_lowered:
.L_overlay_start_1:
0x0: {  	(tag) =	ssettag $0x1  }
0x1: {  	s0 =	srdreg.scid  }
0x2: {  	s1 =	sshll.u32 s0, $0x4  }
0x3: {  	s0 =	stileid.u32;
	s1 =	sand.u32 $0x10, s1  }
0x4: {  	s1 =	sor.u32 s0, s1  }
0x5: {  	s6 =	rddreg [dreg:$0x0];
	s4 =	simm.s32 $0x1;
	s2 =	sshll.u32 s1, $0x7  }
0x6: {  	s7 =	simm.s32 $0x2;
	s12 =	simm.s32 $0x0;
	s1 =	ssub.s32 $0x1000, s2  }
0x7: {  	s8 =	simm.s32 $0x8000;
	s13 =	simm.s32 $0x0;
	s3 =	sand.u32 $0xF80, s1  }
0x8: {  	s9 =	simm.s32 $0x0;
	s5 =	sshrl.u32 s1, $0xC;
	p0 =	sne.s32 s3, $0x0  }
.Ltmp0:
0x9: {  	s1 =	rddreg [dreg:$0x2];
	s4 =	simm.s32 @!p0 $0x0;
	(pc) =	sbr.rel .LBB1_1-.Ltmp0, $4  }
0xa: {  	s11 =	simm.s32 $0x0;
	s3 =	rddreg [dreg:$0x1];
	s5 =	sadd.s32 s4, s5  }
0xb: {  	_ =	strace $0x8000004A;
	s4 =	simm.s32 $0x1;
	s5 =	smul.u32 $0xC8, s5  }
0xc: {  	s6 =	sadd.s32 $0x800, s6;
	s10 =	smov.u32 s2;
	[sflag:s4] =	ssyncpa.u1 $0x0  }
0xd: {  	p0 =	por $0x0, $0x0;
	[sflag:s7] =	ssyncpa.u1 $0x0;
	s7 =	sor.u32 $0x1, s5  }
.LBB1_4:
0xe: {  	s16 =	sshll.u32 s13, $0x3;
	s17 =	sand.u32 $0x78, s13  }
0xf: {  	s30 =	sand.u32 $0x7E00, s13;
	s12 =	sshll.u32 s12, $0xF;
	s16 =	sand.u32 $0xC00, s16  }
0x10: {  	[tilespmem:s15+$0x810 ss:$0x81] =	vst.msk $0xffff, v2;
	s31 =	sand.u32 $0x7, s13;
	s16 =	sor.u32 s17, s16;
	s17 =	sadd.s32 s3, s30  }
0x11: {  	[tilespmem:s15+$0x1020 ss:$0x81] =	vst.msk $0xffff, v0;
	s13 =	sshll.u32 s31, $0x12;
	s12 =	sadd.s32 s12, s17;
	s16 =	sshrl.u32 s16, $0x3  }
0x12: {  	[tilespmem:s15+$0x0 ss:$0x81] =	vst.msk $0xffff, v1;
	s13 =	sor.u32 $0x400, s13;
	s12 =	sadd.s32 s16, s12  }
0x13: {  	[hbm4b:s12+s13] =	stream.strided.scatter [tilespmem:s14], [sflag:$0x2], $0x2000, s8, s13, $0x20;
	[tilespmem:$0x8080] =	vst v63  }
.LBB1_5:
0x14: {  	s14 =	sadd.s32 $0x1, s9  }
0x15: {  	s12 =	sadd.s32 $0x1000, s10;
	s16 =	smov.u32 s10;
	p2 =	sgt.s32 s14, $0xC7  }
0x16: {  	s16 =	smov.u32 @p2 s12  }
0x17: {  	s14 =	simm.s32 @p2 $0x0;
	p2 =	sgt.s32 s16, $0xFFF  }
0x18: {  	s16 =	smov.u32 @p2 s2;
	p2 =	sne.s32 s11, s7  }
.Ltmp1:
0x19: {  	p1 =	slt.u32 s11, $0x2;
	(pc) =	sbr.rel @!p2 .LBB1_6-.Ltmp1, $4  }
0x1a: {  	s15 =	simm.s32 @!p1 $0x2  }
0x1b: {  	s13 =	smov.u32 s10;
	p0 =	por !p0, !p0;
	_ =	swait.ge @!p1 [sflag:s15], $0x2000  }
0x1c: {  	s12 =	smov.u32 s9;
	[sflag:s15] =	ssyncset.done @!p1 $0x0;
	s9 =	smov.u32 s14  }
0x1d: {  	s11 =	sadd.s32 $0x1, s11;
	[sflag:s15] =	ssyncadd.s32 @!p1 $0xFFFFE000;
	s10 =	smov.u32 s16  }
.LBB1_1:
0x1e: {  	p1 =	sge.u32 s11, s5  }
0x1f: {  	s14 =	sand.u32 @!p1 $0x1FFFFFF, s9  }
0x20: {  	s15 =	smulhi.u32 @!p1 $0x147AE15, s14;
	_ =	sdelay $0x1  }
0x21: {  	s15 =	smul.u32 @!p1 $0xC8, s15  }
0x22: {  	s16 =	sxor.u32 @!p1 $0xFFFFFFFF, s11;
	s17 =	smul.u32 @!p1 $0xC80, s10  }
0x23: {  	s31 =	sadd.s32 $0xFFFFFFFF, s11;
	s16 =	sshll.u32 @!p1 s16, $0xD;
	s14 =	ssub.s32 @!p1 s14, s15  }
0x24: {  	s15 =	sand.u32 @!p1 $0x2000, s16;
	s16 =	sadd.s32 @!p1 s6, s17;
	s14 =	sshll.u32 @!p1 s14, $0x4  }
0x25: {  	s17 =	simm.s32 @!p1 $0x6400;
	s14 =	sadd.s32 @!p1 s14, s16;
	s16 =	simm.s32 @!p1 $0x40  }
0x26: {  	[tilespmem:s15], [sflag:$0x1] =	stream.strided.gather @!p1 [hbm4b:s14+s16], $0x2000, s17, s16, $0x38;
	[tilespmem:$0x8080] =	vst v63  }
0x27: {  	p1 =	sge.u32 s31, s5  }
.Ltmp2:
0x28: {  	_ = 	snop;
	(pc) =	sbr.rel @p1 .LBB1_5-.Ltmp2, $1  }
0x29: {  	_ =	sdelay $0x3  }
0x2a: {  	s14 =	simm.s32 $0x1  }
0x2b: {  	_ =	swait.ge [sflag:s4], $0x2000;
	s14 =	simm.s32 @!p0 $0x0  }
0x2c: {  	[sflag:s4] =	ssyncset.done $0x0;
	s15 =	sshll.u32 s14, $0xD  }
0x2d: {  	[sflag:s4] =	ssyncadd.s32 $0xFFFFE000;
	s18 =	sor.u32 $0x20, s15  }
0x2e: {  	s14 =	smul.u32 $0x8100, s14;
	v3 =	vld [tilespmem:s18+$0x10]  }
0x2f: {  	s30 =	sand.u32 $0x1, s11;
	v2 =	vld [tilespmem:s18+$0xFFFFFFF0]  }
0x30: {  	s15 =	smul.u32 $0x8100, s30;
	s14 =	sshrl.u32 s14, $0x2;
	v0 =	vld [tilespmem:s18+$0x0]  }
0x31: {  	v1 =	vld [tilespmem:s18+$0xFFFFFFE0];
	s16 =	sor.u32 $0x4000, s14  }
0x32: {  	s31 =	sshrl.u32 s15, $0x2;
	s15 =	sadd.s32 $0x0, s16  }
0x33: {  	s17 =	simm.s32 $0x4;
	s18 =	sadd.s32 $0x40, s18;
	s14 =	sor.u32 $0x4000, s31;
	[tilespmem:s15+$0x1830 ss:$0x81] =	vst.msk $0xffff, v3  }
.LBB1_3:
0x34: {  	v3 =	vld [tilespmem:s18+$0x10];
	p1 =	sne.s32 s17, $0x1FC;
	[tilespmem:s15+$0x810 ss:$0x81] =	vst.msk $0xffff, v2;
	s19 =	smov.u32 s17;
	s17 =	sadd.s32 $0x4, s17  }
.Ltmp3:
0x35: {  	v2 =	vld [tilespmem:s18+$0xFFFFFFF0];
	[tilespmem:s15+$0x1020 ss:$0x81] =	vst.msk $0xffff, v0;
	(pc) =	sbr.rel @p1 .LBB1_3-.Ltmp3, $4  }
0x36: {  	v0 =	vld [tilespmem:s18+$0x0];
	[tilespmem:s15+$0x0 ss:$0x81] =	vst.msk $0xffff, v1  }
0x37: {  	s15 =	sshra.s32 s19, $0x2;
	v1 =	vld [tilespmem:s18+$0xFFFFFFE0]  }
0x38: {  	s15 =	sadd.s32 s15, s16  }
0x39: {  	s18 =	sadd.s32 $0x40, s18;
	[tilespmem:s15+$0x1830 ss:$0x81] =	vst.msk $0xffff, v3  }
.Ltmp4:
0x3a: {  	_ = 	snop;
	(pc) =	sbr.rel .LBB1_4-.Ltmp4, $1  }
0x3b: {  	_ =	sdelay $0x3  }
.LBB1_6:
0x3c: {  	_ =	sfence.sel $0x180000  }
0x3d: {  	s2 =	simm.s32 $0x1;
	[bflag:$0x0] =	sbarrier.arrive $0xFFFF  }
0x3e: {  	s31 =	simm.s32 $0x2;
	[sflag:s2] =	ssyncpa.u1 $0x1  }
0x3f: {  	[sflag:s31] =	ssyncpa.u1 $0x1  }
0x40: {  	p0 =	sne.s32 s0, $0x0;
	_ =	strace $0x9000004A  }
0x41: {  	s0 =	sadd.s32 @!p0 $0x100000, s1;
	[bflag:$0x2] =	sbarrier.arrive $0xFFFF  }
0x42: {  	[sflag:s0] =	ssyncadd.tile.s32 @!p0 $0x1;
	_ =	shalt  }
.Lfunc_end1:
_tile_overlayer_lowered:
.L_overlay_start_2:
0x43: {  	(tag) =	ssettag $0x2  }
0x44: {  	s0 =	rddreg [dreg:$0x0];
	s2 =	stileid.u32  }
0x45: {  	s1 =	rddreg [dreg:$0x1];
	p0 =	sne.s32 s2, $0x0  }
0x46: {  	s3 =	rddreg [dreg:$0x2];
	[bflag:$0x3] =	sbarrier.arrive $0xFFFF;
	s2 =	simm.s32 @!p0 $0x1C01  }
0x47: {  	[timem:s3], [sflag:s2] =	dma.local @!p0 [hbm:s0], s1  }
0x48: {  	s0 =	simm.s32 @!p0 $0x1  }
0x49: {  	_ =	swait.ge @!p0 [sflag:s0], s1  }
0x4a: {  	s1 =	ssub.s32 @!p0 $0x0, s1;
	[sflag:s0] =	ssyncset.done @!p0 $0x0  }
0x4b: {  	[sflag:s0] =	ssyncadd.s32 @!p0 s1  }
0x4c: {  	[bflag:$0x3] =	sbarrier.arrive $0xFFFF  }
0x4d: {  	_ =	shalt  }

</sc_bundles>
